<compile_context>
chip_gen: v7x
topology: tpu7x:2x2x1
jax: 0.10.2.dev20260603
libtpu: 0.0.44.dev20260713+nightly
codegen_flags: <defaults>
</compile_context>

<pallas_src>
import functools

import jax
import jax.numpy as jnp
from jax import lax
from jax.experimental import pallas as pl
from jax.experimental.pallas import tpu as pltpu
from jax.experimental.pallas import tpu_sc as plsc

N = 10000
E = 320000
D = 128

NC = 2
NS = 16
NW = NC * NS
EPW = E // NW
C = 80
FULL = EPW // C
NPAD = 10240
RPT = NPAD // NS
CPT = NPAD // NS

_mesh = plsc.VectorSubcoreMesh(core_axis_name="c", subcore_axis_name="s")


def _make_sc_agg(with_cnt: bool):
  out_type = [jax.ShapeDtypeStruct((NC, NPAD, D), jnp.float32)]
  if with_cnt:
    out_type.append(jax.ShapeDtypeStruct((NC, NPAD), jnp.float32))
  NB = 4
  scratch = []
  for _ in range(NB):
    scratch += [
        pltpu.VMEM((C,), jnp.int32),
        pltpu.VMEM((C,), jnp.int32),
        pltpu.VMEM((C, D), jnp.float32),
        pltpu.SemaphoreType.DMA,
        pltpu.SemaphoreType.DMA,
        pltpu.SemaphoreType.DMA,
    ]
  scratch += [
      pltpu.VMEM_SHARED((NPAD, D), jnp.float32),
  ]
  if with_cnt:
    scratch += [
        pltpu.VMEM((C,), jnp.float32),
        pltpu.VMEM_SHARED((NPAD,), jnp.float32),
    ]

  NTB = NB * 6

  def body(src_hbm, dst_hbm, x_hbm, zrows_hbm, *rest):
    if with_cnt:
      zcnt_hbm, p_hbm, cnt_hbm = rest[:3]
      rest = rest[3:]
      ones, cacc = rest[NTB + 1:]
    else:
      p_hbm = rest[0]
      rest = rest[1:]
    bufs = tuple(tuple(rest[i * 6:i * 6 + 6]) for i in range(NB))
    acc = rest[NTB]
    c = lax.axis_index("c")
    s = lax.axis_index("s")
    wid = c * NS + s
    base = wid * EPW

    def idx_start(k, b):
      off = base + k * C
      pltpu.async_copy(src_hbm.at[pl.ds(off, C)], b[0], b[3])
      pltpu.async_copy(dst_hbm.at[pl.ds(off, C)], b[1], b[3])

    def idx_wait(k, b):
      off = base + k * C
      pltpu.make_async_copy(src_hbm.at[pl.ds(off, C)], b[0], b[3]).wait()
      pltpu.make_async_copy(dst_hbm.at[pl.ds(off, C)], b[1], b[3]).wait()

    def gather_start(b):
      pltpu.async_copy(x_hbm.at[b[0]], b[2], b[4])

    def gather_wait(b):
      pltpu.make_async_copy(x_hbm.at[b[0]], b[2], b[4]).wait()

    def scatter_start(b):
      pltpu.async_copy(b[2], acc.at[b[1]], b[5], add=True)
      if with_cnt:
        pltpu.async_copy(ones, cacc.at[b[1]], b[5], add=True)

    def scatter_wait(b):
      pltpu.make_async_copy(b[2], acc.at[b[1]], b[5]).wait()
      if with_cnt:
        pltpu.make_async_copy(ones, cacc.at[b[1]], b[5]).wait()

    row0 = s * RPT
    pltpu.sync_copy(zrows_hbm, acc.at[pl.ds(row0, RPT)])
    if with_cnt:
      pltpu.sync_copy(zcnt_hbm.at[pl.ds(s * CPT, CPT)],
                      cacc.at[pl.ds(s * CPT, CPT)])
      for j in range(C // 16):
        ones[pl.ds(j * 16, 16)] = jnp.ones((16,), jnp.float32)
    plsc.subcore_barrier()

    def steady(k, j):
      idx_wait(k, bufs[j])
      gather_start(bufs[j])
      scatter_wait(bufs[(j - 2) % NB])
      idx_start(k + 2, bufs[(j - 2) % NB])
      gather_wait(bufs[(j - 1) % NB])
      scatter_start(bufs[(j - 1) % NB])

    idx_start(0, bufs[0])
    idx_start(1, bufs[1])
    idx_wait(0, bufs[0])
    gather_start(bufs[0])
    idx_start(2, bufs[2])
    idx_wait(1, bufs[1])
    gather_start(bufs[1])
    idx_start(3, bufs[3])
    gather_wait(bufs[0])
    scatter_start(bufs[0])

    G, R = divmod(FULL - 4, NB)

    def group(i, carry):
      for j4 in range(NB):
        steady(2 + NB * i + j4, (2 + j4) % NB)
      return carry

    lax.fori_loop(0, G, group, 0)
    for r in range(R):
      k = 2 + NB * G + r
      steady(k, k % NB)

    kf = FULL - 2
    idx_wait(kf, bufs[kf % NB])
    gather_start(bufs[kf % NB])
    scatter_wait(bufs[(kf - 2) % NB])
    gather_wait(bufs[(kf - 1) % NB])
    scatter_start(bufs[(kf - 1) % NB])

    kf = FULL - 1
    idx_wait(kf, bufs[kf % NB])
    gather_start(bufs[kf % NB])
    scatter_wait(bufs[(kf - 2) % NB])
    gather_wait(bufs[(kf - 1) % NB])
    scatter_start(bufs[(kf - 1) % NB])

    gather_wait(bufs[(FULL - 1) % NB])
    scatter_start(bufs[(FULL - 1) % NB])
    scatter_wait(bufs[(FULL - 2) % NB])
    scatter_wait(bufs[(FULL - 1) % NB])

    plsc.subcore_barrier()

    pltpu.sync_copy(acc.at[pl.ds(row0, RPT)], p_hbm.at[c, pl.ds(row0, RPT)])
    if with_cnt:
      pltpu.sync_copy(cacc.at[pl.ds(s * CPT, CPT)],
                      cnt_hbm.at[c, pl.ds(s * CPT, CPT)])

  return pl.kernel(body, out_type=out_type, mesh=_mesh,
                   scratch_types=scratch)


_sc_agg_cnt = _make_sc_agg(True)
_sc_agg = _make_sc_agg(False)


_DNT = (((1,), (1,)), ((), ()))


def _dense(p, cnt, xin, wl, wr, bl, g, b, relu):
  def body(p_ref, cnt_ref, x_ref, wl_ref, wr_ref, bl_ref, g_ref, b_ref, o_ref):
    agg = p_ref[0, :N] + p_ref[1, :N]
    cv = cnt_ref[0] + cnt_ref[1]
    inv = 1.0 / jnp.maximum(jnp.reshape(cv, (NPAD, 1))[:N], 1.0)
    mean = agg * inv
    t = (lax.dot_general(mean, wl_ref[...], _DNT,
                         preferred_element_type=jnp.float32)
         + lax.dot_general(x_ref[...], wr_ref[...], _DNT,
                           preferred_element_type=jnp.float32)
         + bl_ref[...])
    mu = jnp.mean(t, axis=0, keepdims=True)
    var = jnp.mean((t - mu) ** 2, axis=0, keepdims=True)
    h = (t - mu) * lax.rsqrt(var + 1e-5) * g_ref[...] + b_ref[...]
    if relu:
      h = jnp.maximum(h, 0.0)
    o_ref[...] = h

  return pl.pallas_call(
      body, out_shape=jax.ShapeDtypeStruct((N, D), jnp.float32),
  )(p, cnt, xin, wl, wr, bl, g, b)


def kernel(x, edge_index, Wl1, bl1, Wr1, g1, b1, Wl2, bl2, Wr2, g2, b2):
  src = edge_index[0]
  dst = edge_index[1]
  zrows = jnp.zeros((RPT, D), jnp.float32)
  zcnt = jnp.zeros((NPAD,), jnp.float32)

  p1, cnt = _sc_agg_cnt(src, dst, x, zrows, zcnt)

  h = _dense(p1, cnt, x, Wl1, Wr1, bl1, g1, b1, relu=True)
  (p2,) = _sc_agg(src, dst, h, zrows)
  out = _dense(p2, cnt, h, Wl2, Wr2, bl2, g2, b2, relu=False)
  return out

# --- scband reference (transcript-rebuilt; emitter-appended) ---
"""Pipeline reference for scband-embedder-gnnv2-46445776339648 (READ-ONLY COPY).

The authoritative reference and input builder live on the scoring server;
editing this copy changes nothing except your own understanding.
"""

import jax, jax.numpy as jnp
import numpy as np

N = 10000
E = 320000
D = 128

def setup_inputs(seed: int = 0) -> dict:
    key = jax.random.key(seed)
    ks = jax.random.split(key, 12)
    s = 1.0 / np.sqrt(D)
    x = jax.random.normal(ks[0], (N, D), dtype=jnp.float32)
    edge_index = jax.random.randint(ks[1], (2, E), 0, N, dtype=jnp.int32)
    Wl1 = jax.random.normal(ks[2], (D, D), dtype=jnp.float32) * s
    bl1 = jnp.zeros((D,), dtype=jnp.float32)
    Wr1 = jax.random.normal(ks[3], (D, D), dtype=jnp.float32) * s
    g1 = jnp.ones((D,), dtype=jnp.float32)
    b1 = jnp.zeros((D,), dtype=jnp.float32)
    Wl2 = jax.random.normal(ks[4], (D, D), dtype=jnp.float32) * s
    bl2 = jnp.zeros((D,), dtype=jnp.float32)
    Wr2 = jax.random.normal(ks[5], (D, D), dtype=jnp.float32) * s
    g2 = jnp.ones((D,), dtype=jnp.float32)
    b2 = jnp.zeros((D,), dtype=jnp.float32)
    return {"x": x, "edge_index": edge_index, "Wl1": Wl1, "bl1": bl1, "Wr1": Wr1, "g1": g1, "b1": b1, "Wl2": Wl2, "bl2": bl2, "Wr2": Wr2, "g2": g2, "b2": b2}

def _sage_conv(x, edge_index, Wl, bl, Wr):
    # PyG SAGEConv(aggr='mean'): out = lin_l(mean_{j in N(i)} x_j) + lin_r(x_i)
    src = edge_index[0]
    dst = edge_index[1]
    n = x.shape[0]
    msg = jnp.take(x, src, axis=0)
    agg = jax.ops.segment_sum(msg, dst, num_segments=n)
    cnt = jax.ops.segment_sum(jnp.ones((edge_index.shape[1],), dtype=x.dtype), dst, num_segments=n)
    mean = agg / jnp.maximum(cnt, 1.0)[:, None]
    return mean @ Wl.T + bl + x @ Wr.T

def _batch_norm(x, g, b, eps=1e-5):
    mu = jnp.mean(x, axis=0)
    var = jnp.var(x, axis=0)
    return (x - mu) / jnp.sqrt(var + eps) * g + b

def reference(x, edge_index, Wl1, bl1, Wr1, g1, b1, Wl2, bl2, Wr2, g2, b2):
    h = _sage_conv(x, edge_index, Wl1, bl1, Wr1)
    h = _batch_norm(h, g1, b1)
    h = jax.nn.relu(h)
    # dropout is identity in eval/reference mode
    h = _sage_conv(h, edge_index, Wl2, bl2, Wr2)
    h = _batch_norm(h, g2, b2)
    return h

if __name__ == "__main__":
    import jax
    _d = setup_inputs()
    print(jax.jit(kernel)(*tuple(_d.values())))

</pallas_src>

<mosaic_0001>
#map = affine_map<(d0, d1) -> (0)>
#map1 = affine_map<(d0, d1) -> (0, 0)>
#map2 = affine_map<(d0, d1) -> (0, 0, 0)>
module attributes {stable_mosaic.version = 14 : i64} {
  func.func @body(%arg0: i32, %arg1: i32, %arg2: memref<320000xi32, #tpu.memory_space<hbm>>, %arg3: memref<320000xi32, #tpu.memory_space<hbm>>, %arg4: memref<10000x128xf32, #tpu.memory_space<hbm>>, %arg5: memref<640x128xf32, #tpu.memory_space<hbm>>, %arg6: memref<2x10240x128xf32, #tpu.memory_space<hbm>>, %arg7: memref<80xi32, #tpu.memory_space<vmem>>, %arg8: memref<80xi32, #tpu.memory_space<vmem>>, %arg9: memref<80x128xf32, #tpu.memory_space<vmem>>, %arg10: memref<!tpu.dma_semaphore, #tpu.memory_space<semaphore_mem>>, %arg11: memref<!tpu.dma_semaphore, #tpu.memory_space<semaphore_mem>>, %arg12: memref<!tpu.dma_semaphore, #tpu.memory_space<semaphore_mem>>, %arg13: memref<80xi32, #tpu.memory_space<vmem>>, %arg14: memref<80xi32, #tpu.memory_space<vmem>>, %arg15: memref<80x128xf32, #tpu.memory_space<vmem>>, %arg16: memref<!tpu.dma_semaphore, #tpu.memory_space<semaphore_mem>>, %arg17: memref<!tpu.dma_semaphore, #tpu.memory_space<semaphore_mem>>, %arg18: memref<!tpu.dma_semaphore, #tpu.memory_space<semaphore_mem>>, %arg19: memref<80xi32, #tpu.memory_space<vmem>>, %arg20: memref<80xi32, #tpu.memory_space<vmem>>, %arg21: memref<80x128xf32, #tpu.memory_space<vmem>>, %arg22: memref<!tpu.dma_semaphore, #tpu.memory_space<semaphore_mem>>, %arg23: memref<!tpu.dma_semaphore, #tpu.memory_space<semaphore_mem>>, %arg24: memref<!tpu.dma_semaphore, #tpu.memory_space<semaphore_mem>>, %arg25: memref<80xi32, #tpu.memory_space<vmem>>, %arg26: memref<80xi32, #tpu.memory_space<vmem>>, %arg27: memref<80x128xf32, #tpu.memory_space<vmem>>, %arg28: memref<!tpu.dma_semaphore, #tpu.memory_space<semaphore_mem>>, %arg29: memref<!tpu.dma_semaphore, #tpu.memory_space<semaphore_mem>>, %arg30: memref<!tpu.dma_semaphore, #tpu.memory_space<semaphore_mem>>, %arg31: memref<10240x128xf32, #tpu.memory_space<vmem_shared>>) attributes {dimension_semantics = [#tpu.dimension_semantics<core_parallel>, #tpu.dimension_semantics<subcore_parallel>], iteration_bounds = array<i64: 2, 16>, scalar_prefetch = 0 : i64, scratch_operands = 25 : i64, tpu.core_type = #tpu.core_type<sc_vector_subcore>, window_params = [{transform_indices = #map}, {transform_indices = #map}, {transform_indices = #map1}, {transform_indices = #map1}, {transform_indices = #map2}]} {
    %mul3A = arith.constant 16 : i32
    %mul3A_0 = arith.muli %arg0, %mul3A : i32
    %add3A = arith.addi %mul3A_0, %arg1 : i32
    %mul3A_1 = arith.constant 10000 : i32
    %mul3A_2 = arith.muli %add3A, %mul3A_1 : i32
    %mul3A_3 = arith.constant 640 : i32
    %mul3A_4 = arith.muli %arg1, %mul3A_3 : i32
    "tpu.region"() ({
      %run_scoped3A = tpu.sem_alloc : memref<!tpu.dma_semaphore, #tpu.memory_space<semaphore_mem>>
      %dma_start3A_129 = arith.constant 0 : i32
      %dma_start3A_130 = tpu.memref_slice %arg31[%mul3A_4, %dma_start3A_129] : memref<10240x128xf32, #tpu.memory_space<vmem_shared>> -> memref<640x128xf32, #tpu.memory_space<vmem_shared>>
      tpu.enqueue_dma source(%arg5 : memref<640x128xf32, #tpu.memory_space<hbm>>) target(%dma_start3A_130 : memref<640x128xf32, #tpu.memory_space<vmem_shared>>) target_semaphore(%run_scoped3A : memref<!tpu.dma_semaphore, #tpu.memory_space<semaphore_mem>>)
      %dma_wait3A_131 = arith.constant 0 : i32
      %dma_wait3A_132 = tpu.memref_slice %arg31[%mul3A_4, %dma_wait3A_131] : memref<10240x128xf32, #tpu.memory_space<vmem_shared>> -> memref<640x128xf32, #tpu.memory_space<vmem_shared>>
      tpu.wait_dma2 semaphore(%run_scoped3A : memref<!tpu.dma_semaphore, #tpu.memory_space<semaphore_mem>>) src(%arg5 : memref<640x128xf32, #tpu.memory_space<hbm>>) dst(%dma_wait3A_132 : memref<640x128xf32, #tpu.memory_space<vmem_shared>>)
      tpu.yield
    }) : () -> ()
    %barrier3A = arith.constant 0 : index
    tpu.barrier barrier_id(%barrier3A)
    %add3A_5 = arith.constant 0 : i32
    %add3A_6 = arith.addi %mul3A_2, %add3A_5 : i32
    %dma_start3A = tpu.memref_slice %arg2[%add3A_6] : memref<320000xi32, #tpu.memory_space<hbm>> -> memref<80xi32, #tpu.memory_space<hbm>>
    %dma_start3A_7 = tpu.memref_slice %arg2[%add3A_6] : memref<320000xi32, #tpu.memory_space<hbm>> -> memref<80xi32, #tpu.memory_space<hbm>>
    tpu.enqueue_dma source(%dma_start3A_7 : memref<80xi32, #tpu.memory_space<hbm>>) target(%arg7 : memref<80xi32, #tpu.memory_space<vmem>>) target_semaphore(%arg10 : memref<!tpu.dma_semaphore, #tpu.memory_space<semaphore_mem>>)
    %dma_start3A_8 = tpu.memref_slice %arg3[%add3A_6] : memref<320000xi32, #tpu.memory_space<hbm>> -> memref<80xi32, #tpu.memory_space<hbm>>
    %dma_start3A_9 = tpu.memref_slice %arg3[%add3A_6] : memref<320000xi32, #tpu.memory_space<hbm>> -> memref<80xi32, #tpu.memory_space<hbm>>
    tpu.enqueue_dma source(%dma_start3A_9 : memref<80xi32, #tpu.memory_space<hbm>>) target(%arg8 : memref<80xi32, #tpu.memory_space<vmem>>) target_semaphore(%arg10 : memref<!tpu.dma_semaphore, #tpu.memory_space<semaphore_mem>>)
    %add3A_10 = arith.constant 80 : i32
    %add3A_11 = arith.addi %mul3A_2, %add3A_10 : i32
    %dma_start3A_12 = tpu.memref_slice %arg2[%add3A_11] : memref<320000xi32, #tpu.memory_space<hbm>> -> memref<80xi32, #tpu.memory_space<hbm>>
    %dma_start3A_13 = tpu.memref_slice %arg2[%add3A_11] : memref<320000xi32, #tpu.memory_space<hbm>> -> memref<80xi32, #tpu.memory_space<hbm>>
    tpu.enqueue_dma source(%dma_start3A_13 : memref<80xi32, #tpu.memory_space<hbm>>) target(%arg13 : memref<80xi32, #tpu.memory_space<vmem>>) target_semaphore(%arg16 : memref<!tpu.dma_semaphore, #tpu.memory_space<semaphore_mem>>)
    %dma_start3A_14 = tpu.memref_slice %arg3[%add3A_11] : memref<320000xi32, #tpu.memory_space<hbm>> -> memref<80xi32, #tpu.memory_space<hbm>>
    %dma_start3A_15 = tpu.memref_slice %arg3[%add3A_11] : memref<320000xi32, #tpu.memory_space<hbm>> -> memref<80xi32, #tpu.memory_space<hbm>>
    tpu.enqueue_dma source(%dma_start3A_15 : memref<80xi32, #tpu.memory_space<hbm>>) target(%arg14 : memref<80xi32, #tpu.memory_space<vmem>>) target_semaphore(%arg16 : memref<!tpu.dma_semaphore, #tpu.memory_space<semaphore_mem>>)
    %add3A_16 = arith.constant 0 : i32
    %add3A_17 = arith.addi %mul3A_2, %add3A_16 : i32
    %dma_wait3A = tpu.memref_slice %arg2[%add3A_17] : memref<320000xi32, #tpu.memory_space<hbm>> -> memref<80xi32, #tpu.memory_space<hbm>>
    %dma_wait3A_18 = tpu.memref_slice %arg2[%add3A_17] : memref<320000xi32, #tpu.memory_space<hbm>> -> memref<80xi32, #tpu.memory_space<hbm>>
    tpu.wait_dma2 semaphore(%arg10 : memref<!tpu.dma_semaphore, #tpu.memory_space<semaphore_mem>>) src(%dma_wait3A_18 : memref<80xi32, #tpu.memory_space<hbm>>) dst(%arg7 : memref<80xi32, #tpu.memory_space<vmem>>)
    %dma_wait3A_19 = tpu.memref_slice %arg3[%add3A_17] : memref<320000xi32, #tpu.memory_space<hbm>> -> memref<80xi32, #tpu.memory_space<hbm>>
    %dma_wait3A_20 = tpu.memref_slice %arg3[%add3A_17] : memref<320000xi32, #tpu.memory_space<hbm>> -> memref<80xi32, #tpu.memory_space<hbm>>
    tpu.wait_dma2 semaphore(%arg10 : memref<!tpu.dma_semaphore, #tpu.memory_space<semaphore_mem>>) src(%dma_wait3A_20 : memref<80xi32, #tpu.memory_space<hbm>>) dst(%arg8 : memref<80xi32, #tpu.memory_space<vmem>>)
    %dma_start3A_21 = arith.constant 0 : i32
    %dma_start3A_22 = arith.constant 0 : i32
    %dma_start3A_23 = tpu.memref_slice %arg4[%dma_start3A_21, %dma_start3A_22] : memref<10000x128xf32, #tpu.memory_space<hbm>> -> memref<10000x128xf32, #tpu.memory_space<hbm>>
    tpu.enqueue_indirect_dma source(%dma_start3A_23 : memref<10000x128xf32, #tpu.memory_space<hbm>>) target(%arg9 : memref<80x128xf32, #tpu.memory_space<vmem>>) offsets(%arg7 : memref<80xi32, #tpu.memory_space<vmem>>) semaphore(%arg11 : memref<!tpu.dma_semaphore, #tpu.memory_space<semaphore_mem>>)
    %add3A_24 = arith.constant 160 : i32
    %add3A_25 = arith.addi %mul3A_2, %add3A_24 : i32
    %dma_start3A_26 = tpu.memref_slice %arg2[%add3A_25] : memref<320000xi32, #tpu.memory_space<hbm>> -> memref<80xi32, #tpu.memory_space<hbm>>
    %dma_start3A_27 = tpu.memref_slice %arg2[%add3A_25] : memref<320000xi32, #tpu.memory_space<hbm>> -> memref<80xi32, #tpu.memory_space<hbm>>
    tpu.enqueue_dma source(%dma_start3A_27 : memref<80xi32, #tpu.memory_space<hbm>>) target(%arg19 : memref<80xi32, #tpu.memory_space<vmem>>) target_semaphore(%arg22 : memref<!tpu.dma_semaphore, #tpu.memory_space<semaphore_mem>>)
    %dma_start3A_28 = tpu.memref_slice %arg3[%add3A_25] : memref<320000xi32, #tpu.memory_space<hbm>> -> memref<80xi32, #tpu.memory_space<hbm>>
    %dma_start3A_29 = tpu.memref_slice %arg3[%add3A_25] : memref<320000xi32, #tpu.memory_space<hbm>> -> memref<80xi32, #tpu.memory_space<hbm>>
    tpu.enqueue_dma source(%dma_start3A_29 : memref<80xi32, #tpu.memory_space<hbm>>) target(%arg20 : memref<80xi32, #tpu.memory_space<vmem>>) target_semaphore(%arg22 : memref<!tpu.dma_semaphore, #tpu.memory_space<semaphore_mem>>)
    %add3A_30 = arith.constant 80 : i32
    %add3A_31 = arith.addi %mul3A_2, %add3A_30 : i32
    %dma_wait3A_32 = tpu.memref_slice %arg2[%add3A_31] : memref<320000xi32, #tpu.memory_space<hbm>> -> memref<80xi32, #tpu.memory_space<hbm>>
    %dma_wait3A_33 = tpu.memref_slice %arg2[%add3A_31] : memref<320000xi32, #tpu.memory_space<hbm>> -> memref<80xi32, #tpu.memory_space<hbm>>
    tpu.wait_dma2 semaphore(%arg16 : memref<!tpu.dma_semaphore, #tpu.memory_space<semaphore_mem>>) src(%dma_wait3A_33 : memref<80xi32, #tpu.memory_space<hbm>>) dst(%arg13 : memref<80xi32, #tpu.memory_space<vmem>>)
    %dma_wait3A_34 = tpu.memref_slice %arg3[%add3A_31] : memref<320000xi32, #tpu.memory_space<hbm>> -> memref<80xi32, #tpu.memory_space<hbm>>
    %dma_wait3A_35 = tpu.memref_slice %arg3[%add3A_31] : memref<320000xi32, #tpu.memory_space<hbm>> -> memref<80xi32, #tpu.memory_space<hbm>>
    tpu.wait_dma2 semaphore(%arg16 : memref<!tpu.dma_semaphore, #tpu.memory_space<semaphore_mem>>) src(%dma_wait3A_35 : memref<80xi32, #tpu.memory_space<hbm>>) dst(%arg14 : memref<80xi32, #tpu.memory_space<vmem>>)
    %dma_start3A_36 = arith.constant 0 : i32
    %dma_start3A_37 = arith.constant 0 : i32
    %dma_start3A_38 = tpu.memref_slice %arg4[%dma_start3A_36, %dma_start3A_37] : memref<10000x128xf32, #tpu.memory_space<hbm>> -> memref<10000x128xf32, #tpu.memory_space<hbm>>
    tpu.enqueue_indirect_dma source(%dma_start3A_38 : memref<10000x128xf32, #tpu.memory_space<hbm>>) target(%arg15 : memref<80x128xf32, #tpu.memory_space<vmem>>) offsets(%arg13 : memref<80xi32, #tpu.memory_space<vmem>>) semaphore(%arg17 : memref<!tpu.dma_semaphore, #tpu.memory_space<semaphore_mem>>)
    %add3A_39 = arith.constant 240 : i32
    %add3A_40 = arith.addi %mul3A_2, %add3A_39 : i32
    %dma_start3A_41 = tpu.memref_slice %arg2[%add3A_40] : memref<320000xi32, #tpu.memory_space<hbm>> -> memref<80xi32, #tpu.memory_space<hbm>>
    %dma_start3A_42 = tpu.memref_slice %arg2[%add3A_40] : memref<320000xi32, #tpu.memory_space<hbm>> -> memref<80xi32, #tpu.memory_space<hbm>>
    tpu.enqueue_dma source(%dma_start3A_42 : memref<80xi32, #tpu.memory_space<hbm>>) target(%arg25 : memref<80xi32, #tpu.memory_space<vmem>>) target_semaphore(%arg28 : memref<!tpu.dma_semaphore, #tpu.memory_space<semaphore_mem>>)
    %dma_start3A_43 = tpu.memref_slice %arg3[%add3A_40] : memref<320000xi32, #tpu.memory_space<hbm>> -> memref<80xi32, #tpu.memory_space<hbm>>
    %dma_start3A_44 = tpu.memref_slice %arg3[%add3A_40] : memref<320000xi32, #tpu.memory_space<hbm>> -> memref<80xi32, #tpu.memory_space<hbm>>
    tpu.enqueue_dma source(%dma_start3A_44 : memref<80xi32, #tpu.memory_space<hbm>>) target(%arg26 : memref<80xi32, #tpu.memory_space<vmem>>) target_semaphore(%arg28 : memref<!tpu.dma_semaphore, #tpu.memory_space<semaphore_mem>>)
    %dma_wait3A_45 = arith.constant 0 : i32
    %dma_wait3A_46 = arith.constant 0 : i32
    %dma_wait3A_47 = tpu.memref_slice %arg4[%dma_wait3A_45, %dma_wait3A_46] : memref<10000x128xf32, #tpu.memory_space<hbm>> -> memref<10000x128xf32, #tpu.memory_space<hbm>>
    tpu.wait_indirect_dma semaphore(%arg11 : memref<!tpu.dma_semaphore, #tpu.memory_space<semaphore_mem>>) src(%dma_wait3A_47 : memref<10000x128xf32, #tpu.memory_space<hbm>>) dst(%arg9 : memref<80x128xf32, #tpu.memory_space<vmem>>)
    %dma_start3A_48 = arith.constant 0 : i32
    %dma_start3A_49 = arith.constant 0 : i32
    %dma_start3A_50 = tpu.memref_slice %arg31[%dma_start3A_48, %dma_start3A_49] : memref<10240x128xf32, #tpu.memory_space<vmem_shared>> -> memref<10240x128xf32, #tpu.memory_space<vmem_shared>>
    tpu.enqueue_indirect_dma source(%arg9 : memref<80x128xf32, #tpu.memory_space<vmem>>) target(%dma_start3A_50 : memref<10240x128xf32, #tpu.memory_space<vmem_shared>>) offsets(%arg8 : memref<80xi32, #tpu.memory_space<vmem>>) semaphore(%arg12 : memref<!tpu.dma_semaphore, #tpu.memory_space<semaphore_mem>>) {add = true}
    %scan3A = arith.constant 0 : i32
    %scan3A_51 = arith.constant 0 : i32
    %scan3A_52 = arith.constant 30 : i32
    %scan3A_53 = arith.addi %scan3A_51, %scan3A_52 : i32
    %scan3A_54 = arith.constant 1 : i32
    scf.for %scan3A_129 = %scan3A_51 to %scan3A_53 step %scan3A_54  : i32 {
      %mul3A_130 = arith.constant 4 : i32
      %mul3A_131 = arith.muli %mul3A_130, %scan3A_129 : i32
      %add3A_132 = arith.constant 2 : i32
      %add3A_133 = arith.addi %add3A_132, %mul3A_131 : i32
      %add3A_134 = arith.constant 0 : i32
      %add3A_135 = arith.addi %add3A_133, %add3A_134 : i32
      %mul3A_136 = arith.constant 80 : i32
      %mul3A_137 = arith.muli %add3A_135, %mul3A_136 : i32
      %add3A_138 = arith.addi %mul3A_2, %mul3A_137 : i32
      %dma_wait3A_139 = tpu.memref_slice %arg2[%add3A_138] : memref<320000xi32, #tpu.memory_space<hbm>> -> memref<80xi32, #tpu.memory_space<hbm>>
      %dma_wait3A_140 = tpu.memref_slice %arg2[%add3A_138] : memref<320000xi32, #tpu.memory_space<hbm>> -> memref<80xi32, #tpu.memory_space<hbm>>
      tpu.wait_dma2 semaphore(%arg22 : memref<!tpu.dma_semaphore, #tpu.memory_space<semaphore_mem>>) src(%dma_wait3A_140 : memref<80xi32, #tpu.memory_space<hbm>>) dst(%arg19 : memref<80xi32, #tpu.memory_space<vmem>>)
      %dma_wait3A_141 = tpu.memref_slice %arg3[%add3A_138] : memref<320000xi32, #tpu.memory_space<hbm>> -> memref<80xi32, #tpu.memory_space<hbm>>
      %dma_wait3A_142 = tpu.memref_slice %arg3[%add3A_138] : memref<320000xi32, #tpu.memory_space<hbm>> -> memref<80xi32, #tpu.memory_space<hbm>>
      tpu.wait_dma2 semaphore(%arg22 : memref<!tpu.dma_semaphore, #tpu.memory_space<semaphore_mem>>) src(%dma_wait3A_142 : memref<80xi32, #tpu.memory_space<hbm>>) dst(%arg20 : memref<80xi32, #tpu.memory_space<vmem>>)
      %dma_start3A_143 = arith.constant 0 : i32
      %dma_start3A_144 = arith.constant 0 : i32
      %dma_start3A_145 = tpu.memref_slice %arg4[%dma_start3A_143, %dma_start3A_144] : memref<10000x128xf32, #tpu.memory_space<hbm>> -> memref<10000x128xf32, #tpu.memory_space<hbm>>
      tpu.enqueue_indirect_dma source(%dma_start3A_145 : memref<10000x128xf32, #tpu.memory_space<hbm>>) target(%arg21 : memref<80x128xf32, #tpu.memory_space<vmem>>) offsets(%arg19 : memref<80xi32, #tpu.memory_space<vmem>>) semaphore(%arg23 : memref<!tpu.dma_semaphore, #tpu.memory_space<semaphore_mem>>)
      %dma_wait3A_146 = arith.constant 0 : i32
      %dma_wait3A_147 = arith.constant 0 : i32
      %dma_wait3A_148 = tpu.memref_slice %arg31[%dma_wait3A_146, %dma_wait3A_147] : memref<10240x128xf32, #tpu.memory_space<vmem_shared>> -> memref<10240x128xf32, #tpu.memory_space<vmem_shared>>
      tpu.wait_indirect_dma semaphore(%arg12 : memref<!tpu.dma_semaphore, #tpu.memory_space<semaphore_mem>>) src(%arg9 : memref<80x128xf32, #tpu.memory_space<vmem>>) dst(%dma_wait3A_148 : memref<10240x128xf32, #tpu.memory_space<vmem_shared>>)
      %add3A_149 = arith.constant 2 : i32
      %add3A_150 = arith.addi %add3A_135, %add3A_149 : i32
      %mul3A_151 = arith.constant 80 : i32
      %mul3A_152 = arith.muli %add3A_150, %mul3A_151 : i32
      %add3A_153 = arith.addi %mul3A_2, %mul3A_152 : i32
      %dma_start3A_154 = tpu.memref_slice %arg2[%add3A_153] : memref<320000xi32, #tpu.memory_space<hbm>> -> memref<80xi32, #tpu.memory_space<hbm>>
      %dma_start3A_155 = tpu.memref_slice %arg2[%add3A_153] : memref<320000xi32, #tpu.memory_space<hbm>> -> memref<80xi32, #tpu.memory_space<hbm>>
      tpu.enqueue_dma source(%dma_start3A_155 : memref<80xi32, #tpu.memory_space<hbm>>) target(%arg7 : memref<80xi32, #tpu.memory_space<vmem>>) target_semaphore(%arg10 : memref<!tpu.dma_semaphore, #tpu.memory_space<semaphore_mem>>)
      %dma_start3A_156 = tpu.memref_slice %arg3[%add3A_153] : memref<320000xi32, #tpu.memory_space<hbm>> -> memref<80xi32, #tpu.memory_space<hbm>>
      %dma_start3A_157 = tpu.memref_slice %arg3[%add3A_153] : memref<320000xi32, #tpu.memory_space<hbm>> -> memref<80xi32, #tpu.memory_space<hbm>>
      tpu.enqueue_dma source(%dma_start3A_157 : memref<80xi32, #tpu.memory_space<hbm>>) target(%arg8 : memref<80xi32, #tpu.memory_space<vmem>>) target_semaphore(%arg10 : memref<!tpu.dma_semaphore, #tpu.memory_space<semaphore_mem>>)
      %dma_wait3A_158 = arith.constant 0 : i32
      %dma_wait3A_159 = arith.constant 0 : i32
      %dma_wait3A_160 = tpu.memref_slice %arg4[%dma_wait3A_158, %dma_wait3A_159] : memref<10000x128xf32, #tpu.memory_space<hbm>> -> memref<10000x128xf32, #tpu.memory_space<hbm>>
      tpu.wait_indirect_dma semaphore(%arg17 : memref<!tpu.dma_semaphore, #tpu.memory_space<semaphore_mem>>) src(%dma_wait3A_160 : memref<10000x128xf32, #tpu.memory_space<hbm>>) dst(%arg15 : memref<80x128xf32, #tpu.memory_space<vmem>>)
      %dma_start3A_161 = arith.constant 0 : i32
      %dma_start3A_162 = arith.constant 0 : i32
      %dma_start3A_163 = tpu.memref_slice %arg31[%dma_start3A_161, %dma_start3A_162] : memref<10240x128xf32, #tpu.memory_space<vmem_shared>> -> memref<10240x128xf32, #tpu.memory_space<vmem_shared>>
      tpu.enqueue_indirect_dma source(%arg15 : memref<80x128xf32, #tpu.memory_space<vmem>>) target(%dma_start3A_163 : memref<10240x128xf32, #tpu.memory_space<vmem_shared>>) offsets(%arg14 : memref<80xi32, #tpu.memory_space<vmem>>) semaphore(%arg18 : memref<!tpu.dma_semaphore, #tpu.memory_space<semaphore_mem>>) {add = true}
      %mul3A_164 = arith.constant 4 : i32
      %mul3A_165 = arith.muli %mul3A_164, %scan3A_129 : i32
      %add3A_166 = arith.constant 2 : i32
      %add3A_167 = arith.addi %add3A_166, %mul3A_165 : i32
      %add3A_168 = arith.constant 1 : i32
      %add3A_169 = arith.addi %add3A_167, %add3A_168 : i32
      %mul3A_170 = arith.constant 80 : i32
      %mul3A_171 = arith.muli %add3A_169, %mul3A_170 : i32
      %add3A_172 = arith.addi %mul3A_2, %mul3A_171 : i32
      %dma_wait3A_173 = tpu.memref_slice %arg2[%add3A_172] : memref<320000xi32, #tpu.memory_space<hbm>> -> memref<80xi32, #tpu.memory_space<hbm>>
      %dma_wait3A_174 = tpu.memref_slice %arg2[%add3A_172] : memref<320000xi32, #tpu.memory_space<hbm>> -> memref<80xi32, #tpu.memory_space<hbm>>
      tpu.wait_dma2 semaphore(%arg28 : memref<!tpu.dma_semaphore, #tpu.memory_space<semaphore_mem>>) src(%dma_wait3A_174 : memref<80xi32, #tpu.memory_space<hbm>>) dst(%arg25 : memref<80xi32, #tpu.memory_space<vmem>>)
      %dma_wait3A_175 = tpu.memref_slice %arg3[%add3A_172] : memref<320000xi32, #tpu.memory_space<hbm>> -> memref<80xi32, #tpu.memory_space<hbm>>
      %dma_wait3A_176 = tpu.memref_slice %arg3[%add3A_172] : memref<320000xi32, #tpu.memory_space<hbm>> -> memref<80xi32, #tpu.memory_space<hbm>>
      tpu.wait_dma2 semaphore(%arg28 : memref<!tpu.dma_semaphore, #tpu.memory_space<semaphore_mem>>) src(%dma_wait3A_176 : memref<80xi32, #tpu.memory_space<hbm>>) dst(%arg26 : memref<80xi32, #tpu.memory_space<vmem>>)
      %dma_start3A_177 = arith.constant 0 : i32
      %dma_start3A_178 = arith.constant 0 : i32
      %dma_start3A_179 = tpu.memref_slice %arg4[%dma_start3A_177, %dma_start3A_178] : memref<10000x128xf32, #tpu.memory_space<hbm>> -> memref<10000x128xf32, #tpu.memory_space<hbm>>
      tpu.enqueue_indirect_dma source(%dma_start3A_179 : memref<10000x128xf32, #tpu.memory_space<hbm>>) target(%arg27 : memref<80x128xf32, #tpu.memory_space<vmem>>) offsets(%arg25 : memref<80xi32, #tpu.memory_space<vmem>>) semaphore(%arg29 : memref<!tpu.dma_semaphore, #tpu.memory_space<semaphore_mem>>)
      %dma_wait3A_180 = arith.constant 0 : i32
      %dma_wait3A_181 = arith.constant 0 : i32
      %dma_wait3A_182 = tpu.memref_slice %arg31[%dma_wait3A_180, %dma_wait3A_181] : memref<10240x128xf32, #tpu.memory_space<vmem_shared>> -> memref<10240x128xf32, #tpu.memory_space<vmem_shared>>
      tpu.wait_indirect_dma semaphore(%arg18 : memref<!tpu.dma_semaphore, #tpu.memory_space<semaphore_mem>>) src(%arg15 : memref<80x128xf32, #tpu.memory_space<vmem>>) dst(%dma_wait3A_182 : memref<10240x128xf32, #tpu.memory_space<vmem_shared>>)
      %add3A_183 = arith.constant 2 : i32
      %add3A_184 = arith.addi %add3A_169, %add3A_183 : i32
      %mul3A_185 = arith.constant 80 : i32
      %mul3A_186 = arith.muli %add3A_184, %mul3A_185 : i32
      %add3A_187 = arith.addi %mul3A_2, %mul3A_186 : i32
      %dma_start3A_188 = tpu.memref_slice %arg2[%add3A_187] : memref<320000xi32, #tpu.memory_space<hbm>> -> memref<80xi32, #tpu.memory_space<hbm>>
      %dma_start3A_189 = tpu.memref_slice %arg2[%add3A_187] : memref<320000xi32, #tpu.memory_space<hbm>> -> memref<80xi32, #tpu.memory_space<hbm>>
      tpu.enqueue_dma source(%dma_start3A_189 : memref<80xi32, #tpu.memory_space<hbm>>) target(%arg13 : memref<80xi32, #tpu.memory_space<vmem>>) target_semaphore(%arg16 : memref<!tpu.dma_semaphore, #tpu.memory_space<semaphore_mem>>)
      %dma_start3A_190 = tpu.memref_slice %arg3[%add3A_187] : memref<320000xi32, #tpu.memory_space<hbm>> -> memref<80xi32, #tpu.memory_space<hbm>>
      %dma_start3A_191 = tpu.memref_slice %arg3[%add3A_187] : memref<320000xi32, #tpu.memory_space<hbm>> -> memref<80xi32, #tpu.memory_space<hbm>>
      tpu.enqueue_dma source(%dma_start3A_191 : memref<80xi32, #tpu.memory_space<hbm>>) target(%arg14 : memref<80xi32, #tpu.memory_space<vmem>>) target_semaphore(%arg16 : memref<!tpu.dma_semaphore, #tpu.memory_space<semaphore_mem>>)
      %dma_wait3A_192 = arith.constant 0 : i32
      %dma_wait3A_193 = arith.constant 0 : i32
      %dma_wait3A_194 = tpu.memref_slice %arg4[%dma_wait3A_192, %dma_wait3A_193] : memref<10000x128xf32, #tpu.memory_space<hbm>> -> memref<10000x128xf32, #tpu.memory_space<hbm>>
      tpu.wait_indirect_dma semaphore(%arg23 : memref<!tpu.dma_semaphore, #tpu.memory_space<semaphore_mem>>) src(%dma_wait3A_194 : memref<10000x128xf32, #tpu.memory_space<hbm>>) dst(%arg21 : memref<80x128xf32, #tpu.memory_space<vmem>>)
      %dma_start3A_195 = arith.constant 0 : i32
      %dma_start3A_196 = arith.constant 0 : i32
      %dma_start3A_197 = tpu.memref_slice %arg31[%dma_start3A_195, %dma_start3A_196] : memref<10240x128xf32, #tpu.memory_space<vmem_shared>> -> memref<10240x128xf32, #tpu.memory_space<vmem_shared>>
      tpu.enqueue_indirect_dma source(%arg21 : memref<80x128xf32, #tpu.memory_space<vmem>>) target(%dma_start3A_197 : memref<10240x128xf32, #tpu.memory_space<vmem_shared>>) offsets(%arg20 : memref<80xi32, #tpu.memory_space<vmem>>) semaphore(%arg24 : memref<!tpu.dma_semaphore, #tpu.memory_space<semaphore_mem>>) {add = true}
      %mul3A_198 = arith.constant 4 : i32
      %mul3A_199 = arith.muli %mul3A_198, %scan3A_129 : i32
      %add3A_200 = arith.constant 2 : i32
      %add3A_201 = arith.addi %add3A_200, %mul3A_199 : i32
      %add3A_202 = arith.constant 2 : i32
      %add3A_203 = arith.addi %add3A_201, %add3A_202 : i32
      %mul3A_204 = arith.constant 80 : i32
      %mul3A_205 = arith.muli %add3A_203, %mul3A_204 : i32
      %add3A_206 = arith.addi %mul3A_2, %mul3A_205 : i32
      %dma_wait3A_207 = tpu.memref_slice %arg2[%add3A_206] : memref<320000xi32, #tpu.memory_space<hbm>> -> memref<80xi32, #tpu.memory_space<hbm>>
      %dma_wait3A_208 = tpu.memref_slice %arg2[%add3A_206] : memref<320000xi32, #tpu.memory_space<hbm>> -> memref<80xi32, #tpu.memory_space<hbm>>
      tpu.wait_dma2 semaphore(%arg10 : memref<!tpu.dma_semaphore, #tpu.memory_space<semaphore_mem>>) src(%dma_wait3A_208 : memref<80xi32, #tpu.memory_space<hbm>>) dst(%arg7 : memref<80xi32, #tpu.memory_space<vmem>>)
      %dma_wait3A_209 = tpu.memref_slice %arg3[%add3A_206] : memref<320000xi32, #tpu.memory_space<hbm>> -> memref<80xi32, #tpu.memory_space<hbm>>
      %dma_wait3A_210 = tpu.memref_slice %arg3[%add3A_206] : memref<320000xi32, #tpu.memory_space<hbm>> -> memref<80xi32, #tpu.memory_space<hbm>>
      tpu.wait_dma2 semaphore(%arg10 : memref<!tpu.dma_semaphore, #tpu.memory_space<semaphore_mem>>) src(%dma_wait3A_210 : memref<80xi32, #tpu.memory_space<hbm>>) dst(%arg8 : memref<80xi32, #tpu.memory_space<vmem>>)
      %dma_start3A_211 = arith.constant 0 : i32
      %dma_start3A_212 = arith.constant 0 : i32
      %dma_start3A_213 = tpu.memref_slice %arg4[%dma_start3A_211, %dma_start3A_212] : memref<10000x128xf32, #tpu.memory_space<hbm>> -> memref<10000x128xf32, #tpu.memory_space<hbm>>
      tpu.enqueue_indirect_dma source(%dma_start3A_213 : memref<10000x128xf32, #tpu.memory_space<hbm>>) target(%arg9 : memref<80x128xf32, #tpu.memory_space<vmem>>) offsets(%arg7 : memref<80xi32, #tpu.memory_space<vmem>>) semaphore(%arg11 : memref<!tpu.dma_semaphore, #tpu.memory_space<semaphore_mem>>)
      %dma_wait3A_214 = arith.constant 0 : i32
      %dma_wait3A_215 = arith.constant 0 : i32
      %dma_wait3A_216 = tpu.memref_slice %arg31[%dma_wait3A_214, %dma_wait3A_215] : memref<10240x128xf32, #tpu.memory_space<vmem_shared>> -> memref<10240x128xf32, #tpu.memory_space<vmem_shared>>
      tpu.wait_indirect_dma semaphore(%arg24 : memref<!tpu.dma_semaphore, #tpu.memory_space<semaphore_mem>>) src(%arg21 : memref<80x128xf32, #tpu.memory_space<vmem>>) dst(%dma_wait3A_216 : memref<10240x128xf32, #tpu.memory_space<vmem_shared>>)
      %add3A_217 = arith.constant 2 : i32
      %add3A_218 = arith.addi %add3A_203, %add3A_217 : i32
      %mul3A_219 = arith.constant 80 : i32
      %mul3A_220 = arith.muli %add3A_218, %mul3A_219 : i32
      %add3A_221 = arith.addi %mul3A_2, %mul3A_220 : i32
      %dma_start3A_222 = tpu.memref_slice %arg2[%add3A_221] : memref<320000xi32, #tpu.memory_space<hbm>> -> memref<80xi32, #tpu.memory_space<hbm>>
      %dma_start3A_223 = tpu.memref_slice %arg2[%add3A_221] : memref<320000xi32, #tpu.memory_space<hbm>> -> memref<80xi32, #tpu.memory_space<hbm>>
      tpu.enqueue_dma source(%dma_start3A_223 : memref<80xi32, #tpu.memory_space<hbm>>) target(%arg19 : memref<80xi32, #tpu.memory_space<vmem>>) target_semaphore(%arg22 : memref<!tpu.dma_semaphore, #tpu.memory_space<semaphore_mem>>)
      %dma_start3A_224 = tpu.memref_slice %arg3[%add3A_221] : memref<320000xi32, #tpu.memory_space<hbm>> -> memref<80xi32, #tpu.memory_space<hbm>>
      %dma_start3A_225 = tpu.memref_slice %arg3[%add3A_221] : memref<320000xi32, #tpu.memory_space<hbm>> -> memref<80xi32, #tpu.memory_space<hbm>>
      tpu.enqueue_dma source(%dma_start3A_225 : memref<80xi32, #tpu.memory_space<hbm>>) target(%arg20 : memref<80xi32, #tpu.memory_space<vmem>>) target_semaphore(%arg22 : memref<!tpu.dma_semaphore, #tpu.memory_space<semaphore_mem>>)
      %dma_wait3A_226 = arith.constant 0 : i32
      %dma_wait3A_227 = arith.constant 0 : i32
      %dma_wait3A_228 = tpu.memref_slice %arg4[%dma_wait3A_226, %dma_wait3A_227] : memref<10000x128xf32, #tpu.memory_space<hbm>> -> memref<10000x128xf32, #tpu.memory_space<hbm>>
      tpu.wait_indirect_dma semaphore(%arg29 : memref<!tpu.dma_semaphore, #tpu.memory_space<semaphore_mem>>) src(%dma_wait3A_228 : memref<10000x128xf32, #tpu.memory_space<hbm>>) dst(%arg27 : memref<80x128xf32, #tpu.memory_space<vmem>>)
      %dma_start3A_229 = arith.constant 0 : i32
      %dma_start3A_230 = arith.constant 0 : i32
      %dma_start3A_231 = tpu.memref_slice %arg31[%dma_start3A_229, %dma_start3A_230] : memref<10240x128xf32, #tpu.memory_space<vmem_shared>> -> memref<10240x128xf32, #tpu.memory_space<vmem_shared>>
      tpu.enqueue_indirect_dma source(%arg27 : memref<80x128xf32, #tpu.memory_space<vmem>>) target(%dma_start3A_231 : memref<10240x128xf32, #tpu.memory_space<vmem_shared>>) offsets(%arg26 : memref<80xi32, #tpu.memory_space<vmem>>) semaphore(%arg30 : memref<!tpu.dma_semaphore, #tpu.memory_space<semaphore_mem>>) {add = true}
      %mul3A_232 = arith.constant 4 : i32
      %mul3A_233 = arith.muli %mul3A_232, %scan3A_129 : i32
      %add3A_234 = arith.constant 2 : i32
      %add3A_235 = arith.addi %add3A_234, %mul3A_233 : i32
      %add3A_236 = arith.constant 3 : i32
      %add3A_237 = arith.addi %add3A_235, %add3A_236 : i32
      %mul3A_238 = arith.constant 80 : i32
      %mul3A_239 = arith.muli %add3A_237, %mul3A_238 : i32
      %add3A_240 = arith.addi %mul3A_2, %mul3A_239 : i32
      %dma_wait3A_241 = tpu.memref_slice %arg2[%add3A_240] : memref<320000xi32, #tpu.memory_space<hbm>> -> memref<80xi32, #tpu.memory_space<hbm>>
      %dma_wait3A_242 = tpu.memref_slice %arg2[%add3A_240] : memref<320000xi32, #tpu.memory_space<hbm>> -> memref<80xi32, #tpu.memory_space<hbm>>
      tpu.wait_dma2 semaphore(%arg16 : memref<!tpu.dma_semaphore, #tpu.memory_space<semaphore_mem>>) src(%dma_wait3A_242 : memref<80xi32, #tpu.memory_space<hbm>>) dst(%arg13 : memref<80xi32, #tpu.memory_space<vmem>>)
      %dma_wait3A_243 = tpu.memref_slice %arg3[%add3A_240] : memref<320000xi32, #tpu.memory_space<hbm>> -> memref<80xi32, #tpu.memory_space<hbm>>
      %dma_wait3A_244 = tpu.memref_slice %arg3[%add3A_240] : memref<320000xi32, #tpu.memory_space<hbm>> -> memref<80xi32, #tpu.memory_space<hbm>>
      tpu.wait_dma2 semaphore(%arg16 : memref<!tpu.dma_semaphore, #tpu.memory_space<semaphore_mem>>) src(%dma_wait3A_244 : memref<80xi32, #tpu.memory_space<hbm>>) dst(%arg14 : memref<80xi32, #tpu.memory_space<vmem>>)
      %dma_start3A_245 = arith.constant 0 : i32
      %dma_start3A_246 = arith.constant 0 : i32
      %dma_start3A_247 = tpu.memref_slice %arg4[%dma_start3A_245, %dma_start3A_246] : memref<10000x128xf32, #tpu.memory_space<hbm>> -> memref<10000x128xf32, #tpu.memory_space<hbm>>
      tpu.enqueue_indirect_dma source(%dma_start3A_247 : memref<10000x128xf32, #tpu.memory_space<hbm>>) target(%arg15 : memref<80x128xf32, #tpu.memory_space<vmem>>) offsets(%arg13 : memref<80xi32, #tpu.memory_space<vmem>>) semaphore(%arg17 : memref<!tpu.dma_semaphore, #tpu.memory_space<semaphore_mem>>)
      %dma_wait3A_248 = arith.constant 0 : i32
      %dma_wait3A_249 = arith.constant 0 : i32
      %dma_wait3A_250 = tpu.memref_slice %arg31[%dma_wait3A_248, %dma_wait3A_249] : memref<10240x128xf32, #tpu.memory_space<vmem_shared>> -> memref<10240x128xf32, #tpu.memory_space<vmem_shared>>
      tpu.wait_indirect_dma semaphore(%arg30 : memref<!tpu.dma_semaphore, #tpu.memory_space<semaphore_mem>>) src(%arg27 : memref<80x128xf32, #tpu.memory_space<vmem>>) dst(%dma_wait3A_250 : memref<10240x128xf32, #tpu.memory_space<vmem_shared>>)
      %add3A_251 = arith.constant 2 : i32
      %add3A_252 = arith.addi %add3A_237, %add3A_251 : i32
      %mul3A_253 = arith.constant 80 : i32
      %mul3A_254 = arith.muli %add3A_252, %mul3A_253 : i32
      %add3A_255 = arith.addi %mul3A_2, %mul3A_254 : i32
      %dma_start3A_256 = tpu.memref_slice %arg2[%add3A_255] : memref<320000xi32, #tpu.memory_space<hbm>> -> memref<80xi32, #tpu.memory_space<hbm>>
      %dma_start3A_257 = tpu.memref_slice %arg2[%add3A_255] : memref<320000xi32, #tpu.memory_space<hbm>> -> memref<80xi32, #tpu.memory_space<hbm>>
      tpu.enqueue_dma source(%dma_start3A_257 : memref<80xi32, #tpu.memory_space<hbm>>) target(%arg25 : memref<80xi32, #tpu.memory_space<vmem>>) target_semaphore(%arg28 : memref<!tpu.dma_semaphore, #tpu.memory_space<semaphore_mem>>)
      %dma_start3A_258 = tpu.memref_slice %arg3[%add3A_255] : memref<320000xi32, #tpu.memory_space<hbm>> -> memref<80xi32, #tpu.memory_space<hbm>>
      %dma_start3A_259 = tpu.memref_slice %arg3[%add3A_255] : memref<320000xi32, #tpu.memory_space<hbm>> -> memref<80xi32, #tpu.memory_space<hbm>>
      tpu.enqueue_dma source(%dma_start3A_259 : memref<80xi32, #tpu.memory_space<hbm>>) target(%arg26 : memref<80xi32, #tpu.memory_space<vmem>>) target_semaphore(%arg28 : memref<!tpu.dma_semaphore, #tpu.memory_space<semaphore_mem>>)
      %dma_wait3A_260 = arith.constant 0 : i32
      %dma_wait3A_261 = arith.constant 0 : i32
      %dma_wait3A_262 = tpu.memref_slice %arg4[%dma_wait3A_260, %dma_wait3A_261] : memref<10000x128xf32, #tpu.memory_space<hbm>> -> memref<10000x128xf32, #tpu.memory_space<hbm>>
      tpu.wait_indirect_dma semaphore(%arg11 : memref<!tpu.dma_semaphore, #tpu.memory_space<semaphore_mem>>) src(%dma_wait3A_262 : memref<10000x128xf32, #tpu.memory_space<hbm>>) dst(%arg9 : memref<80x128xf32, #tpu.memory_space<vmem>>)
      %dma_start3A_263 = arith.constant 0 : i32
      %dma_start3A_264 = arith.constant 0 : i32
      %dma_start3A_265 = tpu.memref_slice %arg31[%dma_start3A_263, %dma_start3A_264] : memref<10240x128xf32, #tpu.memory_space<vmem_shared>> -> memref<10240x128xf32, #tpu.memory_space<vmem_shared>>
      tpu.enqueue_indirect_dma source(%arg9 : memref<80x128xf32, #tpu.memory_space<vmem>>) target(%dma_start3A_265 : memref<10240x128xf32, #tpu.memory_space<vmem_shared>>) offsets(%arg8 : memref<80xi32, #tpu.memory_space<vmem>>) semaphore(%arg12 : memref<!tpu.dma_semaphore, #tpu.memory_space<semaphore_mem>>) {add = true}
    }
    %scan3A_55 = arith.constant 30 : i32
    %add3A_56 = arith.constant 9760 : i32
    %add3A_57 = arith.addi %mul3A_2, %add3A_56 : i32
    %dma_wait3A_58 = tpu.memref_slice %arg2[%add3A_57] : memref<320000xi32, #tpu.memory_space<hbm>> -> memref<80xi32, #tpu.memory_space<hbm>>
    %dma_wait3A_59 = tpu.memref_slice %arg2[%add3A_57] : memref<320000xi32, #tpu.memory_space<hbm>> -> memref<80xi32, #tpu.memory_space<hbm>>
    tpu.wait_dma2 semaphore(%arg22 : memref<!tpu.dma_semaphore, #tpu.memory_space<semaphore_mem>>) src(%dma_wait3A_59 : memref<80xi32, #tpu.memory_space<hbm>>) dst(%arg19 : memref<80xi32, #tpu.memory_space<vmem>>)
    %dma_wait3A_60 = tpu.memref_slice %arg3[%add3A_57] : memref<320000xi32, #tpu.memory_space<hbm>> -> memref<80xi32, #tpu.memory_space<hbm>>
    %dma_wait3A_61 = tpu.memref_slice %arg3[%add3A_57] : memref<320000xi32, #tpu.memory_space<hbm>> -> memref<80xi32, #tpu.memory_space<hbm>>
    tpu.wait_dma2 semaphore(%arg22 : memref<!tpu.dma_semaphore, #tpu.memory_space<semaphore_mem>>) src(%dma_wait3A_61 : memref<80xi32, #tpu.memory_space<hbm>>) dst(%arg20 : memref<80xi32, #tpu.memory_space<vmem>>)
    %dma_start3A_62 = arith.constant 0 : i32
    %dma_start3A_63 = arith.constant 0 : i32
    %dma_start3A_64 = tpu.memref_slice %arg4[%dma_start3A_62, %dma_start3A_63] : memref<10000x128xf32, #tpu.memory_space<hbm>> -> memref<10000x128xf32, #tpu.memory_space<hbm>>
    tpu.enqueue_indirect_dma source(%dma_start3A_64 : memref<10000x128xf32, #tpu.memory_space<hbm>>) target(%arg21 : memref<80x128xf32, #tpu.memory_space<vmem>>) offsets(%arg19 : memref<80xi32, #tpu.memory_space<vmem>>) semaphore(%arg23 : memref<!tpu.dma_semaphore, #tpu.memory_space<semaphore_mem>>)
    %dma_wait3A_65 = arith.constant 0 : i32
    %dma_wait3A_66 = arith.constant 0 : i32
    %dma_wait3A_67 = tpu.memref_slice %arg31[%dma_wait3A_65, %dma_wait3A_66] : memref<10240x128xf32, #tpu.memory_space<vmem_shared>> -> memref<10240x128xf32, #tpu.memory_space<vmem_shared>>
    tpu.wait_indirect_dma semaphore(%arg12 : memref<!tpu.dma_semaphore, #tpu.memory_space<semaphore_mem>>) src(%arg9 : memref<80x128xf32, #tpu.memory_space<vmem>>) dst(%dma_wait3A_67 : memref<10240x128xf32, #tpu.memory_space<vmem_shared>>)
    %add3A_68 = arith.constant 9920 : i32
    %add3A_69 = arith.addi %mul3A_2, %add3A_68 : i32
    %dma_start3A_70 = tpu.memref_slice %arg2[%add3A_69] : memref<320000xi32, #tpu.memory_space<hbm>> -> memref<80xi32, #tpu.memory_space<hbm>>
    %dma_start3A_71 = tpu.memref_slice %arg2[%add3A_69] : memref<320000xi32, #tpu.memory_space<hbm>> -> memref<80xi32, #tpu.memory_space<hbm>>
    tpu.enqueue_dma source(%dma_start3A_71 : memref<80xi32, #tpu.memory_space<hbm>>) target(%arg7 : memref<80xi32, #tpu.memory_space<vmem>>) target_semaphore(%arg10 : memref<!tpu.dma_semaphore, #tpu.memory_space<semaphore_mem>>)
    %dma_start3A_72 = tpu.memref_slice %arg3[%add3A_69] : memref<320000xi32, #tpu.memory_space<hbm>> -> memref<80xi32, #tpu.memory_space<hbm>>
    %dma_start3A_73 = tpu.memref_slice %arg3[%add3A_69] : memref<320000xi32, #tpu.memory_space<hbm>> -> memref<80xi32, #tpu.memory_space<hbm>>
    tpu.enqueue_dma source(%dma_start3A_73 : memref<80xi32, #tpu.memory_space<hbm>>) target(%arg8 : memref<80xi32, #tpu.memory_space<vmem>>) target_semaphore(%arg10 : memref<!tpu.dma_semaphore, #tpu.memory_space<semaphore_mem>>)
    %dma_wait3A_74 = arith.constant 0 : i32
    %dma_wait3A_75 = arith.constant 0 : i32
    %dma_wait3A_76 = tpu.memref_slice %arg4[%dma_wait3A_74, %dma_wait3A_75] : memref<10000x128xf32, #tpu.memory_space<hbm>> -> memref<10000x128xf32, #tpu.memory_space<hbm>>
    tpu.wait_indirect_dma semaphore(%arg17 : memref<!tpu.dma_semaphore, #tpu.memory_space<semaphore_mem>>) src(%dma_wait3A_76 : memref<10000x128xf32, #tpu.memory_space<hbm>>) dst(%arg15 : memref<80x128xf32, #tpu.memory_space<vmem>>)
    %dma_start3A_77 = arith.constant 0 : i32
    %dma_start3A_78 = arith.constant 0 : i32
    %dma_start3A_79 = tpu.memref_slice %arg31[%dma_start3A_77, %dma_start3A_78] : memref<10240x128xf32, #tpu.memory_space<vmem_shared>> -> memref<10240x128xf32, #tpu.memory_space<vmem_shared>>
    tpu.enqueue_indirect_dma source(%arg15 : memref<80x128xf32, #tpu.memory_space<vmem>>) target(%dma_start3A_79 : memref<10240x128xf32, #tpu.memory_space<vmem_shared>>) offsets(%arg14 : memref<80xi32, #tpu.memory_space<vmem>>) semaphore(%arg18 : memref<!tpu.dma_semaphore, #tpu.memory_space<semaphore_mem>>) {add = true}
    %add3A_80 = arith.constant 9840 : i32
    %add3A_81 = arith.addi %mul3A_2, %add3A_80 : i32
    %dma_wait3A_82 = tpu.memref_slice %arg2[%add3A_81] : memref<320000xi32, #tpu.memory_space<hbm>> -> memref<80xi32, #tpu.memory_space<hbm>>
    %dma_wait3A_83 = tpu.memref_slice %arg2[%add3A_81] : memref<320000xi32, #tpu.memory_space<hbm>> -> memref<80xi32, #tpu.memory_space<hbm>>
    tpu.wait_dma2 semaphore(%arg28 : memref<!tpu.dma_semaphore, #tpu.memory_space<semaphore_mem>>) src(%dma_wait3A_83 : memref<80xi32, #tpu.memory_space<hbm>>) dst(%arg25 : memref<80xi32, #tpu.memory_space<vmem>>)
    %dma_wait3A_84 = tpu.memref_slice %arg3[%add3A_81] : memref<320000xi32, #tpu.memory_space<hbm>> -> memref<80xi32, #tpu.memory_space<hbm>>
    %dma_wait3A_85 = tpu.memref_slice %arg3[%add3A_81] : memref<320000xi32, #tpu.memory_space<hbm>> -> memref<80xi32, #tpu.memory_space<hbm>>
    tpu.wait_dma2 semaphore(%arg28 : memref<!tpu.dma_semaphore, #tpu.memory_space<semaphore_mem>>) src(%dma_wait3A_85 : memref<80xi32, #tpu.memory_space<hbm>>) dst(%arg26 : memref<80xi32, #tpu.memory_space<vmem>>)
    %dma_start3A_86 = arith.constant 0 : i32
    %dma_start3A_87 = arith.constant 0 : i32
    %dma_start3A_88 = tpu.memref_slice %arg4[%dma_start3A_86, %dma_start3A_87] : memref<10000x128xf32, #tpu.memory_space<hbm>> -> memref<10000x128xf32, #tpu.memory_space<hbm>>
    tpu.enqueue_indirect_dma source(%dma_start3A_88 : memref<10000x128xf32, #tpu.memory_space<hbm>>) target(%arg27 : memref<80x128xf32, #tpu.memory_space<vmem>>) offsets(%arg25 : memref<80xi32, #tpu.memory_space<vmem>>) semaphore(%arg29 : memref<!tpu.dma_semaphore, #tpu.memory_space<semaphore_mem>>)
    %dma_wait3A_89 = arith.constant 0 : i32
    %dma_wait3A_90 = arith.constant 0 : i32
    %dma_wait3A_91 = tpu.memref_slice %arg31[%dma_wait3A_89, %dma_wait3A_90] : memref<10240x128xf32, #tpu.memory_space<vmem_shared>> -> memref<10240x128xf32, #tpu.memory_space<vmem_shared>>
    tpu.wait_indirect_dma semaphore(%arg18 : memref<!tpu.dma_semaphore, #tpu.memory_space<semaphore_mem>>) src(%arg15 : memref<80x128xf32, #tpu.memory_space<vmem>>) dst(%dma_wait3A_91 : memref<10240x128xf32, #tpu.memory_space<vmem_shared>>)
    %dma_wait3A_92 = arith.constant 0 : i32
    %dma_wait3A_93 = arith.constant 0 : i32
    %dma_wait3A_94 = tpu.memref_slice %arg4[%dma_wait3A_92, %dma_wait3A_93] : memref<10000x128xf32, #tpu.memory_space<hbm>> -> memref<10000x128xf32, #tpu.memory_space<hbm>>
    tpu.wait_indirect_dma semaphore(%arg23 : memref<!tpu.dma_semaphore, #tpu.memory_space<semaphore_mem>>) src(%dma_wait3A_94 : memref<10000x128xf32, #tpu.memory_space<hbm>>) dst(%arg21 : memref<80x128xf32, #tpu.memory_space<vmem>>)
    %dma_start3A_95 = arith.constant 0 : i32
    %dma_start3A_96 = arith.constant 0 : i32
    %dma_start3A_97 = tpu.memref_slice %arg31[%dma_start3A_95, %dma_start3A_96] : memref<10240x128xf32, #tpu.memory_space<vmem_shared>> -> memref<10240x128xf32, #tpu.memory_space<vmem_shared>>
    tpu.enqueue_indirect_dma source(%arg21 : memref<80x128xf32, #tpu.memory_space<vmem>>) target(%dma_start3A_97 : memref<10240x128xf32, #tpu.memory_space<vmem_shared>>) offsets(%arg20 : memref<80xi32, #tpu.memory_space<vmem>>) semaphore(%arg24 : memref<!tpu.dma_semaphore, #tpu.memory_space<semaphore_mem>>) {add = true}
    %add3A_98 = arith.constant 9920 : i32
    %add3A_99 = arith.addi %mul3A_2, %add3A_98 : i32
    %dma_wait3A_100 = tpu.memref_slice %arg2[%add3A_99] : memref<320000xi32, #tpu.memory_space<hbm>> -> memref<80xi32, #tpu.memory_space<hbm>>
    %dma_wait3A_101 = tpu.memref_slice %arg2[%add3A_99] : memref<320000xi32, #tpu.memory_space<hbm>> -> memref<80xi32, #tpu.memory_space<hbm>>
    tpu.wait_dma2 semaphore(%arg10 : memref<!tpu.dma_semaphore, #tpu.memory_space<semaphore_mem>>) src(%dma_wait3A_101 : memref<80xi32, #tpu.memory_space<hbm>>) dst(%arg7 : memref<80xi32, #tpu.memory_space<vmem>>)
    %dma_wait3A_102 = tpu.memref_slice %arg3[%add3A_99] : memref<320000xi32, #tpu.memory_space<hbm>> -> memref<80xi32, #tpu.memory_space<hbm>>
    %dma_wait3A_103 = tpu.memref_slice %arg3[%add3A_99] : memref<320000xi32, #tpu.memory_space<hbm>> -> memref<80xi32, #tpu.memory_space<hbm>>
    tpu.wait_dma2 semaphore(%arg10 : memref<!tpu.dma_semaphore, #tpu.memory_space<semaphore_mem>>) src(%dma_wait3A_103 : memref<80xi32, #tpu.memory_space<hbm>>) dst(%arg8 : memref<80xi32, #tpu.memory_space<vmem>>)
    %dma_start3A_104 = arith.constant 0 : i32
    %dma_start3A_105 = arith.constant 0 : i32
    %dma_start3A_106 = tpu.memref_slice %arg4[%dma_start3A_104, %dma_start3A_105] : memref<10000x128xf32, #tpu.memory_space<hbm>> -> memref<10000x128xf32, #tpu.memory_space<hbm>>
    tpu.enqueue_indirect_dma source(%dma_start3A_106 : memref<10000x128xf32, #tpu.memory_space<hbm>>) target(%arg9 : memref<80x128xf32, #tpu.memory_space<vmem>>) offsets(%arg7 : memref<80xi32, #tpu.memory_space<vmem>>) semaphore(%arg11 : memref<!tpu.dma_semaphore, #tpu.memory_space<semaphore_mem>>)
    %dma_wait3A_107 = arith.constant 0 : i32
    %dma_wait3A_108 = arith.constant 0 : i32
    %dma_wait3A_109 = tpu.memref_slice %arg31[%dma_wait3A_107, %dma_wait3A_108] : memref<10240x128xf32, #tpu.memory_space<vmem_shared>> -> memref<10240x128xf32, #tpu.memory_space<vmem_shared>>
    tpu.wait_indirect_dma semaphore(%arg24 : memref<!tpu.dma_semaphore, #tpu.memory_space<semaphore_mem>>) src(%arg21 : memref<80x128xf32, #tpu.memory_space<vmem>>) dst(%dma_wait3A_109 : memref<10240x128xf32, #tpu.memory_space<vmem_shared>>)
    %dma_wait3A_110 = arith.constant 0 : i32
    %dma_wait3A_111 = arith.constant 0 : i32
    %dma_wait3A_112 = tpu.memref_slice %arg4[%dma_wait3A_110, %dma_wait3A_111] : memref<10000x128xf32, #tpu.memory_space<hbm>> -> memref<10000x128xf32, #tpu.memory_space<hbm>>
    tpu.wait_indirect_dma semaphore(%arg29 : memref<!tpu.dma_semaphore, #tpu.memory_space<semaphore_mem>>) src(%dma_wait3A_112 : memref<10000x128xf32, #tpu.memory_space<hbm>>) dst(%arg27 : memref<80x128xf32, #tpu.memory_space<vmem>>)
    %dma_start3A_113 = arith.constant 0 : i32
    %dma_start3A_114 = arith.constant 0 : i32
    %dma_start3A_115 = tpu.memref_slice %arg31[%dma_start3A_113, %dma_start3A_114] : memref<10240x128xf32, #tpu.memory_space<vmem_shared>> -> memref<10240x128xf32, #tpu.memory_space<vmem_shared>>
    tpu.enqueue_indirect_dma source(%arg27 : memref<80x128xf32, #tpu.memory_space<vmem>>) target(%dma_start3A_115 : memref<10240x128xf32, #tpu.memory_space<vmem_shared>>) offsets(%arg26 : memref<80xi32, #tpu.memory_space<vmem>>) semaphore(%arg30 : memref<!tpu.dma_semaphore, #tpu.memory_space<semaphore_mem>>) {add = true}
    %dma_wait3A_116 = arith.constant 0 : i32
    %dma_wait3A_117 = arith.constant 0 : i32
    %dma_wait3A_118 = tpu.memref_slice %arg4[%dma_wait3A_116, %dma_wait3A_117] : memref<10000x128xf32, #tpu.memory_space<hbm>> -> memref<10000x128xf32, #tpu.memory_space<hbm>>
    tpu.wait_indirect_dma semaphore(%arg11 : memref<!tpu.dma_semaphore, #tpu.memory_space<semaphore_mem>>) src(%dma_wait3A_118 : memref<10000x128xf32, #tpu.memory_space<hbm>>) dst(%arg9 : memref<80x128xf32, #tpu.memory_space<vmem>>)
    %dma_start3A_119 = arith.constant 0 : i32
    %dma_start3A_120 = arith.constant 0 : i32
    %dma_start3A_121 = tpu.memref_slice %arg31[%dma_start3A_119, %dma_start3A_120] : memref<10240x128xf32, #tpu.memory_space<vmem_shared>> -> memref<10240x128xf32, #tpu.memory_space<vmem_shared>>
    tpu.enqueue_indirect_dma source(%arg9 : memref<80x128xf32, #tpu.memory_space<vmem>>) target(%dma_start3A_121 : memref<10240x128xf32, #tpu.memory_space<vmem_shared>>) offsets(%arg8 : memref<80xi32, #tpu.memory_space<vmem>>) semaphore(%arg12 : memref<!tpu.dma_semaphore, #tpu.memory_space<semaphore_mem>>) {add = true}
    %dma_wait3A_122 = arith.constant 0 : i32
    %dma_wait3A_123 = arith.constant 0 : i32
    %dma_wait3A_124 = tpu.memref_slice %arg31[%dma_wait3A_122, %dma_wait3A_123] : memref<10240x128xf32, #tpu.memory_space<vmem_shared>> -> memref<10240x128xf32, #tpu.memory_space<vmem_shared>>
    tpu.wait_indirect_dma semaphore(%arg30 : memref<!tpu.dma_semaphore, #tpu.memory_space<semaphore_mem>>) src(%arg27 : memref<80x128xf32, #tpu.memory_space<vmem>>) dst(%dma_wait3A_124 : memref<10240x128xf32, #tpu.memory_space<vmem_shared>>)
    %dma_wait3A_125 = arith.constant 0 : i32
    %dma_wait3A_126 = arith.constant 0 : i32
    %dma_wait3A_127 = tpu.memref_slice %arg31[%dma_wait3A_125, %dma_wait3A_126] : memref<10240x128xf32, #tpu.memory_space<vmem_shared>> -> memref<10240x128xf32, #tpu.memory_space<vmem_shared>>
    tpu.wait_indirect_dma semaphore(%arg12 : memref<!tpu.dma_semaphore, #tpu.memory_space<semaphore_mem>>) src(%arg9 : memref<80x128xf32, #tpu.memory_space<vmem>>) dst(%dma_wait3A_127 : memref<10240x128xf32, #tpu.memory_space<vmem_shared>>)
    %barrier3A_128 = arith.constant 0 : index
    tpu.barrier barrier_id(%barrier3A_128)
    "tpu.region"() ({
      %run_scoped3A = tpu.sem_alloc : memref<!tpu.dma_semaphore, #tpu.memory_space<semaphore_mem>>
      %dma_start3A_129 = arith.constant 0 : i32
      %dma_start3A_130 = tpu.memref_slice %arg6[%arg0, %mul3A_4, %dma_start3A_129] : memref<2x10240x128xf32, #tpu.memory_space<hbm>> -> memref<1x640x128xf32, #tpu.memory_space<hbm>>
      %dma_start3A_131 = tpu.memref_squeeze %dma_start3A_130 : memref<1x640x128xf32, #tpu.memory_space<hbm>> -> memref<640x128xf32, #tpu.memory_space<hbm>>
      %dma_start3A_132 = arith.constant 0 : i32
      %dma_start3A_133 = tpu.memref_slice %arg31[%mul3A_4, %dma_start3A_132] : memref<10240x128xf32, #tpu.memory_space<vmem_shared>> -> memref<640x128xf32, #tpu.memory_space<vmem_shared>>
      tpu.enqueue_dma source(%dma_start3A_133 : memref<640x128xf32, #tpu.memory_space<vmem_shared>>) target(%dma_start3A_131 : memref<640x128xf32, #tpu.memory_space<hbm>>) target_semaphore(%run_scoped3A : memref<!tpu.dma_semaphore, #tpu.memory_space<semaphore_mem>>)
      %dma_wait3A_134 = arith.constant 0 : i32
      %dma_wait3A_135 = tpu.memref_slice %arg6[%arg0, %mul3A_4, %dma_wait3A_134] : memref<2x10240x128xf32, #tpu.memory_space<hbm>> -> memref<1x640x128xf32, #tpu.memory_space<hbm>>
      %dma_wait3A_136 = tpu.memref_squeeze %dma_wait3A_135 : memref<1x640x128xf32, #tpu.memory_space<hbm>> -> memref<640x128xf32, #tpu.memory_space<hbm>>
      %dma_wait3A_137 = arith.constant 0 : i32
      %dma_wait3A_138 = tpu.memref_slice %arg31[%mul3A_4, %dma_wait3A_137] : memref<10240x128xf32, #tpu.memory_space<vmem_shared>> -> memref<640x128xf32, #tpu.memory_space<vmem_shared>>
      tpu.wait_dma2 semaphore(%run_scoped3A : memref<!tpu.dma_semaphore, #tpu.memory_space<semaphore_mem>>) src(%dma_wait3A_138 : memref<640x128xf32, #tpu.memory_space<vmem_shared>>) dst(%dma_wait3A_136 : memref<640x128xf32, #tpu.memory_space<hbm>>)
      tpu.yield
    }) : () -> ()
    return
  }
}

#map = affine_map<(d0, d1) -> (0)>
#map1 = affine_map<(d0, d1) -> (0, 0)>
#map2 = affine_map<(d0, d1) -> (0, 0, 0)>
module attributes {stable_mosaic.version = 14 : i64} {
  func.func @body(%arg0: i32, %arg1: i32, %arg2: memref<320000xi32, #tpu.memory_space<hbm>>, %arg3: memref<320000xi32, #tpu.memory_space<hbm>>, %arg4: memref<10000x128xf32, #tpu.memory_space<hbm>>, %arg5: memref<640x128xf32, #tpu.memory_space<hbm>>, %arg6: memref<10240xf32, #tpu.memory_space<hbm>>, %arg7: memref<2x10240x128xf32, #tpu.memory_space<hbm>>, %arg8: memref<2x10240xf32, #tpu.memory_space<hbm>>, %arg9: memref<80xi32, #tpu.memory_space<vmem>>, %arg10: memref<80xi32, #tpu.memory_space<vmem>>, %arg11: memref<80x128xf32, #tpu.memory_space<vmem>>, %arg12: memref<!tpu.dma_semaphore, #tpu.memory_space<semaphore_mem>>, %arg13: memref<!tpu.dma_semaphore, #tpu.memory_space<semaphore_mem>>, %arg14: memref<!tpu.dma_semaphore, #tpu.memory_space<semaphore_mem>>, %arg15: memref<80xi32, #tpu.memory_space<vmem>>, %arg16: memref<80xi32, #tpu.memory_space<vmem>>, %arg17: memref<80x128xf32, #tpu.memory_space<vmem>>, %arg18: memref<!tpu.dma_semaphore, #tpu.memory_space<semaphore_mem>>, %arg19: memref<!tpu.dma_semaphore, #tpu.memory_space<semaphore_mem>>, %arg20: memref<!tpu.dma_semaphore, #tpu.memory_space<semaphore_mem>>, %arg21: memref<80xi32, #tpu.memory_space<vmem>>, %arg22: memref<80xi32, #tpu.memory_space<vmem>>, %arg23: memref<80x128xf32, #tpu.memory_space<vmem>>, %arg24: memref<!tpu.dma_semaphore, #tpu.memory_space<semaphore_mem>>, %arg25: memref<!tpu.dma_semaphore, #tpu.memory_space<semaphore_mem>>, %arg26: memref<!tpu.dma_semaphore, #tpu.memory_space<semaphore_mem>>, %arg27: memref<80xi32, #tpu.memory_space<vmem>>, %arg28: memref<80xi32, #tpu.memory_space<vmem>>, %arg29: memref<80x128xf32, #tpu.memory_space<vmem>>, %arg30: memref<!tpu.dma_semaphore, #tpu.memory_space<semaphore_mem>>, %arg31: memref<!tpu.dma_semaphore, #tpu.memory_space<semaphore_mem>>, %arg32: memref<!tpu.dma_semaphore, #tpu.memory_space<semaphore_mem>>, %arg33: memref<10240x128xf32, #tpu.memory_space<vmem_shared>>, %arg34: memref<80xf32, #tpu.memory_space<vmem>>, %arg35: memref<10240xf32, #tpu.memory_space<vmem_shared>>) attributes {dimension_semantics = [#tpu.dimension_semantics<core_parallel>, #tpu.dimension_semantics<subcore_parallel>], iteration_bounds = array<i64: 2, 16>, scalar_prefetch = 0 : i64, scratch_operands = 27 : i64, tpu.core_type = #tpu.core_type<sc_vector_subcore>, window_params = [{transform_indices = #map}, {transform_indices = #map}, {transform_indices = #map1}, {transform_indices = #map1}, {transform_indices = #map}, {transform_indices = #map2}, {transform_indices = #map1}]} {
    %mul3A = arith.constant 16 : i32
    %mul3A_0 = arith.muli %arg0, %mul3A : i32
    %add3A = arith.addi %mul3A_0, %arg1 : i32
    %mul3A_1 = arith.constant 10000 : i32
    %mul3A_2 = arith.muli %add3A, %mul3A_1 : i32
    %mul3A_3 = arith.constant 640 : i32
    %mul3A_4 = arith.muli %arg1, %mul3A_3 : i32
    "tpu.region"() ({
      %run_scoped3A = tpu.sem_alloc : memref<!tpu.dma_semaphore, #tpu.memory_space<semaphore_mem>>
      %dma_start3A_185 = arith.constant 0 : i32
      %dma_start3A_186 = tpu.memref_slice %arg33[%mul3A_4, %dma_start3A_185] : memref<10240x128xf32, #tpu.memory_space<vmem_shared>> -> memref<640x128xf32, #tpu.memory_space<vmem_shared>>
      tpu.enqueue_dma source(%arg5 : memref<640x128xf32, #tpu.memory_space<hbm>>) target(%dma_start3A_186 : memref<640x128xf32, #tpu.memory_space<vmem_shared>>) target_semaphore(%run_scoped3A : memref<!tpu.dma_semaphore, #tpu.memory_space<semaphore_mem>>)
      %dma_wait3A_187 = arith.constant 0 : i32
      %dma_wait3A_188 = tpu.memref_slice %arg33[%mul3A_4, %dma_wait3A_187] : memref<10240x128xf32, #tpu.memory_space<vmem_shared>> -> memref<640x128xf32, #tpu.memory_space<vmem_shared>>
      tpu.wait_dma2 semaphore(%run_scoped3A : memref<!tpu.dma_semaphore, #tpu.memory_space<semaphore_mem>>) src(%arg5 : memref<640x128xf32, #tpu.memory_space<hbm>>) dst(%dma_wait3A_188 : memref<640x128xf32, #tpu.memory_space<vmem_shared>>)
      tpu.yield
    }) : () -> ()
    %mul3A_5 = arith.constant 640 : i32
    %mul3A_6 = arith.muli %arg1, %mul3A_5 : i32
    %mul3A_7 = arith.constant 640 : i32
    %mul3A_8 = arith.muli %arg1, %mul3A_7 : i32
    "tpu.region"() ({
      %run_scoped3A = tpu.sem_alloc : memref<!tpu.dma_semaphore, #tpu.memory_space<semaphore_mem>>
      %dma_start3A_185 = tpu.memref_slice %arg35[%mul3A_8] : memref<10240xf32, #tpu.memory_space<vmem_shared>> -> memref<640xf32, #tpu.memory_space<vmem_shared>>
      %dma_start3A_186 = tpu.memref_slice %arg6[%mul3A_6] : memref<10240xf32, #tpu.memory_space<hbm>> -> memref<640xf32, #tpu.memory_space<hbm>>
      tpu.enqueue_dma source(%dma_start3A_186 : memref<640xf32, #tpu.memory_space<hbm>>) target(%dma_start3A_185 : memref<640xf32, #tpu.memory_space<vmem_shared>>) target_semaphore(%run_scoped3A : memref<!tpu.dma_semaphore, #tpu.memory_space<semaphore_mem>>)
      %dma_wait3A_187 = tpu.memref_slice %arg35[%mul3A_8] : memref<10240xf32, #tpu.memory_space<vmem_shared>> -> memref<640xf32, #tpu.memory_space<vmem_shared>>
      %dma_wait3A_188 = tpu.memref_slice %arg6[%mul3A_6] : memref<10240xf32, #tpu.memory_space<hbm>> -> memref<640xf32, #tpu.memory_space<hbm>>
      tpu.wait_dma2 semaphore(%run_scoped3A : memref<!tpu.dma_semaphore, #tpu.memory_space<semaphore_mem>>) src(%dma_wait3A_188 : memref<640xf32, #tpu.memory_space<hbm>>) dst(%dma_wait3A_187 : memref<640xf32, #tpu.memory_space<vmem_shared>>)
      tpu.yield
    }) : () -> ()
    %broadcast_in_dim3A = arith.constant 1.000000e+00 : f32
    %broadcast_in_dim3A_9 = vector.broadcast %broadcast_in_dim3A : f32 to vector<16xf32>
    %swap3A = arith.constant 0 : index
    %swap3A_10 = tpu.vector_load %arg34[%swap3A] {strides = array<i32>} : memref<80xf32, #tpu.memory_space<vmem>>, vector<16xf32>,
    %swap3A_11 = vector.shape_cast %swap3A_10 : vector<16xf32> to vector<16xf32>
    %swap3A_12 = vector.shape_cast %broadcast_in_dim3A_9 : vector<16xf32> to vector<16xf32>
    tpu.vector_store %arg34[%swap3A], %swap3A_12 {strides = array<i32>} : memref<80xf32, #tpu.memory_space<vmem>>, vector<16xf32>,
    %broadcast_in_dim3A_13 = arith.constant 1.000000e+00 : f32
    %broadcast_in_dim3A_14 = vector.broadcast %broadcast_in_dim3A_13 : f32 to vector<16xf32>
    %swap3A_15 = arith.constant 16 : index
    %swap3A_16 = tpu.vector_load %arg34[%swap3A_15] {strides = array<i32>} : memref<80xf32, #tpu.memory_space<vmem>>, vector<16xf32>,
    %swap3A_17 = vector.shape_cast %swap3A_16 : vector<16xf32> to vector<16xf32>
    %swap3A_18 = vector.shape_cast %broadcast_in_dim3A_14 : vector<16xf32> to vector<16xf32>
    tpu.vector_store %arg34[%swap3A_15], %swap3A_18 {strides = array<i32>} : memref<80xf32, #tpu.memory_space<vmem>>, vector<16xf32>,
    %broadcast_in_dim3A_19 = arith.constant 1.000000e+00 : f32
    %broadcast_in_dim3A_20 = vector.broadcast %broadcast_in_dim3A_19 : f32 to vector<16xf32>
    %swap3A_21 = arith.constant 32 : index
    %swap3A_22 = tpu.vector_load %arg34[%swap3A_21] {strides = array<i32>} : memref<80xf32, #tpu.memory_space<vmem>>, vector<16xf32>,
    %swap3A_23 = vector.shape_cast %swap3A_22 : vector<16xf32> to vector<16xf32>
    %swap3A_24 = vector.shape_cast %broadcast_in_dim3A_20 : vector<16xf32> to vector<16xf32>
    tpu.vector_store %arg34[%swap3A_21], %swap3A_24 {strides = array<i32>} : memref<80xf32, #tpu.memory_space<vmem>>, vector<16xf32>,
    %broadcast_in_dim3A_25 = arith.constant 1.000000e+00 : f32
    %broadcast_in_dim3A_26 = vector.broadcast %broadcast_in_dim3A_25 : f32 to vector<16xf32>
    %swap3A_27 = arith.constant 48 : index
    %swap3A_28 = tpu.vector_load %arg34[%swap3A_27] {strides = array<i32>} : memref<80xf32, #tpu.memory_space<vmem>>, vector<16xf32>,
    %swap3A_29 = vector.shape_cast %swap3A_28 : vector<16xf32> to vector<16xf32>
    %swap3A_30 = vector.shape_cast %broadcast_in_dim3A_26 : vector<16xf32> to vector<16xf32>
    tpu.vector_store %arg34[%swap3A_27], %swap3A_30 {strides = array<i32>} : memref<80xf32, #tpu.memory_space<vmem>>, vector<16xf32>,
    %broadcast_in_dim3A_31 = arith.constant 1.000000e+00 : f32
    %broadcast_in_dim3A_32 = vector.broadcast %broadcast_in_dim3A_31 : f32 to vector<16xf32>
    %swap3A_33 = arith.constant 64 : index
    %swap3A_34 = tpu.vector_load %arg34[%swap3A_33] {strides = array<i32>} : memref<80xf32, #tpu.memory_space<vmem>>, vector<16xf32>,
    %swap3A_35 = vector.shape_cast %swap3A_34 : vector<16xf32> to vector<16xf32>
    %swap3A_36 = vector.shape_cast %broadcast_in_dim3A_32 : vector<16xf32> to vector<16xf32>
    tpu.vector_store %arg34[%swap3A_33], %swap3A_36 {strides = array<i32>} : memref<80xf32, #tpu.memory_space<vmem>>, vector<16xf32>,
    %barrier3A = arith.constant 0 : index
    tpu.barrier barrier_id(%barrier3A)
    %add3A_37 = arith.constant 0 : i32
    %add3A_38 = arith.addi %mul3A_2, %add3A_37 : i32
    %dma_start3A = tpu.memref_slice %arg2[%add3A_38] : memref<320000xi32, #tpu.memory_space<hbm>> -> memref<80xi32, #tpu.memory_space<hbm>>
    %dma_start3A_39 = tpu.memref_slice %arg2[%add3A_38] : memref<320000xi32, #tpu.memory_space<hbm>> -> memref<80xi32, #tpu.memory_space<hbm>>
    tpu.enqueue_dma source(%dma_start3A_39 : memref<80xi32, #tpu.memory_space<hbm>>) target(%arg9 : memref<80xi32, #tpu.memory_space<vmem>>) target_semaphore(%arg12 : memref<!tpu.dma_semaphore, #tpu.memory_space<semaphore_mem>>)
    %dma_start3A_40 = tpu.memref_slice %arg3[%add3A_38] : memref<320000xi32, #tpu.memory_space<hbm>> -> memref<80xi32, #tpu.memory_space<hbm>>
    %dma_start3A_41 = tpu.memref_slice %arg3[%add3A_38] : memref<320000xi32, #tpu.memory_space<hbm>> -> memref<80xi32, #tpu.memory_space<hbm>>
    tpu.enqueue_dma source(%dma_start3A_41 : memref<80xi32, #tpu.memory_space<hbm>>) target(%arg10 : memref<80xi32, #tpu.memory_space<vmem>>) target_semaphore(%arg12 : memref<!tpu.dma_semaphore, #tpu.memory_space<semaphore_mem>>)
    %add3A_42 = arith.constant 80 : i32
    %add3A_43 = arith.addi %mul3A_2, %add3A_42 : i32
    %dma_start3A_44 = tpu.memref_slice %arg2[%add3A_43] : memref<320000xi32, #tpu.memory_space<hbm>> -> memref<80xi32, #tpu.memory_space<hbm>>
    %dma_start3A_45 = tpu.memref_slice %arg2[%add3A_43] : memref<320000xi32, #tpu.memory_space<hbm>> -> memref<80xi32, #tpu.memory_space<hbm>>
    tpu.enqueue_dma source(%dma_start3A_45 : memref<80xi32, #tpu.memory_space<hbm>>) target(%arg15 : memref<80xi32, #tpu.memory_space<vmem>>) target_semaphore(%arg18 : memref<!tpu.dma_semaphore, #tpu.memory_space<semaphore_mem>>)
    %dma_start3A_46 = tpu.memref_slice %arg3[%add3A_43] : memref<320000xi32, #tpu.memory_space<hbm>> -> memref<80xi32, #tpu.memory_space<hbm>>
    %dma_start3A_47 = tpu.memref_slice %arg3[%add3A_43] : memref<320000xi32, #tpu.memory_space<hbm>> -> memref<80xi32, #tpu.memory_space<hbm>>
    tpu.enqueue_dma source(%dma_start3A_47 : memref<80xi32, #tpu.memory_space<hbm>>) target(%arg16 : memref<80xi32, #tpu.memory_space<vmem>>) target_semaphore(%arg18 : memref<!tpu.dma_semaphore, #tpu.memory_space<semaphore_mem>>)
    %add3A_48 = arith.constant 0 : i32
    %add3A_49 = arith.addi %mul3A_2, %add3A_48 : i32
    %dma_wait3A = tpu.memref_slice %arg2[%add3A_49] : memref<320000xi32, #tpu.memory_space<hbm>> -> memref<80xi32, #tpu.memory_space<hbm>>
    %dma_wait3A_50 = tpu.memref_slice %arg2[%add3A_49] : memref<320000xi32, #tpu.memory_space<hbm>> -> memref<80xi32, #tpu.memory_space<hbm>>
    tpu.wait_dma2 semaphore(%arg12 : memref<!tpu.dma_semaphore, #tpu.memory_space<semaphore_mem>>) src(%dma_wait3A_50 : memref<80xi32, #tpu.memory_space<hbm>>) dst(%arg9 : memref<80xi32, #tpu.memory_space<vmem>>)
    %dma_wait3A_51 = tpu.memref_slice %arg3[%add3A_49] : memref<320000xi32, #tpu.memory_space<hbm>> -> memref<80xi32, #tpu.memory_space<hbm>>
    %dma_wait3A_52 = tpu.memref_slice %arg3[%add3A_49] : memref<320000xi32, #tpu.memory_space<hbm>> -> memref<80xi32, #tpu.memory_space<hbm>>
    tpu.wait_dma2 semaphore(%arg12 : memref<!tpu.dma_semaphore, #tpu.memory_space<semaphore_mem>>) src(%dma_wait3A_52 : memref<80xi32, #tpu.memory_space<hbm>>) dst(%arg10 : memref<80xi32, #tpu.memory_space<vmem>>)
    %dma_start3A_53 = arith.constant 0 : i32
    %dma_start3A_54 = arith.constant 0 : i32
    %dma_start3A_55 = tpu.memref_slice %arg4[%dma_start3A_53, %dma_start3A_54] : memref<10000x128xf32, #tpu.memory_space<hbm>> -> memref<10000x128xf32, #tpu.memory_space<hbm>>
    tpu.enqueue_indirect_dma source(%dma_start3A_55 : memref<10000x128xf32, #tpu.memory_space<hbm>>) target(%arg11 : memref<80x128xf32, #tpu.memory_space<vmem>>) offsets(%arg9 : memref<80xi32, #tpu.memory_space<vmem>>) semaphore(%arg13 : memref<!tpu.dma_semaphore, #tpu.memory_space<semaphore_mem>>)
    %add3A_56 = arith.constant 160 : i32
    %add3A_57 = arith.addi %mul3A_2, %add3A_56 : i32
    %dma_start3A_58 = tpu.memref_slice %arg2[%add3A_57] : memref<320000xi32, #tpu.memory_space<hbm>> -> memref<80xi32, #tpu.memory_space<hbm>>
    %dma_start3A_59 = tpu.memref_slice %arg2[%add3A_57] : memref<320000xi32, #tpu.memory_space<hbm>> -> memref<80xi32, #tpu.memory_space<hbm>>
    tpu.enqueue_dma source(%dma_start3A_59 : memref<80xi32, #tpu.memory_space<hbm>>) target(%arg21 : memref<80xi32, #tpu.memory_space<vmem>>) target_semaphore(%arg24 : memref<!tpu.dma_semaphore, #tpu.memory_space<semaphore_mem>>)
    %dma_start3A_60 = tpu.memref_slice %arg3[%add3A_57] : memref<320000xi32, #tpu.memory_space<hbm>> -> memref<80xi32, #tpu.memory_space<hbm>>
    %dma_start3A_61 = tpu.memref_slice %arg3[%add3A_57] : memref<320000xi32, #tpu.memory_space<hbm>> -> memref<80xi32, #tpu.memory_space<hbm>>
    tpu.enqueue_dma source(%dma_start3A_61 : memref<80xi32, #tpu.memory_space<hbm>>) target(%arg22 : memref<80xi32, #tpu.memory_space<vmem>>) target_semaphore(%arg24 : memref<!tpu.dma_semaphore, #tpu.memory_space<semaphore_mem>>)
    %add3A_62 = arith.constant 80 : i32
    %add3A_63 = arith.addi %mul3A_2, %add3A_62 : i32
    %dma_wait3A_64 = tpu.memref_slice %arg2[%add3A_63] : memref<320000xi32, #tpu.memory_space<hbm>> -> memref<80xi32, #tpu.memory_space<hbm>>
    %dma_wait3A_65 = tpu.memref_slice %arg2[%add3A_63] : memref<320000xi32, #tpu.memory_space<hbm>> -> memref<80xi32, #tpu.memory_space<hbm>>
    tpu.wait_dma2 semaphore(%arg18 : memref<!tpu.dma_semaphore, #tpu.memory_space<semaphore_mem>>) src(%dma_wait3A_65 : memref<80xi32, #tpu.memory_space<hbm>>) dst(%arg15 : memref<80xi32, #tpu.memory_space<vmem>>)
    %dma_wait3A_66 = tpu.memref_slice %arg3[%add3A_63] : memref<320000xi32, #tpu.memory_space<hbm>> -> memref<80xi32, #tpu.memory_space<hbm>>
    %dma_wait3A_67 = tpu.memref_slice %arg3[%add3A_63] : memref<320000xi32, #tpu.memory_space<hbm>> -> memref<80xi32, #tpu.memory_space<hbm>>
    tpu.wait_dma2 semaphore(%arg18 : memref<!tpu.dma_semaphore, #tpu.memory_space<semaphore_mem>>) src(%dma_wait3A_67 : memref<80xi32, #tpu.memory_space<hbm>>) dst(%arg16 : memref<80xi32, #tpu.memory_space<vmem>>)
    %dma_start3A_68 = arith.constant 0 : i32
    %dma_start3A_69 = arith.constant 0 : i32
    %dma_start3A_70 = tpu.memref_slice %arg4[%dma_start3A_68, %dma_start3A_69] : memref<10000x128xf32, #tpu.memory_space<hbm>> -> memref<10000x128xf32, #tpu.memory_space<hbm>>
    tpu.enqueue_indirect_dma source(%dma_start3A_70 : memref<10000x128xf32, #tpu.memory_space<hbm>>) target(%arg17 : memref<80x128xf32, #tpu.memory_space<vmem>>) offsets(%arg15 : memref<80xi32, #tpu.memory_space<vmem>>) semaphore(%arg19 : memref<!tpu.dma_semaphore, #tpu.memory_space<semaphore_mem>>)
    %add3A_71 = arith.constant 240 : i32
    %add3A_72 = arith.addi %mul3A_2, %add3A_71 : i32
    %dma_start3A_73 = tpu.memref_slice %arg2[%add3A_72] : memref<320000xi32, #tpu.memory_space<hbm>> -> memref<80xi32, #tpu.memory_space<hbm>>
    %dma_start3A_74 = tpu.memref_slice %arg2[%add3A_72] : memref<320000xi32, #tpu.memory_space<hbm>> -> memref<80xi32, #tpu.memory_space<hbm>>
    tpu.enqueue_dma source(%dma_start3A_74 : memref<80xi32, #tpu.memory_space<hbm>>) target(%arg27 : memref<80xi32, #tpu.memory_space<vmem>>) target_semaphore(%arg30 : memref<!tpu.dma_semaphore, #tpu.memory_space<semaphore_mem>>)
    %dma_start3A_75 = tpu.memref_slice %arg3[%add3A_72] : memref<320000xi32, #tpu.memory_space<hbm>> -> memref<80xi32, #tpu.memory_space<hbm>>
    %dma_start3A_76 = tpu.memref_slice %arg3[%add3A_72] : memref<320000xi32, #tpu.memory_space<hbm>> -> memref<80xi32, #tpu.memory_space<hbm>>
    tpu.enqueue_dma source(%dma_start3A_76 : memref<80xi32, #tpu.memory_space<hbm>>) target(%arg28 : memref<80xi32, #tpu.memory_space<vmem>>) target_semaphore(%arg30 : memref<!tpu.dma_semaphore, #tpu.memory_space<semaphore_mem>>)
    %dma_wait3A_77 = arith.constant 0 : i32
    %dma_wait3A_78 = arith.constant 0 : i32
    %dma_wait3A_79 = tpu.memref_slice %arg4[%dma_wait3A_77, %dma_wait3A_78] : memref<10000x128xf32, #tpu.memory_space<hbm>> -> memref<10000x128xf32, #tpu.memory_space<hbm>>
    tpu.wait_indirect_dma semaphore(%arg13 : memref<!tpu.dma_semaphore, #tpu.memory_space<semaphore_mem>>) src(%dma_wait3A_79 : memref<10000x128xf32, #tpu.memory_space<hbm>>) dst(%arg11 : memref<80x128xf32, #tpu.memory_space<vmem>>)
    %dma_start3A_80 = arith.constant 0 : i32
    %dma_start3A_81 = arith.constant 0 : i32
    %dma_start3A_82 = tpu.memref_slice %arg33[%dma_start3A_80, %dma_start3A_81] : memref<10240x128xf32, #tpu.memory_space<vmem_shared>> -> memref<10240x128xf32, #tpu.memory_space<vmem_shared>>
    tpu.enqueue_indirect_dma source(%arg11 : memref<80x128xf32, #tpu.memory_space<vmem>>) target(%dma_start3A_82 : memref<10240x128xf32, #tpu.memory_space<vmem_shared>>) offsets(%arg10 : memref<80xi32, #tpu.memory_space<vmem>>) semaphore(%arg14 : memref<!tpu.dma_semaphore, #tpu.memory_space<semaphore_mem>>) {add = true}
    %dma_start3A_83 = arith.constant 0 : i32
    %dma_start3A_84 = tpu.memref_slice %arg35[%dma_start3A_83] : memref<10240xf32, #tpu.memory_space<vmem_shared>> -> memref<10240xf32, #tpu.memory_space<vmem_shared>>
    tpu.enqueue_indirect_dma source(%arg34 : memref<80xf32, #tpu.memory_space<vmem>>) target(%dma_start3A_84 : memref<10240xf32, #tpu.memory_space<vmem_shared>>) offsets(%arg10 : memref<80xi32, #tpu.memory_space<vmem>>) semaphore(%arg14 : memref<!tpu.dma_semaphore, #tpu.memory_space<semaphore_mem>>) {add = true}
    %scan3A = arith.constant 0 : i32
    %scan3A_85 = arith.constant 0 : i32
    %scan3A_86 = arith.constant 30 : i32
    %scan3A_87 = arith.addi %scan3A_85, %scan3A_86 : i32
    %scan3A_88 = arith.constant 1 : i32
    scf.for %scan3A_185 = %scan3A_85 to %scan3A_87 step %scan3A_88  : i32 {
      %mul3A_186 = arith.constant 4 : i32
      %mul3A_187 = arith.muli %mul3A_186, %scan3A_185 : i32
      %add3A_188 = arith.constant 2 : i32
      %add3A_189 = arith.addi %add3A_188, %mul3A_187 : i32
      %add3A_190 = arith.constant 0 : i32
      %add3A_191 = arith.addi %add3A_189, %add3A_190 : i32
      %mul3A_192 = arith.constant 80 : i32
      %mul3A_193 = arith.muli %add3A_191, %mul3A_192 : i32
      %add3A_194 = arith.addi %mul3A_2, %mul3A_193 : i32
      %dma_wait3A_195 = tpu.memref_slice %arg2[%add3A_194] : memref<320000xi32, #tpu.memory_space<hbm>> -> memref<80xi32, #tpu.memory_space<hbm>>
      %dma_wait3A_196 = tpu.memref_slice %arg2[%add3A_194] : memref<320000xi32, #tpu.memory_space<hbm>> -> memref<80xi32, #tpu.memory_space<hbm>>
      tpu.wait_dma2 semaphore(%arg24 : memref<!tpu.dma_semaphore, #tpu.memory_space<semaphore_mem>>) src(%dma_wait3A_196 : memref<80xi32, #tpu.memory_space<hbm>>) dst(%arg21 : memref<80xi32, #tpu.memory_space<vmem>>)
      %dma_wait3A_197 = tpu.memref_slice %arg3[%add3A_194] : memref<320000xi32, #tpu.memory_space<hbm>> -> memref<80xi32, #tpu.memory_space<hbm>>
      %dma_wait3A_198 = tpu.memref_slice %arg3[%add3A_194] : memref<320000xi32, #tpu.memory_space<hbm>> -> memref<80xi32, #tpu.memory_space<hbm>>
      tpu.wait_dma2 semaphore(%arg24 : memref<!tpu.dma_semaphore, #tpu.memory_space<semaphore_mem>>) src(%dma_wait3A_198 : memref<80xi32, #tpu.memory_space<hbm>>) dst(%arg22 : memref<80xi32, #tpu.memory_space<vmem>>)
      %dma_start3A_199 = arith.constant 0 : i32
      %dma_start3A_200 = arith.constant 0 : i32
      %dma_start3A_201 = tpu.memref_slice %arg4[%dma_start3A_199, %dma_start3A_200] : memref<10000x128xf32, #tpu.memory_space<hbm>> -> memref<10000x128xf32, #tpu.memory_space<hbm>>
      tpu.enqueue_indirect_dma source(%dma_start3A_201 : memref<10000x128xf32, #tpu.memory_space<hbm>>) target(%arg23 : memref<80x128xf32, #tpu.memory_space<vmem>>) offsets(%arg21 : memref<80xi32, #tpu.memory_space<vmem>>) semaphore(%arg25 : memref<!tpu.dma_semaphore, #tpu.memory_space<semaphore_mem>>)
      %dma_wait3A_202 = arith.constant 0 : i32
      %dma_wait3A_203 = arith.constant 0 : i32
      %dma_wait3A_204 = tpu.memref_slice %arg33[%dma_wait3A_202, %dma_wait3A_203] : memref<10240x128xf32, #tpu.memory_space<vmem_shared>> -> memref<10240x128xf32, #tpu.memory_space<vmem_shared>>
      tpu.wait_indirect_dma semaphore(%arg14 : memref<!tpu.dma_semaphore, #tpu.memory_space<semaphore_mem>>) src(%arg11 : memref<80x128xf32, #tpu.memory_space<vmem>>) dst(%dma_wait3A_204 : memref<10240x128xf32, #tpu.memory_space<vmem_shared>>)
      %dma_wait3A_205 = arith.constant 0 : i32
      %dma_wait3A_206 = tpu.memref_slice %arg35[%dma_wait3A_205] : memref<10240xf32, #tpu.memory_space<vmem_shared>> -> memref<10240xf32, #tpu.memory_space<vmem_shared>>
      tpu.wait_indirect_dma semaphore(%arg14 : memref<!tpu.dma_semaphore, #tpu.memory_space<semaphore_mem>>) src(%arg34 : memref<80xf32, #tpu.memory_space<vmem>>) dst(%dma_wait3A_206 : memref<10240xf32, #tpu.memory_space<vmem_shared>>)
      %add3A_207 = arith.constant 2 : i32
      %add3A_208 = arith.addi %add3A_191, %add3A_207 : i32
      %mul3A_209 = arith.constant 80 : i32
      %mul3A_210 = arith.muli %add3A_208, %mul3A_209 : i32
      %add3A_211 = arith.addi %mul3A_2, %mul3A_210 : i32
      %dma_start3A_212 = tpu.memref_slice %arg2[%add3A_211] : memref<320000xi32, #tpu.memory_space<hbm>> -> memref<80xi32, #tpu.memory_space<hbm>>
      %dma_start3A_213 = tpu.memref_slice %arg2[%add3A_211] : memref<320000xi32, #tpu.memory_space<hbm>> -> memref<80xi32, #tpu.memory_space<hbm>>
      tpu.enqueue_dma source(%dma_start3A_213 : memref<80xi32, #tpu.memory_space<hbm>>) target(%arg9 : memref<80xi32, #tpu.memory_space<vmem>>) target_semaphore(%arg12 : memref<!tpu.dma_semaphore, #tpu.memory_space<semaphore_mem>>)
      %dma_start3A_214 = tpu.memref_slice %arg3[%add3A_211] : memref<320000xi32, #tpu.memory_space<hbm>> -> memref<80xi32, #tpu.memory_space<hbm>>
      %dma_start3A_215 = tpu.memref_slice %arg3[%add3A_211] : memref<320000xi32, #tpu.memory_space<hbm>> -> memref<80xi32, #tpu.memory_space<hbm>>
      tpu.enqueue_dma source(%dma_start3A_215 : memref<80xi32, #tpu.memory_space<hbm>>) target(%arg10 : memref<80xi32, #tpu.memory_space<vmem>>) target_semaphore(%arg12 : memref<!tpu.dma_semaphore, #tpu.memory_space<semaphore_mem>>)
      %dma_wait3A_216 = arith.constant 0 : i32
      %dma_wait3A_217 = arith.constant 0 : i32
      %dma_wait3A_218 = tpu.memref_slice %arg4[%dma_wait3A_216, %dma_wait3A_217] : memref<10000x128xf32, #tpu.memory_space<hbm>> -> memref<10000x128xf32, #tpu.memory_space<hbm>>
      tpu.wait_indirect_dma semaphore(%arg19 : memref<!tpu.dma_semaphore, #tpu.memory_space<semaphore_mem>>) src(%dma_wait3A_218 : memref<10000x128xf32, #tpu.memory_space<hbm>>) dst(%arg17 : memref<80x128xf32, #tpu.memory_space<vmem>>)
      %dma_start3A_219 = arith.constant 0 : i32
      %dma_start3A_220 = arith.constant 0 : i32
      %dma_start3A_221 = tpu.memref_slice %arg33[%dma_start3A_219, %dma_start3A_220] : memref<10240x128xf32, #tpu.memory_space<vmem_shared>> -> memref<10240x128xf32, #tpu.memory_space<vmem_shared>>
      tpu.enqueue_indirect_dma source(%arg17 : memref<80x128xf32, #tpu.memory_space<vmem>>) target(%dma_start3A_221 : memref<10240x128xf32, #tpu.memory_space<vmem_shared>>) offsets(%arg16 : memref<80xi32, #tpu.memory_space<vmem>>) semaphore(%arg20 : memref<!tpu.dma_semaphore, #tpu.memory_space<semaphore_mem>>) {add = true}
      %dma_start3A_222 = arith.constant 0 : i32
      %dma_start3A_223 = tpu.memref_slice %arg35[%dma_start3A_222] : memref<10240xf32, #tpu.memory_space<vmem_shared>> -> memref<10240xf32, #tpu.memory_space<vmem_shared>>
      tpu.enqueue_indirect_dma source(%arg34 : memref<80xf32, #tpu.memory_space<vmem>>) target(%dma_start3A_223 : memref<10240xf32, #tpu.memory_space<vmem_shared>>) offsets(%arg16 : memref<80xi32, #tpu.memory_space<vmem>>) semaphore(%arg20 : memref<!tpu.dma_semaphore, #tpu.memory_space<semaphore_mem>>) {add = true}
      %mul3A_224 = arith.constant 4 : i32
      %mul3A_225 = arith.muli %mul3A_224, %scan3A_185 : i32
      %add3A_226 = arith.constant 2 : i32
      %add3A_227 = arith.addi %add3A_226, %mul3A_225 : i32
      %add3A_228 = arith.constant 1 : i32
      %add3A_229 = arith.addi %add3A_227, %add3A_228 : i32
      %mul3A_230 = arith.constant 80 : i32
      %mul3A_231 = arith.muli %add3A_229, %mul3A_230 : i32
      %add3A_232 = arith.addi %mul3A_2, %mul3A_231 : i32
      %dma_wait3A_233 = tpu.memref_slice %arg2[%add3A_232] : memref<320000xi32, #tpu.memory_space<hbm>> -> memref<80xi32, #tpu.memory_space<hbm>>
      %dma_wait3A_234 = tpu.memref_slice %arg2[%add3A_232] : memref<320000xi32, #tpu.memory_space<hbm>> -> memref<80xi32, #tpu.memory_space<hbm>>
      tpu.wait_dma2 semaphore(%arg30 : memref<!tpu.dma_semaphore, #tpu.memory_space<semaphore_mem>>) src(%dma_wait3A_234 : memref<80xi32, #tpu.memory_space<hbm>>) dst(%arg27 : memref<80xi32, #tpu.memory_space<vmem>>)
      %dma_wait3A_235 = tpu.memref_slice %arg3[%add3A_232] : memref<320000xi32, #tpu.memory_space<hbm>> -> memref<80xi32, #tpu.memory_space<hbm>>
      %dma_wait3A_236 = tpu.memref_slice %arg3[%add3A_232] : memref<320000xi32, #tpu.memory_space<hbm>> -> memref<80xi32, #tpu.memory_space<hbm>>
      tpu.wait_dma2 semaphore(%arg30 : memref<!tpu.dma_semaphore, #tpu.memory_space<semaphore_mem>>) src(%dma_wait3A_236 : memref<80xi32, #tpu.memory_space<hbm>>) dst(%arg28 : memref<80xi32, #tpu.memory_space<vmem>>)
      %dma_start3A_237 = arith.constant 0 : i32
      %dma_start3A_238 = arith.constant 0 : i32
      %dma_start3A_239 = tpu.memref_slice %arg4[%dma_start3A_237, %dma_start3A_238] : memref<10000x128xf32, #tpu.memory_space<hbm>> -> memref<10000x128xf32, #tpu.memory_space<hbm>>
      tpu.enqueue_indirect_dma source(%dma_start3A_239 : memref<10000x128xf32, #tpu.memory_space<hbm>>) target(%arg29 : memref<80x128xf32, #tpu.memory_space<vmem>>) offsets(%arg27 : memref<80xi32, #tpu.memory_space<vmem>>) semaphore(%arg31 : memref<!tpu.dma_semaphore, #tpu.memory_space<semaphore_mem>>)
      %dma_wait3A_240 = arith.constant 0 : i32
      %dma_wait3A_241 = arith.constant 0 : i32
      %dma_wait3A_242 = tpu.memref_slice %arg33[%dma_wait3A_240, %dma_wait3A_241] : memref<10240x128xf32, #tpu.memory_space<vmem_shared>> -> memref<10240x128xf32, #tpu.memory_space<vmem_shared>>
      tpu.wait_indirect_dma semaphore(%arg20 : memref<!tpu.dma_semaphore, #tpu.memory_space<semaphore_mem>>) src(%arg17 : memref<80x128xf32, #tpu.memory_space<vmem>>) dst(%dma_wait3A_242 : memref<10240x128xf32, #tpu.memory_space<vmem_shared>>)
      %dma_wait3A_243 = arith.constant 0 : i32
      %dma_wait3A_244 = tpu.memref_slice %arg35[%dma_wait3A_243] : memref<10240xf32, #tpu.memory_space<vmem_shared>> -> memref<10240xf32, #tpu.memory_space<vmem_shared>>
      tpu.wait_indirect_dma semaphore(%arg20 : memref<!tpu.dma_semaphore, #tpu.memory_space<semaphore_mem>>) src(%arg34 : memref<80xf32, #tpu.memory_space<vmem>>) dst(%dma_wait3A_244 : memref<10240xf32, #tpu.memory_space<vmem_shared>>)
      %add3A_245 = arith.constant 2 : i32
      %add3A_246 = arith.addi %add3A_229, %add3A_245 : i32
      %mul3A_247 = arith.constant 80 : i32
      %mul3A_248 = arith.muli %add3A_246, %mul3A_247 : i32
      %add3A_249 = arith.addi %mul3A_2, %mul3A_248 : i32
      %dma_start3A_250 = tpu.memref_slice %arg2[%add3A_249] : memref<320000xi32, #tpu.memory_space<hbm>> -> memref<80xi32, #tpu.memory_space<hbm>>
      %dma_start3A_251 = tpu.memref_slice %arg2[%add3A_249] : memref<320000xi32, #tpu.memory_space<hbm>> -> memref<80xi32, #tpu.memory_space<hbm>>
      tpu.enqueue_dma source(%dma_start3A_251 : memref<80xi32, #tpu.memory_space<hbm>>) target(%arg15 : memref<80xi32, #tpu.memory_space<vmem>>) target_semaphore(%arg18 : memref<!tpu.dma_semaphore, #tpu.memory_space<semaphore_mem>>)
      %dma_start3A_252 = tpu.memref_slice %arg3[%add3A_249] : memref<320000xi32, #tpu.memory_space<hbm>> -> memref<80xi32, #tpu.memory_space<hbm>>
      %dma_start3A_253 = tpu.memref_slice %arg3[%add3A_249] : memref<320000xi32, #tpu.memory_space<hbm>> -> memref<80xi32, #tpu.memory_space<hbm>>
      tpu.enqueue_dma source(%dma_start3A_253 : memref<80xi32, #tpu.memory_space<hbm>>) target(%arg16 : memref<80xi32, #tpu.memory_space<vmem>>) target_semaphore(%arg18 : memref<!tpu.dma_semaphore, #tpu.memory_space<semaphore_mem>>)
      %dma_wait3A_254 = arith.constant 0 : i32
      %dma_wait3A_255 = arith.constant 0 : i32
      %dma_wait3A_256 = tpu.memref_slice %arg4[%dma_wait3A_254, %dma_wait3A_255] : memref<10000x128xf32, #tpu.memory_space<hbm>> -> memref<10000x128xf32, #tpu.memory_space<hbm>>
      tpu.wait_indirect_dma semaphore(%arg25 : memref<!tpu.dma_semaphore, #tpu.memory_space<semaphore_mem>>) src(%dma_wait3A_256 : memref<10000x128xf32, #tpu.memory_space<hbm>>) dst(%arg23 : memref<80x128xf32, #tpu.memory_space<vmem>>)
      %dma_start3A_257 = arith.constant 0 : i32
      %dma_start3A_258 = arith.constant 0 : i32
      %dma_start3A_259 = tpu.memref_slice %arg33[%dma_start3A_257, %dma_start3A_258] : memref<10240x128xf32, #tpu.memory_space<vmem_shared>> -> memref<10240x128xf32, #tpu.memory_space<vmem_shared>>
      tpu.enqueue_indirect_dma source(%arg23 : memref<80x128xf32, #tpu.memory_space<vmem>>) target(%dma_start3A_259 : memref<10240x128xf32, #tpu.memory_space<vmem_shared>>) offsets(%arg22 : memref<80xi32, #tpu.memory_space<vmem>>) semaphore(%arg26 : memref<!tpu.dma_semaphore, #tpu.memory_space<semaphore_mem>>) {add = true}
      %dma_start3A_260 = arith.constant 0 : i32
      %dma_start3A_261 = tpu.memref_slice %arg35[%dma_start3A_260] : memref<10240xf32, #tpu.memory_space<vmem_shared>> -> memref<10240xf32, #tpu.memory_space<vmem_shared>>
      tpu.enqueue_indirect_dma source(%arg34 : memref<80xf32, #tpu.memory_space<vmem>>) target(%dma_start3A_261 : memref<10240xf32, #tpu.memory_space<vmem_shared>>) offsets(%arg22 : memref<80xi32, #tpu.memory_space<vmem>>) semaphore(%arg26 : memref<!tpu.dma_semaphore, #tpu.memory_space<semaphore_mem>>) {add = true}
      %mul3A_262 = arith.constant 4 : i32
      %mul3A_263 = arith.muli %mul3A_262, %scan3A_185 : i32
      %add3A_264 = arith.constant 2 : i32
      %add3A_265 = arith.addi %add3A_264, %mul3A_263 : i32
      %add3A_266 = arith.constant 2 : i32
      %add3A_267 = arith.addi %add3A_265, %add3A_266 : i32
      %mul3A_268 = arith.constant 80 : i32
      %mul3A_269 = arith.muli %add3A_267, %mul3A_268 : i32
      %add3A_270 = arith.addi %mul3A_2, %mul3A_269 : i32
      %dma_wait3A_271 = tpu.memref_slice %arg2[%add3A_270] : memref<320000xi32, #tpu.memory_space<hbm>> -> memref<80xi32, #tpu.memory_space<hbm>>
      %dma_wait3A_272 = tpu.memref_slice %arg2[%add3A_270] : memref<320000xi32, #tpu.memory_space<hbm>> -> memref<80xi32, #tpu.memory_space<hbm>>
      tpu.wait_dma2 semaphore(%arg12 : memref<!tpu.dma_semaphore, #tpu.memory_space<semaphore_mem>>) src(%dma_wait3A_272 : memref<80xi32, #tpu.memory_space<hbm>>) dst(%arg9 : memref<80xi32, #tpu.memory_space<vmem>>)
      %dma_wait3A_273 = tpu.memref_slice %arg3[%add3A_270] : memref<320000xi32, #tpu.memory_space<hbm>> -> memref<80xi32, #tpu.memory_space<hbm>>
      %dma_wait3A_274 = tpu.memref_slice %arg3[%add3A_270] : memref<320000xi32, #tpu.memory_space<hbm>> -> memref<80xi32, #tpu.memory_space<hbm>>
      tpu.wait_dma2 semaphore(%arg12 : memref<!tpu.dma_semaphore, #tpu.memory_space<semaphore_mem>>) src(%dma_wait3A_274 : memref<80xi32, #tpu.memory_space<hbm>>) dst(%arg10 : memref<80xi32, #tpu.memory_space<vmem>>)
      %dma_start3A_275 = arith.constant 0 : i32
      %dma_start3A_276 = arith.constant 0 : i32
      %dma_start3A_277 = tpu.memref_slice %arg4[%dma_start3A_275, %dma_start3A_276] : memref<10000x128xf32, #tpu.memory_space<hbm>> -> memref<10000x128xf32, #tpu.memory_space<hbm>>
      tpu.enqueue_indirect_dma source(%dma_start3A_277 : memref<10000x128xf32, #tpu.memory_space<hbm>>) target(%arg11 : memref<80x128xf32, #tpu.memory_space<vmem>>) offsets(%arg9 : memref<80xi32, #tpu.memory_space<vmem>>) semaphore(%arg13 : memref<!tpu.dma_semaphore, #tpu.memory_space<semaphore_mem>>)
      %dma_wait3A_278 = arith.constant 0 : i32
      %dma_wait3A_279 = arith.constant 0 : i32
      %dma_wait3A_280 = tpu.memref_slice %arg33[%dma_wait3A_278, %dma_wait3A_279] : memref<10240x128xf32, #tpu.memory_space<vmem_shared>> -> memref<10240x128xf32, #tpu.memory_space<vmem_shared>>
      tpu.wait_indirect_dma semaphore(%arg26 : memref<!tpu.dma_semaphore, #tpu.memory_space<semaphore_mem>>) src(%arg23 : memref<80x128xf32, #tpu.memory_space<vmem>>) dst(%dma_wait3A_280 : memref<10240x128xf32, #tpu.memory_space<vmem_shared>>)
      %dma_wait3A_281 = arith.constant 0 : i32
      %dma_wait3A_282 = tpu.memref_slice %arg35[%dma_wait3A_281] : memref<10240xf32, #tpu.memory_space<vmem_shared>> -> memref<10240xf32, #tpu.memory_space<vmem_shared>>
      tpu.wait_indirect_dma semaphore(%arg26 : memref<!tpu.dma_semaphore, #tpu.memory_space<semaphore_mem>>) src(%arg34 : memref<80xf32, #tpu.memory_space<vmem>>) dst(%dma_wait3A_282 : memref<10240xf32, #tpu.memory_space<vmem_shared>>)
      %add3A_283 = arith.constant 2 : i32
      %add3A_284 = arith.addi %add3A_267, %add3A_283 : i32
      %mul3A_285 = arith.constant 80 : i32
      %mul3A_286 = arith.muli %add3A_284, %mul3A_285 : i32
      %add3A_287 = arith.addi %mul3A_2, %mul3A_286 : i32
      %dma_start3A_288 = tpu.memref_slice %arg2[%add3A_287] : memref<320000xi32, #tpu.memory_space<hbm>> -> memref<80xi32, #tpu.memory_space<hbm>>
      %dma_start3A_289 = tpu.memref_slice %arg2[%add3A_287] : memref<320000xi32, #tpu.memory_space<hbm>> -> memref<80xi32, #tpu.memory_space<hbm>>
      tpu.enqueue_dma source(%dma_start3A_289 : memref<80xi32, #tpu.memory_space<hbm>>) target(%arg21 : memref<80xi32, #tpu.memory_space<vmem>>) target_semaphore(%arg24 : memref<!tpu.dma_semaphore, #tpu.memory_space<semaphore_mem>>)
      %dma_start3A_290 = tpu.memref_slice %arg3[%add3A_287] : memref<320000xi32, #tpu.memory_space<hbm>> -> memref<80xi32, #tpu.memory_space<hbm>>
      %dma_start3A_291 = tpu.memref_slice %arg3[%add3A_287] : memref<320000xi32, #tpu.memory_space<hbm>> -> memref<80xi32, #tpu.memory_space<hbm>>
      tpu.enqueue_dma source(%dma_start3A_291 : memref<80xi32, #tpu.memory_space<hbm>>) target(%arg22 : memref<80xi32, #tpu.memory_space<vmem>>) target_semaphore(%arg24 : memref<!tpu.dma_semaphore, #tpu.memory_space<semaphore_mem>>)
      %dma_wait3A_292 = arith.constant 0 : i32
      %dma_wait3A_293 = arith.constant 0 : i32
      %dma_wait3A_294 = tpu.memref_slice %arg4[%dma_wait3A_292, %dma_wait3A_293] : memref<10000x128xf32, #tpu.memory_space<hbm>> -> memref<10000x128xf32, #tpu.memory_space<hbm>>
      tpu.wait_indirect_dma semaphore(%arg31 : memref<!tpu.dma_semaphore, #tpu.memory_space<semaphore_mem>>) src(%dma_wait3A_294 : memref<10000x128xf32, #tpu.memory_space<hbm>>) dst(%arg29 : memref<80x128xf32, #tpu.memory_space<vmem>>)
      %dma_start3A_295 = arith.constant 0 : i32
      %dma_start3A_296 = arith.constant 0 : i32
      %dma_start3A_297 = tpu.memref_slice %arg33[%dma_start3A_295, %dma_start3A_296] : memref<10240x128xf32, #tpu.memory_space<vmem_shared>> -> memref<10240x128xf32, #tpu.memory_space<vmem_shared>>
      tpu.enqueue_indirect_dma source(%arg29 : memref<80x128xf32, #tpu.memory_space<vmem>>) target(%dma_start3A_297 : memref<10240x128xf32, #tpu.memory_space<vmem_shared>>) offsets(%arg28 : memref<80xi32, #tpu.memory_space<vmem>>) semaphore(%arg32 : memref<!tpu.dma_semaphore, #tpu.memory_space<semaphore_mem>>) {add = true}
      %dma_start3A_298 = arith.constant 0 : i32
      %dma_start3A_299 = tpu.memref_slice %arg35[%dma_start3A_298] : memref<10240xf32, #tpu.memory_space<vmem_shared>> -> memref<10240xf32, #tpu.memory_space<vmem_shared>>
      tpu.enqueue_indirect_dma source(%arg34 : memref<80xf32, #tpu.memory_space<vmem>>) target(%dma_start3A_299 : memref<10240xf32, #tpu.memory_space<vmem_shared>>) offsets(%arg28 : memref<80xi32, #tpu.memory_space<vmem>>) semaphore(%arg32 : memref<!tpu.dma_semaphore, #tpu.memory_space<semaphore_mem>>) {add = true}
      %mul3A_300 = arith.constant 4 : i32
      %mul3A_301 = arith.muli %mul3A_300, %scan3A_185 : i32
      %add3A_302 = arith.constant 2 : i32
      %add3A_303 = arith.addi %add3A_302, %mul3A_301 : i32
      %add3A_304 = arith.constant 3 : i32
      %add3A_305 = arith.addi %add3A_303, %add3A_304 : i32
      %mul3A_306 = arith.constant 80 : i32
      %mul3A_307 = arith.muli %add3A_305, %mul3A_306 : i32
      %add3A_308 = arith.addi %mul3A_2, %mul3A_307 : i32
      %dma_wait3A_309 = tpu.memref_slice %arg2[%add3A_308] : memref<320000xi32, #tpu.memory_space<hbm>> -> memref<80xi32, #tpu.memory_space<hbm>>
      %dma_wait3A_310 = tpu.memref_slice %arg2[%add3A_308] : memref<320000xi32, #tpu.memory_space<hbm>> -> memref<80xi32, #tpu.memory_space<hbm>>
      tpu.wait_dma2 semaphore(%arg18 : memref<!tpu.dma_semaphore, #tpu.memory_space<semaphore_mem>>) src(%dma_wait3A_310 : memref<80xi32, #tpu.memory_space<hbm>>) dst(%arg15 : memref<80xi32, #tpu.memory_space<vmem>>)
      %dma_wait3A_311 = tpu.memref_slice %arg3[%add3A_308] : memref<320000xi32, #tpu.memory_space<hbm>> -> memref<80xi32, #tpu.memory_space<hbm>>
      %dma_wait3A_312 = tpu.memref_slice %arg3[%add3A_308] : memref<320000xi32, #tpu.memory_space<hbm>> -> memref<80xi32, #tpu.memory_space<hbm>>
      tpu.wait_dma2 semaphore(%arg18 : memref<!tpu.dma_semaphore, #tpu.memory_space<semaphore_mem>>) src(%dma_wait3A_312 : memref<80xi32, #tpu.memory_space<hbm>>) dst(%arg16 : memref<80xi32, #tpu.memory_space<vmem>>)
      %dma_start3A_313 = arith.constant 0 : i32
      %dma_start3A_314 = arith.constant 0 : i32
      %dma_start3A_315 = tpu.memref_slice %arg4[%dma_start3A_313, %dma_start3A_314] : memref<10000x128xf32, #tpu.memory_space<hbm>> -> memref<10000x128xf32, #tpu.memory_space<hbm>>
      tpu.enqueue_indirect_dma source(%dma_start3A_315 : memref<10000x128xf32, #tpu.memory_space<hbm>>) target(%arg17 : memref<80x128xf32, #tpu.memory_space<vmem>>) offsets(%arg15 : memref<80xi32, #tpu.memory_space<vmem>>) semaphore(%arg19 : memref<!tpu.dma_semaphore, #tpu.memory_space<semaphore_mem>>)
      %dma_wait3A_316 = arith.constant 0 : i32
      %dma_wait3A_317 = arith.constant 0 : i32
      %dma_wait3A_318 = tpu.memref_slice %arg33[%dma_wait3A_316, %dma_wait3A_317] : memref<10240x128xf32, #tpu.memory_space<vmem_shared>> -> memref<10240x128xf32, #tpu.memory_space<vmem_shared>>
      tpu.wait_indirect_dma semaphore(%arg32 : memref<!tpu.dma_semaphore, #tpu.memory_space<semaphore_mem>>) src(%arg29 : memref<80x128xf32, #tpu.memory_space<vmem>>) dst(%dma_wait3A_318 : memref<10240x128xf32, #tpu.memory_space<vmem_shared>>)
      %dma_wait3A_319 = arith.constant 0 : i32
      %dma_wait3A_320 = tpu.memref_slice %arg35[%dma_wait3A_319] : memref<10240xf32, #tpu.memory_space<vmem_shared>> -> memref<10240xf32, #tpu.memory_space<vmem_shared>>
      tpu.wait_indirect_dma semaphore(%arg32 : memref<!tpu.dma_semaphore, #tpu.memory_space<semaphore_mem>>) src(%arg34 : memref<80xf32, #tpu.memory_space<vmem>>) dst(%dma_wait3A_320 : memref<10240xf32, #tpu.memory_space<vmem_shared>>)
      %add3A_321 = arith.constant 2 : i32
      %add3A_322 = arith.addi %add3A_305, %add3A_321 : i32
      %mul3A_323 = arith.constant 80 : i32
      %mul3A_324 = arith.muli %add3A_322, %mul3A_323 : i32
      %add3A_325 = arith.addi %mul3A_2, %mul3A_324 : i32
      %dma_start3A_326 = tpu.memref_slice %arg2[%add3A_325] : memref<320000xi32, #tpu.memory_space<hbm>> -> memref<80xi32, #tpu.memory_space<hbm>>
      %dma_start3A_327 = tpu.memref_slice %arg2[%add3A_325] : memref<320000xi32, #tpu.memory_space<hbm>> -> memref<80xi32, #tpu.memory_space<hbm>>
      tpu.enqueue_dma source(%dma_start3A_327 : memref<80xi32, #tpu.memory_space<hbm>>) target(%arg27 : memref<80xi32, #tpu.memory_space<vmem>>) target_semaphore(%arg30 : memref<!tpu.dma_semaphore, #tpu.memory_space<semaphore_mem>>)
      %dma_start3A_328 = tpu.memref_slice %arg3[%add3A_325] : memref<320000xi32, #tpu.memory_space<hbm>> -> memref<80xi32, #tpu.memory_space<hbm>>
      %dma_start3A_329 = tpu.memref_slice %arg3[%add3A_325] : memref<320000xi32, #tpu.memory_space<hbm>> -> memref<80xi32, #tpu.memory_space<hbm>>
      tpu.enqueue_dma source(%dma_start3A_329 : memref<80xi32, #tpu.memory_space<hbm>>) target(%arg28 : memref<80xi32, #tpu.memory_space<vmem>>) target_semaphore(%arg30 : memref<!tpu.dma_semaphore, #tpu.memory_space<semaphore_mem>>)
      %dma_wait3A_330 = arith.constant 0 : i32
      %dma_wait3A_331 = arith.constant 0 : i32
      %dma_wait3A_332 = tpu.memref_slice %arg4[%dma_wait3A_330, %dma_wait3A_331] : memref<10000x128xf32, #tpu.memory_space<hbm>> -> memref<10000x128xf32, #tpu.memory_space<hbm>>
      tpu.wait_indirect_dma semaphore(%arg13 : memref<!tpu.dma_semaphore, #tpu.memory_space<semaphore_mem>>) src(%dma_wait3A_332 : memref<10000x128xf32, #tpu.memory_space<hbm>>) dst(%arg11 : memref<80x128xf32, #tpu.memory_space<vmem>>)
      %dma_start3A_333 = arith.constant 0 : i32
      %dma_start3A_334 = arith.constant 0 : i32
      %dma_start3A_335 = tpu.memref_slice %arg33[%dma_start3A_333, %dma_start3A_334] : memref<10240x128xf32, #tpu.memory_space<vmem_shared>> -> memref<10240x128xf32, #tpu.memory_space<vmem_shared>>
      tpu.enqueue_indirect_dma source(%arg11 : memref<80x128xf32, #tpu.memory_space<vmem>>) target(%dma_start3A_335 : memref<10240x128xf32, #tpu.memory_space<vmem_shared>>) offsets(%arg10 : memref<80xi32, #tpu.memory_space<vmem>>) semaphore(%arg14 : memref<!tpu.dma_semaphore, #tpu.memory_space<semaphore_mem>>) {add = true}
      %dma_start3A_336 = arith.constant 0 : i32
      %dma_start3A_337 = tpu.memref_slice %arg35[%dma_start3A_336] : memref<10240xf32, #tpu.memory_space<vmem_shared>> -> memref<10240xf32, #tpu.memory_space<vmem_shared>>
      tpu.enqueue_indirect_dma source(%arg34 : memref<80xf32, #tpu.memory_space<vmem>>) target(%dma_start3A_337 : memref<10240xf32, #tpu.memory_space<vmem_shared>>) offsets(%arg10 : memref<80xi32, #tpu.memory_space<vmem>>) semaphore(%arg14 : memref<!tpu.dma_semaphore, #tpu.memory_space<semaphore_mem>>) {add = true}
    }
    %scan3A_89 = arith.constant 30 : i32
    %add3A_90 = arith.constant 9760 : i32
    %add3A_91 = arith.addi %mul3A_2, %add3A_90 : i32
    %dma_wait3A_92 = tpu.memref_slice %arg2[%add3A_91] : memref<320000xi32, #tpu.memory_space<hbm>> -> memref<80xi32, #tpu.memory_space<hbm>>
    %dma_wait3A_93 = tpu.memref_slice %arg2[%add3A_91] : memref<320000xi32, #tpu.memory_space<hbm>> -> memref<80xi32, #tpu.memory_space<hbm>>
    tpu.wait_dma2 semaphore(%arg24 : memref<!tpu.dma_semaphore, #tpu.memory_space<semaphore_mem>>) src(%dma_wait3A_93 : memref<80xi32, #tpu.memory_space<hbm>>) dst(%arg21 : memref<80xi32, #tpu.memory_space<vmem>>)
    %dma_wait3A_94 = tpu.memref_slice %arg3[%add3A_91] : memref<320000xi32, #tpu.memory_space<hbm>> -> memref<80xi32, #tpu.memory_space<hbm>>
    %dma_wait3A_95 = tpu.memref_slice %arg3[%add3A_91] : memref<320000xi32, #tpu.memory_space<hbm>> -> memref<80xi32, #tpu.memory_space<hbm>>
    tpu.wait_dma2 semaphore(%arg24 : memref<!tpu.dma_semaphore, #tpu.memory_space<semaphore_mem>>) src(%dma_wait3A_95 : memref<80xi32, #tpu.memory_space<hbm>>) dst(%arg22 : memref<80xi32, #tpu.memory_space<vmem>>)
    %dma_start3A_96 = arith.constant 0 : i32
    %dma_start3A_97 = arith.constant 0 : i32
    %dma_start3A_98 = tpu.memref_slice %arg4[%dma_start3A_96, %dma_start3A_97] : memref<10000x128xf32, #tpu.memory_space<hbm>> -> memref<10000x128xf32, #tpu.memory_space<hbm>>
    tpu.enqueue_indirect_dma source(%dma_start3A_98 : memref<10000x128xf32, #tpu.memory_space<hbm>>) target(%arg23 : memref<80x128xf32, #tpu.memory_space<vmem>>) offsets(%arg21 : memref<80xi32, #tpu.memory_space<vmem>>) semaphore(%arg25 : memref<!tpu.dma_semaphore, #tpu.memory_space<semaphore_mem>>)
    %dma_wait3A_99 = arith.constant 0 : i32
    %dma_wait3A_100 = arith.constant 0 : i32
    %dma_wait3A_101 = tpu.memref_slice %arg33[%dma_wait3A_99, %dma_wait3A_100] : memref<10240x128xf32, #tpu.memory_space<vmem_shared>> -> memref<10240x128xf32, #tpu.memory_space<vmem_shared>>
    tpu.wait_indirect_dma semaphore(%arg14 : memref<!tpu.dma_semaphore, #tpu.memory_space<semaphore_mem>>) src(%arg11 : memref<80x128xf32, #tpu.memory_space<vmem>>) dst(%dma_wait3A_101 : memref<10240x128xf32, #tpu.memory_space<vmem_shared>>)
    %dma_wait3A_102 = arith.constant 0 : i32
    %dma_wait3A_103 = tpu.memref_slice %arg35[%dma_wait3A_102] : memref<10240xf32, #tpu.memory_space<vmem_shared>> -> memref<10240xf32, #tpu.memory_space<vmem_shared>>
    tpu.wait_indirect_dma semaphore(%arg14 : memref<!tpu.dma_semaphore, #tpu.memory_space<semaphore_mem>>) src(%arg34 : memref<80xf32, #tpu.memory_space<vmem>>) dst(%dma_wait3A_103 : memref<10240xf32, #tpu.memory_space<vmem_shared>>)
    %add3A_104 = arith.constant 9920 : i32
    %add3A_105 = arith.addi %mul3A_2, %add3A_104 : i32
    %dma_start3A_106 = tpu.memref_slice %arg2[%add3A_105] : memref<320000xi32, #tpu.memory_space<hbm>> -> memref<80xi32, #tpu.memory_space<hbm>>
    %dma_start3A_107 = tpu.memref_slice %arg2[%add3A_105] : memref<320000xi32, #tpu.memory_space<hbm>> -> memref<80xi32, #tpu.memory_space<hbm>>
    tpu.enqueue_dma source(%dma_start3A_107 : memref<80xi32, #tpu.memory_space<hbm>>) target(%arg9 : memref<80xi32, #tpu.memory_space<vmem>>) target_semaphore(%arg12 : memref<!tpu.dma_semaphore, #tpu.memory_space<semaphore_mem>>)
    %dma_start3A_108 = tpu.memref_slice %arg3[%add3A_105] : memref<320000xi32, #tpu.memory_space<hbm>> -> memref<80xi32, #tpu.memory_space<hbm>>
    %dma_start3A_109 = tpu.memref_slice %arg3[%add3A_105] : memref<320000xi32, #tpu.memory_space<hbm>> -> memref<80xi32, #tpu.memory_space<hbm>>
    tpu.enqueue_dma source(%dma_start3A_109 : memref<80xi32, #tpu.memory_space<hbm>>) target(%arg10 : memref<80xi32, #tpu.memory_space<vmem>>) target_semaphore(%arg12 : memref<!tpu.dma_semaphore, #tpu.memory_space<semaphore_mem>>)
    %dma_wait3A_110 = arith.constant 0 : i32
    %dma_wait3A_111 = arith.constant 0 : i32
    %dma_wait3A_112 = tpu.memref_slice %arg4[%dma_wait3A_110, %dma_wait3A_111] : memref<10000x128xf32, #tpu.memory_space<hbm>> -> memref<10000x128xf32, #tpu.memory_space<hbm>>
    tpu.wait_indirect_dma semaphore(%arg19 : memref<!tpu.dma_semaphore, #tpu.memory_space<semaphore_mem>>) src(%dma_wait3A_112 : memref<10000x128xf32, #tpu.memory_space<hbm>>) dst(%arg17 : memref<80x128xf32, #tpu.memory_space<vmem>>)
    %dma_start3A_113 = arith.constant 0 : i32
    %dma_start3A_114 = arith.constant 0 : i32
    %dma_start3A_115 = tpu.memref_slice %arg33[%dma_start3A_113, %dma_start3A_114] : memref<10240x128xf32, #tpu.memory_space<vmem_shared>> -> memref<10240x128xf32, #tpu.memory_space<vmem_shared>>
    tpu.enqueue_indirect_dma source(%arg17 : memref<80x128xf32, #tpu.memory_space<vmem>>) target(%dma_start3A_115 : memref<10240x128xf32, #tpu.memory_space<vmem_shared>>) offsets(%arg16 : memref<80xi32, #tpu.memory_space<vmem>>) semaphore(%arg20 : memref<!tpu.dma_semaphore, #tpu.memory_space<semaphore_mem>>) {add = true}
    %dma_start3A_116 = arith.constant 0 : i32
    %dma_start3A_117 = tpu.memref_slice %arg35[%dma_start3A_116] : memref<10240xf32, #tpu.memory_space<vmem_shared>> -> memref<10240xf32, #tpu.memory_space<vmem_shared>>
    tpu.enqueue_indirect_dma source(%arg34 : memref<80xf32, #tpu.memory_space<vmem>>) target(%dma_start3A_117 : memref<10240xf32, #tpu.memory_space<vmem_shared>>) offsets(%arg16 : memref<80xi32, #tpu.memory_space<vmem>>) semaphore(%arg20 : memref<!tpu.dma_semaphore, #tpu.memory_space<semaphore_mem>>) {add = true}
    %add3A_118 = arith.constant 9840 : i32
    %add3A_119 = arith.addi %mul3A_2, %add3A_118 : i32
    %dma_wait3A_120 = tpu.memref_slice %arg2[%add3A_119] : memref<320000xi32, #tpu.memory_space<hbm>> -> memref<80xi32, #tpu.memory_space<hbm>>
    %dma_wait3A_121 = tpu.memref_slice %arg2[%add3A_119] : memref<320000xi32, #tpu.memory_space<hbm>> -> memref<80xi32, #tpu.memory_space<hbm>>
    tpu.wait_dma2 semaphore(%arg30 : memref<!tpu.dma_semaphore, #tpu.memory_space<semaphore_mem>>) src(%dma_wait3A_121 : memref<80xi32, #tpu.memory_space<hbm>>) dst(%arg27 : memref<80xi32, #tpu.memory_space<vmem>>)
    %dma_wait3A_122 = tpu.memref_slice %arg3[%add3A_119] : memref<320000xi32, #tpu.memory_space<hbm>> -> memref<80xi32, #tpu.memory_space<hbm>>
    %dma_wait3A_123 = tpu.memref_slice %arg3[%add3A_119] : memref<320000xi32, #tpu.memory_space<hbm>> -> memref<80xi32, #tpu.memory_space<hbm>>
    tpu.wait_dma2 semaphore(%arg30 : memref<!tpu.dma_semaphore, #tpu.memory_space<semaphore_mem>>) src(%dma_wait3A_123 : memref<80xi32, #tpu.memory_space<hbm>>) dst(%arg28 : memref<80xi32, #tpu.memory_space<vmem>>)
    %dma_start3A_124 = arith.constant 0 : i32
    %dma_start3A_125 = arith.constant 0 : i32
    %dma_start3A_126 = tpu.memref_slice %arg4[%dma_start3A_124, %dma_start3A_125] : memref<10000x128xf32, #tpu.memory_space<hbm>> -> memref<10000x128xf32, #tpu.memory_space<hbm>>
    tpu.enqueue_indirect_dma source(%dma_start3A_126 : memref<10000x128xf32, #tpu.memory_space<hbm>>) target(%arg29 : memref<80x128xf32, #tpu.memory_space<vmem>>) offsets(%arg27 : memref<80xi32, #tpu.memory_space<vmem>>) semaphore(%arg31 : memref<!tpu.dma_semaphore, #tpu.memory_space<semaphore_mem>>)
    %dma_wait3A_127 = arith.constant 0 : i32
    %dma_wait3A_128 = arith.constant 0 : i32
    %dma_wait3A_129 = tpu.memref_slice %arg33[%dma_wait3A_127, %dma_wait3A_128] : memref<10240x128xf32, #tpu.memory_space<vmem_shared>> -> memref<10240x128xf32, #tpu.memory_space<vmem_shared>>
    tpu.wait_indirect_dma semaphore(%arg20 : memref<!tpu.dma_semaphore, #tpu.memory_space<semaphore_mem>>) src(%arg17 : memref<80x128xf32, #tpu.memory_space<vmem>>) dst(%dma_wait3A_129 : memref<10240x128xf32, #tpu.memory_space<vmem_shared>>)
    %dma_wait3A_130 = arith.constant 0 : i32
    %dma_wait3A_131 = tpu.memref_slice %arg35[%dma_wait3A_130] : memref<10240xf32, #tpu.memory_space<vmem_shared>> -> memref<10240xf32, #tpu.memory_space<vmem_shared>>
    tpu.wait_indirect_dma semaphore(%arg20 : memref<!tpu.dma_semaphore, #tpu.memory_space<semaphore_mem>>) src(%arg34 : memref<80xf32, #tpu.memory_space<vmem>>) dst(%dma_wait3A_131 : memref<10240xf32, #tpu.memory_space<vmem_shared>>)
    %dma_wait3A_132 = arith.constant 0 : i32
    %dma_wait3A_133 = arith.constant 0 : i32
    %dma_wait3A_134 = tpu.memref_slice %arg4[%dma_wait3A_132, %dma_wait3A_133] : memref<10000x128xf32, #tpu.memory_space<hbm>> -> memref<10000x128xf32, #tpu.memory_space<hbm>>
    tpu.wait_indirect_dma semaphore(%arg25 : memref<!tpu.dma_semaphore, #tpu.memory_space<semaphore_mem>>) src(%dma_wait3A_134 : memref<10000x128xf32, #tpu.memory_space<hbm>>) dst(%arg23 : memref<80x128xf32, #tpu.memory_space<vmem>>)
    %dma_start3A_135 = arith.constant 0 : i32
    %dma_start3A_136 = arith.constant 0 : i32
    %dma_start3A_137 = tpu.memref_slice %arg33[%dma_start3A_135, %dma_start3A_136] : memref<10240x128xf32, #tpu.memory_space<vmem_shared>> -> memref<10240x128xf32, #tpu.memory_space<vmem_shared>>
    tpu.enqueue_indirect_dma source(%arg23 : memref<80x128xf32, #tpu.memory_space<vmem>>) target(%dma_start3A_137 : memref<10240x128xf32, #tpu.memory_space<vmem_shared>>) offsets(%arg22 : memref<80xi32, #tpu.memory_space<vmem>>) semaphore(%arg26 : memref<!tpu.dma_semaphore, #tpu.memory_space<semaphore_mem>>) {add = true}
    %dma_start3A_138 = arith.constant 0 : i32
    %dma_start3A_139 = tpu.memref_slice %arg35[%dma_start3A_138] : memref<10240xf32, #tpu.memory_space<vmem_shared>> -> memref<10240xf32, #tpu.memory_space<vmem_shared>>
    tpu.enqueue_indirect_dma source(%arg34 : memref<80xf32, #tpu.memory_space<vmem>>) target(%dma_start3A_139 : memref<10240xf32, #tpu.memory_space<vmem_shared>>) offsets(%arg22 : memref<80xi32, #tpu.memory_space<vmem>>) semaphore(%arg26 : memref<!tpu.dma_semaphore, #tpu.memory_space<semaphore_mem>>) {add = true}
    %add3A_140 = arith.constant 9920 : i32
    %add3A_141 = arith.addi %mul3A_2, %add3A_140 : i32
    %dma_wait3A_142 = tpu.memref_slice %arg2[%add3A_141] : memref<320000xi32, #tpu.memory_space<hbm>> -> memref<80xi32, #tpu.memory_space<hbm>>
    %dma_wait3A_143 = tpu.memref_slice %arg2[%add3A_141] : memref<320000xi32, #tpu.memory_space<hbm>> -> memref<80xi32, #tpu.memory_space<hbm>>
    tpu.wait_dma2 semaphore(%arg12 : memref<!tpu.dma_semaphore, #tpu.memory_space<semaphore_mem>>) src(%dma_wait3A_143 : memref<80xi32, #tpu.memory_space<hbm>>) dst(%arg9 : memref<80xi32, #tpu.memory_space<vmem>>)
    %dma_wait3A_144 = tpu.memref_slice %arg3[%add3A_141] : memref<320000xi32, #tpu.memory_space<hbm>> -> memref<80xi32, #tpu.memory_space<hbm>>
    %dma_wait3A_145 = tpu.memref_slice %arg3[%add3A_141] : memref<320000xi32, #tpu.memory_space<hbm>> -> memref<80xi32, #tpu.memory_space<hbm>>
    tpu.wait_dma2 semaphore(%arg12 : memref<!tpu.dma_semaphore, #tpu.memory_space<semaphore_mem>>) src(%dma_wait3A_145 : memref<80xi32, #tpu.memory_space<hbm>>) dst(%arg10 : memref<80xi32, #tpu.memory_space<vmem>>)
    %dma_start3A_146 = arith.constant 0 : i32
    %dma_start3A_147 = arith.constant 0 : i32
    %dma_start3A_148 = tpu.memref_slice %arg4[%dma_start3A_146, %dma_start3A_147] : memref<10000x128xf32, #tpu.memory_space<hbm>> -> memref<10000x128xf32, #tpu.memory_space<hbm>>
    tpu.enqueue_indirect_dma source(%dma_start3A_148 : memref<10000x128xf32, #tpu.memory_space<hbm>>) target(%arg11 : memref<80x128xf32, #tpu.memory_space<vmem>>) offsets(%arg9 : memref<80xi32, #tpu.memory_space<vmem>>) semaphore(%arg13 : memref<!tpu.dma_semaphore, #tpu.memory_space<semaphore_mem>>)
    %dma_wait3A_149 = arith.constant 0 : i32
    %dma_wait3A_150 = arith.constant 0 : i32
    %dma_wait3A_151 = tpu.memref_slice %arg33[%dma_wait3A_149, %dma_wait3A_150] : memref<10240x128xf32, #tpu.memory_space<vmem_shared>> -> memref<10240x128xf32, #tpu.memory_space<vmem_shared>>
    tpu.wait_indirect_dma semaphore(%arg26 : memref<!tpu.dma_semaphore, #tpu.memory_space<semaphore_mem>>) src(%arg23 : memref<80x128xf32, #tpu.memory_space<vmem>>) dst(%dma_wait3A_151 : memref<10240x128xf32, #tpu.memory_space<vmem_shared>>)
    %dma_wait3A_152 = arith.constant 0 : i32
    %dma_wait3A_153 = tpu.memref_slice %arg35[%dma_wait3A_152] : memref<10240xf32, #tpu.memory_space<vmem_shared>> -> memref<10240xf32, #tpu.memory_space<vmem_shared>>
    tpu.wait_indirect_dma semaphore(%arg26 : memref<!tpu.dma_semaphore, #tpu.memory_space<semaphore_mem>>) src(%arg34 : memref<80xf32, #tpu.memory_space<vmem>>) dst(%dma_wait3A_153 : memref<10240xf32, #tpu.memory_space<vmem_shared>>)
    %dma_wait3A_154 = arith.constant 0 : i32
    %dma_wait3A_155 = arith.constant 0 : i32
    %dma_wait3A_156 = tpu.memref_slice %arg4[%dma_wait3A_154, %dma_wait3A_155] : memref<10000x128xf32, #tpu.memory_space<hbm>> -> memref<10000x128xf32, #tpu.memory_space<hbm>>
    tpu.wait_indirect_dma semaphore(%arg31 : memref<!tpu.dma_semaphore, #tpu.memory_space<semaphore_mem>>) src(%dma_wait3A_156 : memref<10000x128xf32, #tpu.memory_space<hbm>>) dst(%arg29 : memref<80x128xf32, #tpu.memory_space<vmem>>)
    %dma_start3A_157 = arith.constant 0 : i32
    %dma_start3A_158 = arith.constant 0 : i32
    %dma_start3A_159 = tpu.memref_slice %arg33[%dma_start3A_157, %dma_start3A_158] : memref<10240x128xf32, #tpu.memory_space<vmem_shared>> -> memref<10240x128xf32, #tpu.memory_space<vmem_shared>>
    tpu.enqueue_indirect_dma source(%arg29 : memref<80x128xf32, #tpu.memory_space<vmem>>) target(%dma_start3A_159 : memref<10240x128xf32, #tpu.memory_space<vmem_shared>>) offsets(%arg28 : memref<80xi32, #tpu.memory_space<vmem>>) semaphore(%arg32 : memref<!tpu.dma_semaphore, #tpu.memory_space<semaphore_mem>>) {add = true}
    %dma_start3A_160 = arith.constant 0 : i32
    %dma_start3A_161 = tpu.memref_slice %arg35[%dma_start3A_160] : memref<10240xf32, #tpu.memory_space<vmem_shared>> -> memref<10240xf32, #tpu.memory_space<vmem_shared>>
    tpu.enqueue_indirect_dma source(%arg34 : memref<80xf32, #tpu.memory_space<vmem>>) target(%dma_start3A_161 : memref<10240xf32, #tpu.memory_space<vmem_shared>>) offsets(%arg28 : memref<80xi32, #tpu.memory_space<vmem>>) semaphore(%arg32 : memref<!tpu.dma_semaphore, #tpu.memory_space<semaphore_mem>>) {add = true}
    %dma_wait3A_162 = arith.constant 0 : i32
    %dma_wait3A_163 = arith.constant 0 : i32
    %dma_wait3A_164 = tpu.memref_slice %arg4[%dma_wait3A_162, %dma_wait3A_163] : memref<10000x128xf32, #tpu.memory_space<hbm>> -> memref<10000x128xf32, #tpu.memory_space<hbm>>
    tpu.wait_indirect_dma semaphore(%arg13 : memref<!tpu.dma_semaphore, #tpu.memory_space<semaphore_mem>>) src(%dma_wait3A_164 : memref<10000x128xf32, #tpu.memory_space<hbm>>) dst(%arg11 : memref<80x128xf32, #tpu.memory_space<vmem>>)
    %dma_start3A_165 = arith.constant 0 : i32
    %dma_start3A_166 = arith.constant 0 : i32
    %dma_start3A_167 = tpu.memref_slice %arg33[%dma_start3A_165, %dma_start3A_166] : memref<10240x128xf32, #tpu.memory_space<vmem_shared>> -> memref<10240x128xf32, #tpu.memory_space<vmem_shared>>
    tpu.enqueue_indirect_dma source(%arg11 : memref<80x128xf32, #tpu.memory_space<vmem>>) target(%dma_start3A_167 : memref<10240x128xf32, #tpu.memory_space<vmem_shared>>) offsets(%arg10 : memref<80xi32, #tpu.memory_space<vmem>>) semaphore(%arg14 : memref<!tpu.dma_semaphore, #tpu.memory_space<semaphore_mem>>) {add = true}
    %dma_start3A_168 = arith.constant 0 : i32
    %dma_start3A_169 = tpu.memref_slice %arg35[%dma_start3A_168] : memref<10240xf32, #tpu.memory_space<vmem_shared>> -> memref<10240xf32, #tpu.memory_space<vmem_shared>>
    tpu.enqueue_indirect_dma source(%arg34 : memref<80xf32, #tpu.memory_space<vmem>>) target(%dma_start3A_169 : memref<10240xf32, #tpu.memory_space<vmem_shared>>) offsets(%arg10 : memref<80xi32, #tpu.memory_space<vmem>>) semaphore(%arg14 : memref<!tpu.dma_semaphore, #tpu.memory_space<semaphore_mem>>) {add = true}
    %dma_wait3A_170 = arith.constant 0 : i32
    %dma_wait3A_171 = arith.constant 0 : i32
    %dma_wait3A_172 = tpu.memref_slice %arg33[%dma_wait3A_170, %dma_wait3A_171] : memref<10240x128xf32, #tpu.memory_space<vmem_shared>> -> memref<10240x128xf32, #tpu.memory_space<vmem_shared>>
    tpu.wait_indirect_dma semaphore(%arg32 : memref<!tpu.dma_semaphore, #tpu.memory_space<semaphore_mem>>) src(%arg29 : memref<80x128xf32, #tpu.memory_space<vmem>>) dst(%dma_wait3A_172 : memref<10240x128xf32, #tpu.memory_space<vmem_shared>>)
    %dma_wait3A_173 = arith.constant 0 : i32
    %dma_wait3A_174 = tpu.memref_slice %arg35[%dma_wait3A_173] : memref<10240xf32, #tpu.memory_space<vmem_shared>> -> memref<10240xf32, #tpu.memory_space<vmem_shared>>
    tpu.wait_indirect_dma semaphore(%arg32 : memref<!tpu.dma_semaphore, #tpu.memory_space<semaphore_mem>>) src(%arg34 : memref<80xf32, #tpu.memory_space<vmem>>) dst(%dma_wait3A_174 : memref<10240xf32, #tpu.memory_space<vmem_shared>>)
    %dma_wait3A_175 = arith.constant 0 : i32
    %dma_wait3A_176 = arith.constant 0 : i32
    %dma_wait3A_177 = tpu.memref_slice %arg33[%dma_wait3A_175, %dma_wait3A_176] : memref<10240x128xf32, #tpu.memory_space<vmem_shared>> -> memref<10240x128xf32, #tpu.memory_space<vmem_shared>>
    tpu.wait_indirect_dma semaphore(%arg14 : memref<!tpu.dma_semaphore, #tpu.memory_space<semaphore_mem>>) src(%arg11 : memref<80x128xf32, #tpu.memory_space<vmem>>) dst(%dma_wait3A_177 : memref<10240x128xf32, #tpu.memory_space<vmem_shared>>)
    %dma_wait3A_178 = arith.constant 0 : i32
    %dma_wait3A_179 = tpu.memref_slice %arg35[%dma_wait3A_178] : memref<10240xf32, #tpu.memory_space<vmem_shared>> -> memref<10240xf32, #tpu.memory_space<vmem_shared>>
    tpu.wait_indirect_dma semaphore(%arg14 : memref<!tpu.dma_semaphore, #tpu.memory_space<semaphore_mem>>) src(%arg34 : memref<80xf32, #tpu.memory_space<vmem>>) dst(%dma_wait3A_179 : memref<10240xf32, #tpu.memory_space<vmem_shared>>)
    %barrier3A_180 = arith.constant 0 : index
    tpu.barrier barrier_id(%barrier3A_180)
    "tpu.region"() ({
      %run_scoped3A = tpu.sem_alloc : memref<!tpu.dma_semaphore, #tpu.memory_space<semaphore_mem>>
      %dma_start3A_185 = arith.constant 0 : i32
      %dma_start3A_186 = tpu.memref_slice %arg7[%arg0, %mul3A_4, %dma_start3A_185] : memref<2x10240x128xf32, #tpu.memory_space<hbm>> -> memref<1x640x128xf32, #tpu.memory_space<hbm>>
      %dma_start3A_187 = tpu.memref_squeeze %dma_start3A_186 : memref<1x640x128xf32, #tpu.memory_space<hbm>> -> memref<640x128xf32, #tpu.memory_space<hbm>>
      %dma_start3A_188 = arith.constant 0 : i32
      %dma_start3A_189 = tpu.memref_slice %arg33[%mul3A_4, %dma_start3A_188] : memref<10240x128xf32, #tpu.memory_space<vmem_shared>> -> memref<640x128xf32, #tpu.memory_space<vmem_shared>>
      tpu.enqueue_dma source(%dma_start3A_189 : memref<640x128xf32, #tpu.memory_space<vmem_shared>>) target(%dma_start3A_187 : memref<640x128xf32, #tpu.memory_space<hbm>>) target_semaphore(%run_scoped3A : memref<!tpu.dma_semaphore, #tpu.memory_space<semaphore_mem>>)
      %dma_wait3A_190 = arith.constant 0 : i32
      %dma_wait3A_191 = tpu.memref_slice %arg7[%arg0, %mul3A_4, %dma_wait3A_190] : memref<2x10240x128xf32, #tpu.memory_space<hbm>> -> memref<1x640x128xf32, #tpu.memory_space<hbm>>
      %dma_wait3A_192 = tpu.memref_squeeze %dma_wait3A_191 : memref<1x640x128xf32, #tpu.memory_space<hbm>> -> memref<640x128xf32, #tpu.memory_space<hbm>>
      %dma_wait3A_193 = arith.constant 0 : i32
      %dma_wait3A_194 = tpu.memref_slice %arg33[%mul3A_4, %dma_wait3A_193] : memref<10240x128xf32, #tpu.memory_space<vmem_shared>> -> memref<640x128xf32, #tpu.memory_space<vmem_shared>>
      tpu.wait_dma2 semaphore(%run_scoped3A : memref<!tpu.dma_semaphore, #tpu.memory_space<semaphore_mem>>) src(%dma_wait3A_194 : memref<640x128xf32, #tpu.memory_space<vmem_shared>>) dst(%dma_wait3A_192 : memref<640x128xf32, #tpu.memory_space<hbm>>)
      tpu.yield
    }) : () -> ()
    %mul3A_181 = arith.constant 640 : i32
    %mul3A_182 = arith.muli %arg1, %mul3A_181 : i32
    %mul3A_183 = arith.constant 640 : i32
    %mul3A_184 = arith.muli %arg1, %mul3A_183 : i32
    "tpu.region"() ({
      %run_scoped3A = tpu.sem_alloc : memref<!tpu.dma_semaphore, #tpu.memory_space<semaphore_mem>>
      %dma_start3A_185 = tpu.memref_slice %arg8[%arg0, %mul3A_184] : memref<2x10240xf32, #tpu.memory_space<hbm>> -> memref<1x640xf32, #tpu.memory_space<hbm>>
      %dma_start3A_186 = tpu.memref_squeeze %dma_start3A_185 : memref<1x640xf32, #tpu.memory_space<hbm>> -> memref<640xf32, #tpu.memory_space<hbm>>
      %dma_start3A_187 = tpu.memref_slice %arg35[%mul3A_182] : memref<10240xf32, #tpu.memory_space<vmem_shared>> -> memref<640xf32, #tpu.memory_space<vmem_shared>>
      tpu.enqueue_dma source(%dma_start3A_187 : memref<640xf32, #tpu.memory_space<vmem_shared>>) target(%dma_start3A_186 : memref<640xf32, #tpu.memory_space<hbm>>) target_semaphore(%run_scoped3A : memref<!tpu.dma_semaphore, #tpu.memory_space<semaphore_mem>>)
      %dma_wait3A_188 = tpu.memref_slice %arg8[%arg0, %mul3A_184] : memref<2x10240xf32, #tpu.memory_space<hbm>> -> memref<1x640xf32, #tpu.memory_space<hbm>>
      %dma_wait3A_189 = tpu.memref_squeeze %dma_wait3A_188 : memref<1x640xf32, #tpu.memory_space<hbm>> -> memref<640xf32, #tpu.memory_space<hbm>>
      %dma_wait3A_190 = tpu.memref_slice %arg35[%mul3A_182] : memref<10240xf32, #tpu.memory_space<vmem_shared>> -> memref<640xf32, #tpu.memory_space<vmem_shared>>
      tpu.wait_dma2 semaphore(%run_scoped3A : memref<!tpu.dma_semaphore, #tpu.memory_space<semaphore_mem>>) src(%dma_wait3A_190 : memref<640xf32, #tpu.memory_space<vmem_shared>>) dst(%dma_wait3A_189 : memref<640xf32, #tpu.memory_space<hbm>>)
      tpu.yield
    }) : () -> ()
    return
  }
}

module attributes {stable_mosaic.version = 14 : i64} {
  func.func @body(%arg0: memref<2x10240x128xf32, #tpu.memory_space<vmem>>, %arg1: memref<2x10240xf32, #tpu.memory_space<vmem>>, %arg2: memref<10000x128xf32, #tpu.memory_space<vmem>>, %arg3: memref<128x128xf32, #tpu.memory_space<vmem>>, %arg4: memref<128x128xf32, #tpu.memory_space<vmem>>, %arg5: memref<128xf32, #tpu.memory_space<vmem>>, %arg6: memref<128xf32, #tpu.memory_space<vmem>>, %arg7: memref<128xf32, #tpu.memory_space<vmem>>, %arg8: memref<10000x128xf32, #tpu.memory_space<vmem>>) attributes {dimension_semantics = [], scalar_prefetch = 0 : i64, scratch_operands = 0 : i64, tpu.core_type = #tpu.core_type<tc>} {
    %get3A = arith.constant 0 : index
    %get3A_0 = arith.constant 0 : index
    %get3A_1 = arith.constant 0 : index
    %get3A_2 = vector.load %arg0[%get3A, %get3A_0, %get3A_1] : memref<2x10240x128xf32, #tpu.memory_space<vmem>>, vector<1x10000x128xf32>
    %get3A_3 = vector.shape_cast %get3A_2 : vector<1x10000x128xf32> to vector<10000x128xf32>
    %get3A_4 = arith.constant 1 : index
    %get3A_5 = arith.constant 0 : index
    %get3A_6 = arith.constant 0 : index
    %get3A_7 = vector.load %arg0[%get3A_4, %get3A_5, %get3A_6] : memref<2x10240x128xf32, #tpu.memory_space<vmem>>, vector<1x10000x128xf32>
    %get3A_8 = vector.shape_cast %get3A_7 : vector<1x10000x128xf32> to vector<10000x128xf32>
    %add3A = arith.addf %get3A_3, %get3A_8 : vector<10000x128xf32>
    %get3A_9 = arith.constant 0 : index
    %get3A_10 = arith.constant 0 : index
    %get3A_11 = vector.load %arg1[%get3A_9, %get3A_10] : memref<2x10240xf32, #tpu.memory_space<vmem>>, vector<1x10240xf32>
    %get3A_12 = vector.shape_cast %get3A_11 : vector<1x10240xf32> to vector<10240xf32>
    %get3A_13 = arith.constant 1 : index
    %get3A_14 = arith.constant 0 : index
    %get3A_15 = vector.load %arg1[%get3A_13, %get3A_14] : memref<2x10240xf32, #tpu.memory_space<vmem>>, vector<1x10240xf32>
    %get3A_16 = vector.shape_cast %get3A_15 : vector<1x10240xf32> to vector<10240xf32>
    %add3A_17 = arith.addf %get3A_12, %get3A_16 : vector<10240xf32>
    %reshape3A = vector.shape_cast %add3A_17 : vector<10240xf32> to vector<10240x1xf32>
    %slice3A = vector.extract_strided_slice %reshape3A {offsets = [0, 0], sizes = [10000, 1], strides = [1, 1]} : vector<10240x1xf32> to vector<10000x1xf32>
    %max3A = arith.constant 1.000000e+00 : f32
    %max3A_18 = vector.broadcast %max3A : f32 to vector<10000x1xf32>
    %max3A_19 = arith.maximumf %slice3A, %max3A_18 : vector<10000x1xf32>
    %div3A = arith.constant 1.000000e+00 : f32
    %div3A_20 = vector.broadcast %div3A : f32 to vector<10000x1xf32>
    %div3A_21 = arith.divf %div3A_20, %max3A_19 : vector<10000x1xf32>
    %mul3A = vector.broadcast %div3A_21 : vector<10000x1xf32> to vector<10000x128xf32>
    %mul3A_22 = arith.mulf %add3A, %mul3A : vector<10000x128xf32>
    %get3A_23 = arith.constant 0 : index
    %get3A_24 = arith.constant 0 : index
    %get3A_25 = vector.load %arg3[%get3A_23, %get3A_24] : memref<128x128xf32, #tpu.memory_space<vmem>>, vector<128x128xf32>
    %dot_general3A = arith.constant dense<0.000000e+00> : vector<10000x128xf32>
    %dot_general3A_26 = tpu.matmul %mul3A_22, %get3A_25, %dot_general3A {dimension_numbers = #tpu.dot_dimension_numbers<[1], [1], [0], [0], [0, 0, 1, 0], [], []>, transpose_lhs_hint = false} : vector<10000x128xf32>, vector<128x128xf32>, vector<10000x128xf32> -> vector<10000x128xf32>
    %get3A_27 = arith.constant 0 : index
    %get3A_28 = arith.constant 0 : index
    %get3A_29 = vector.load %arg2[%get3A_27, %get3A_28] : memref<10000x128xf32, #tpu.memory_space<vmem>>, vector<10000x128xf32>
    %get3A_30 = arith.constant 0 : index
    %get3A_31 = arith.constant 0 : index
    %get3A_32 = vector.load %arg4[%get3A_30, %get3A_31] : memref<128x128xf32, #tpu.memory_space<vmem>>, vector<128x128xf32>
    %dot_general3A_33 = arith.constant dense<0.000000e+00> : vector<10000x128xf32>
    %dot_general3A_34 = tpu.matmul %get3A_29, %get3A_32, %dot_general3A_33 {dimension_numbers = #tpu.dot_dimension_numbers<[1], [1], [0], [0], [0, 0, 1, 0], [], []>, transpose_lhs_hint = false} : vector<10000x128xf32>, vector<128x128xf32>, vector<10000x128xf32> -> vector<10000x128xf32>
    %add3A_35 = arith.addf %dot_general3A_26, %dot_general3A_34 : vector<10000x128xf32>
    %get3A_36 = arith.constant 0 : index
    %get3A_37 = vector.load %arg5[%get3A_36] : memref<128xf32, #tpu.memory_space<vmem>>, vector<128xf32>
    %broadcast_in_dim3A = vector.shape_cast %get3A_37 : vector<128xf32> to vector<1x128xf32>
    %add3A_38 = vector.broadcast %broadcast_in_dim3A : vector<1x128xf32> to vector<10000x128xf32>
    %add3A_39 = arith.addf %add3A_35, %add3A_38 : vector<10000x128xf32>
    %reduce_sum3A = arith.constant dense<0.000000e+00> : vector<128xf32>
    %reduce_sum3A_40 = vector.multi_reduction <add>, %add3A_39, %reduce_sum3A [0] : vector<10000x128xf32> to vector<128xf32>
    %broadcast_in_dim3A_41 = vector.shape_cast %reduce_sum3A_40 : vector<128xf32> to vector<1x128xf32>
    %div3A_42 = arith.constant 1.000000e+04 : f32
    %div3A_43 = vector.broadcast %div3A_42 : f32 to vector<1x128xf32>
    %div3A_44 = arith.divf %broadcast_in_dim3A_41, %div3A_43 : vector<1x128xf32>
    %sub3A = vector.broadcast %div3A_44 : vector<1x128xf32> to vector<10000x128xf32>
    %sub3A_45 = arith.subf %add3A_39, %sub3A : vector<10000x128xf32>
    %integer_pow3A = arith.mulf %sub3A_45, %sub3A_45 : vector<10000x128xf32>
    %reduce_sum3A_46 = arith.constant dense<0.000000e+00> : vector<128xf32>
    %reduce_sum3A_47 = vector.multi_reduction <add>, %integer_pow3A, %reduce_sum3A_46 [0] : vector<10000x128xf32> to vector<128xf32>
    %broadcast_in_dim3A_48 = vector.shape_cast %reduce_sum3A_47 : vector<128xf32> to vector<1x128xf32>
    %div3A_49 = arith.constant 1.000000e+04 : f32
    %div3A_50 = vector.broadcast %div3A_49 : f32 to vector<1x128xf32>
    %div3A_51 = arith.divf %broadcast_in_dim3A_48, %div3A_50 : vector<1x128xf32>
    %sub3A_52 = vector.broadcast %div3A_44 : vector<1x128xf32> to vector<10000x128xf32>
    %sub3A_53 = arith.subf %add3A_39, %sub3A_52 : vector<10000x128xf32>
    %add3A_54 = arith.constant 9.99999974E-6 : f32
    %add3A_55 = vector.broadcast %add3A_54 : f32 to vector<1x128xf32>
    %add3A_56 = arith.addf %div3A_51, %add3A_55 : vector<1x128xf32>
    %rsqrt3A = math.rsqrt %add3A_56 : vector<1x128xf32>
    %mul3A_57 = vector.broadcast %rsqrt3A : vector<1x128xf32> to vector<10000x128xf32>
    %mul3A_58 = arith.mulf %sub3A_53, %mul3A_57 : vector<10000x128xf32>
    %get3A_59 = arith.constant 0 : index
    %get3A_60 = vector.load %arg6[%get3A_59] : memref<128xf32, #tpu.memory_space<vmem>>, vector<128xf32>
    %broadcast_in_dim3A_61 = vector.shape_cast %get3A_60 : vector<128xf32> to vector<1x128xf32>
    %mul3A_62 = vector.broadcast %broadcast_in_dim3A_61 : vector<1x128xf32> to vector<10000x128xf32>
    %mul3A_63 = arith.mulf %mul3A_58, %mul3A_62 : vector<10000x128xf32>
    %get3A_64 = arith.constant 0 : index
    %get3A_65 = vector.load %arg7[%get3A_64] : memref<128xf32, #tpu.memory_space<vmem>>, vector<128xf32>
    %broadcast_in_dim3A_66 = vector.shape_cast %get3A_65 : vector<128xf32> to vector<1x128xf32>
    %add3A_67 = vector.broadcast %broadcast_in_dim3A_66 : vector<1x128xf32> to vector<10000x128xf32>
    %add3A_68 = arith.addf %mul3A_63, %add3A_67 : vector<10000x128xf32>
    %max3A_69 = arith.constant 0.000000e+00 : f32
    %max3A_70 = vector.broadcast %max3A_69 : f32 to vector<10000x128xf32>
    %max3A_71 = arith.maximumf %add3A_68, %max3A_70 : vector<10000x128xf32>
    %swap3A = arith.constant 0 : index
    %swap3A_72 = arith.constant 0 : index
    %swap3A_73 = vector.load %arg8[%swap3A, %swap3A_72] : memref<10000x128xf32, #tpu.memory_space<vmem>>, vector<10000x128xf32>
    tpu.vector_store %arg8[%swap3A, %swap3A_72], %max3A_71 {strides = array<i32>} : memref<10000x128xf32, #tpu.memory_space<vmem>>, vector<10000x128xf32>,
    return
  }
}

module attributes {stable_mosaic.version = 14 : i64} {
  func.func @body(%arg0: memref<2x10240x128xf32, #tpu.memory_space<vmem>>, %arg1: memref<2x10240xf32, #tpu.memory_space<vmem>>, %arg2: memref<10000x128xf32, #tpu.memory_space<vmem>>, %arg3: memref<128x128xf32, #tpu.memory_space<vmem>>, %arg4: memref<128x128xf32, #tpu.memory_space<vmem>>, %arg5: memref<128xf32, #tpu.memory_space<vmem>>, %arg6: memref<128xf32, #tpu.memory_space<vmem>>, %arg7: memref<128xf32, #tpu.memory_space<vmem>>, %arg8: memref<10000x128xf32, #tpu.memory_space<vmem>>) attributes {dimension_semantics = [], scalar_prefetch = 0 : i64, scratch_operands = 0 : i64, tpu.core_type = #tpu.core_type<tc>} {
    %get3A = arith.constant 0 : index
    %get3A_0 = arith.constant 0 : index
    %get3A_1 = arith.constant 0 : index
    %get3A_2 = vector.load %arg0[%get3A, %get3A_0, %get3A_1] : memref<2x10240x128xf32, #tpu.memory_space<vmem>>, vector<1x10000x128xf32>
    %get3A_3 = vector.shape_cast %get3A_2 : vector<1x10000x128xf32> to vector<10000x128xf32>
    %get3A_4 = arith.constant 1 : index
    %get3A_5 = arith.constant 0 : index
    %get3A_6 = arith.constant 0 : index
    %get3A_7 = vector.load %arg0[%get3A_4, %get3A_5, %get3A_6] : memref<2x10240x128xf32, #tpu.memory_space<vmem>>, vector<1x10000x128xf32>
    %get3A_8 = vector.shape_cast %get3A_7 : vector<1x10000x128xf32> to vector<10000x128xf32>
    %add3A = arith.addf %get3A_3, %get3A_8 : vector<10000x128xf32>
    %get3A_9 = arith.constant 0 : index
    %get3A_10 = arith.constant 0 : index
    %get3A_11 = vector.load %arg1[%get3A_9, %get3A_10] : memref<2x10240xf32, #tpu.memory_space<vmem>>, vector<1x10240xf32>
    %get3A_12 = vector.shape_cast %get3A_11 : vector<1x10240xf32> to vector<10240xf32>
    %get3A_13 = arith.constant 1 : index
    %get3A_14 = arith.constant 0 : index
    %get3A_15 = vector.load %arg1[%get3A_13, %get3A_14] : memref<2x10240xf32, #tpu.memory_space<vmem>>, vector<1x10240xf32>
    %get3A_16 = vector.shape_cast %get3A_15 : vector<1x10240xf32> to vector<10240xf32>
    %add3A_17 = arith.addf %get3A_12, %get3A_16 : vector<10240xf32>
    %reshape3A = vector.shape_cast %add3A_17 : vector<10240xf32> to vector<10240x1xf32>
    %slice3A = vector.extract_strided_slice %reshape3A {offsets = [0, 0], sizes = [10000, 1], strides = [1, 1]} : vector<10240x1xf32> to vector<10000x1xf32>
    %max3A = arith.constant 1.000000e+00 : f32
    %max3A_18 = vector.broadcast %max3A : f32 to vector<10000x1xf32>
    %max3A_19 = arith.maximumf %slice3A, %max3A_18 : vector<10000x1xf32>
    %div3A = arith.constant 1.000000e+00 : f32
    %div3A_20 = vector.broadcast %div3A : f32 to vector<10000x1xf32>
    %div3A_21 = arith.divf %div3A_20, %max3A_19 : vector<10000x1xf32>
    %mul3A = vector.broadcast %div3A_21 : vector<10000x1xf32> to vector<10000x128xf32>
    %mul3A_22 = arith.mulf %add3A, %mul3A : vector<10000x128xf32>
    %get3A_23 = arith.constant 0 : index
    %get3A_24 = arith.constant 0 : index
    %get3A_25 = vector.load %arg3[%get3A_23, %get3A_24] : memref<128x128xf32, #tpu.memory_space<vmem>>, vector<128x128xf32>
    %dot_general3A = arith.constant dense<0.000000e+00> : vector<10000x128xf32>
    %dot_general3A_26 = tpu.matmul %mul3A_22, %get3A_25, %dot_general3A {dimension_numbers = #tpu.dot_dimension_numbers<[1], [1], [0], [0], [0, 0, 1, 0], [], []>, transpose_lhs_hint = false} : vector<10000x128xf32>, vector<128x128xf32>, vector<10000x128xf32> -> vector<10000x128xf32>
    %get3A_27 = arith.constant 0 : index
    %get3A_28 = arith.constant 0 : index
    %get3A_29 = vector.load %arg2[%get3A_27, %get3A_28] : memref<10000x128xf32, #tpu.memory_space<vmem>>, vector<10000x128xf32>
    %get3A_30 = arith.constant 0 : index
    %get3A_31 = arith.constant 0 : index
    %get3A_32 = vector.load %arg4[%get3A_30, %get3A_31] : memref<128x128xf32, #tpu.memory_space<vmem>>, vector<128x128xf32>
    %dot_general3A_33 = arith.constant dense<0.000000e+00> : vector<10000x128xf32>
    %dot_general3A_34 = tpu.matmul %get3A_29, %get3A_32, %dot_general3A_33 {dimension_numbers = #tpu.dot_dimension_numbers<[1], [1], [0], [0], [0, 0, 1, 0], [], []>, transpose_lhs_hint = false} : vector<10000x128xf32>, vector<128x128xf32>, vector<10000x128xf32> -> vector<10000x128xf32>
    %add3A_35 = arith.addf %dot_general3A_26, %dot_general3A_34 : vector<10000x128xf32>
    %get3A_36 = arith.constant 0 : index
    %get3A_37 = vector.load %arg5[%get3A_36] : memref<128xf32, #tpu.memory_space<vmem>>, vector<128xf32>
    %broadcast_in_dim3A = vector.shape_cast %get3A_37 : vector<128xf32> to vector<1x128xf32>
    %add3A_38 = vector.broadcast %broadcast_in_dim3A : vector<1x128xf32> to vector<10000x128xf32>
    %add3A_39 = arith.addf %add3A_35, %add3A_38 : vector<10000x128xf32>
    %reduce_sum3A = arith.constant dense<0.000000e+00> : vector<128xf32>
    %reduce_sum3A_40 = vector.multi_reduction <add>, %add3A_39, %reduce_sum3A [0] : vector<10000x128xf32> to vector<128xf32>
    %broadcast_in_dim3A_41 = vector.shape_cast %reduce_sum3A_40 : vector<128xf32> to vector<1x128xf32>
    %div3A_42 = arith.constant 1.000000e+04 : f32
    %div3A_43 = vector.broadcast %div3A_42 : f32 to vector<1x128xf32>
    %div3A_44 = arith.divf %broadcast_in_dim3A_41, %div3A_43 : vector<1x128xf32>
    %sub3A = vector.broadcast %div3A_44 : vector<1x128xf32> to vector<10000x128xf32>
    %sub3A_45 = arith.subf %add3A_39, %sub3A : vector<10000x128xf32>
    %integer_pow3A = arith.mulf %sub3A_45, %sub3A_45 : vector<10000x128xf32>
    %reduce_sum3A_46 = arith.constant dense<0.000000e+00> : vector<128xf32>
    %reduce_sum3A_47 = vector.multi_reduction <add>, %integer_pow3A, %reduce_sum3A_46 [0] : vector<10000x128xf32> to vector<128xf32>
    %broadcast_in_dim3A_48 = vector.shape_cast %reduce_sum3A_47 : vector<128xf32> to vector<1x128xf32>
    %div3A_49 = arith.constant 1.000000e+04 : f32
    %div3A_50 = vector.broadcast %div3A_49 : f32 to vector<1x128xf32>
    %div3A_51 = arith.divf %broadcast_in_dim3A_48, %div3A_50 : vector<1x128xf32>
    %sub3A_52 = vector.broadcast %div3A_44 : vector<1x128xf32> to vector<10000x128xf32>
    %sub3A_53 = arith.subf %add3A_39, %sub3A_52 : vector<10000x128xf32>
    %add3A_54 = arith.constant 9.99999974E-6 : f32
    %add3A_55 = vector.broadcast %add3A_54 : f32 to vector<1x128xf32>
    %add3A_56 = arith.addf %div3A_51, %add3A_55 : vector<1x128xf32>
    %rsqrt3A = math.rsqrt %add3A_56 : vector<1x128xf32>
    %mul3A_57 = vector.broadcast %rsqrt3A : vector<1x128xf32> to vector<10000x128xf32>
    %mul3A_58 = arith.mulf %sub3A_53, %mul3A_57 : vector<10000x128xf32>
    %get3A_59 = arith.constant 0 : index
    %get3A_60 = vector.load %arg6[%get3A_59] : memref<128xf32, #tpu.memory_space<vmem>>, vector<128xf32>
    %broadcast_in_dim3A_61 = vector.shape_cast %get3A_60 : vector<128xf32> to vector<1x128xf32>
    %mul3A_62 = vector.broadcast %broadcast_in_dim3A_61 : vector<1x128xf32> to vector<10000x128xf32>
    %mul3A_63 = arith.mulf %mul3A_58, %mul3A_62 : vector<10000x128xf32>
    %get3A_64 = arith.constant 0 : index
    %get3A_65 = vector.load %arg7[%get3A_64] : memref<128xf32, #tpu.memory_space<vmem>>, vector<128xf32>
    %broadcast_in_dim3A_66 = vector.shape_cast %get3A_65 : vector<128xf32> to vector<1x128xf32>
    %add3A_67 = vector.broadcast %broadcast_in_dim3A_66 : vector<1x128xf32> to vector<10000x128xf32>
    %add3A_68 = arith.addf %mul3A_63, %add3A_67 : vector<10000x128xf32>
    %swap3A = arith.constant 0 : index
    %swap3A_69 = arith.constant 0 : index
    %swap3A_70 = vector.load %arg8[%swap3A, %swap3A_69] : memref<10000x128xf32, #tpu.memory_space<vmem>>, vector<10000x128xf32>
    tpu.vector_store %arg8[%swap3A, %swap3A_69], %add3A_68 {strides = array<i32>} : memref<10000x128xf32, #tpu.memory_space<vmem>>, vector<10000x128xf32>,
    return
  }
}

</mosaic_0001>

<sc_bundles>
// kernel: kernel.6.cloned.1.call-start
scs
__scs_entry_jumppad:
0x0: {  	(pc) =	sbr.rel $0x88, $3  }
0x1: {  	(tag) =	ssettag $0x0;
	lr =	simm.s32 $0x1  }
0x2: {  	[smem:$0x3F95] =	sst lr;
	_ =	strace $0xD0000000  }
0x3: {  	_ = 	snop  }
0x4: {  	_ = 	snop  }
0x5: {  	_ = 	snop  }
0x6: {  	_ = 	snop  }
0x7: {  	_ = 	snop  }
__scs_overlays_trampoline_lowered:
0x8: {  	[smem:$0x3FA4] =	sst s0  }
0x9: {  	[smem:$0x3FA5] =	sst s1  }
0xa: {  	[smem:$0x3FA6] =	sst s2  }
0xb: {  	[smem:$0x3FA7] =	sst s3  }
0xc: {  	[smem:$0x3FA8] =	sst s4  }
0xd: {  	[smem:$0x3FA9] =	sst s5  }
0xe: {  	[smem:$0x3FAA] =	sst s6  }
0xf: {  	[smem:$0x3FAB] =	sst s7  }
0x10: {  	[smem:$0x3FAC] =	sst s8  }
0x11: {  	[smem:$0x3FAD] =	sst s9;
	s0 =	simm.s32 @!p0 $0x0  }
0x12: {  	s1 =	sld [smem:$0x3F93];
	s0 =	simm.s32 @p0 $0x1  }
0x13: {  	[smem:$0x3FAE] =	sst s0;
	s0 =	simm.s32 @!p1 $0x0  }
0x14: {  	s2 =	sld [smem:$0x3F92];
	s0 =	simm.s32 @p1 $0x1  }
0x15: {  	[smem:$0x3FAF] =	sst s0;
	s0 =	simm.s32 @!p2 $0x0  }
0x16: {  	s3 =	sld [smem:$0x3FDB];
	s0 =	simm.s32 @p2 $0x1  }
0x17: {  	s4 =	simm.s32 $0x1BF5;
	[smem:$0x3FB1] =	sst s0  }
0x18: {  	s0 =	sld [smem:$0x3F94];
	_ =	swait.ge [sflag:s4], $0x0  }
0x19: {  	s7 =	sld [smem:$0x3F95]  }
0x1a: {  	s8 =	sadd.s32 $0xFFFFE003, lr  }
0x1b: {  	s9 =	sadd.s32 $0xFFFFFEF7, lr;
	s5 =	simm.s32 $0xFFFFFFFF;
	p2 =	slt.u32 s8, $0xFFFFF086  }
0x1c: {  	p1 =	slt.u32 s9, $0xF7A;
	s5 =	simm.s32 @!p2 $0x0  }
0x1d: {  	s5 =	simm.s32 @p1 $0x1;
	p0 =	seq.s32 s7, s2  }
0x1e: {  	s7 =	smul.u32 @!p0 $0xF7A, s2;
	p2 =	seq.s32 @!p0 s5, $0x0  }
0x1f: {  	s9 =	smul.u32 $0xF7A, s1;
	s8 =	simm.s32 @!p0 $0x1BF5;
	p2 =	por !p2, p0  }
0x20: {  	[sflag:s8] =	ssyncset.s32 @!p0 $0xFFFFF086;
	s6 =	sadd.s32 @!p0 s3, s7;
	s7 =	simm.s32 @!p0 $0x108  }
0x21: {  	s3 =	sadd.s32 s3, s9;
	s6 =	sadd.s32 @!p0 $0x88, s6;
	s7 =	simm.s32 @p2 $0x1082  }
0x22: {  	[simem:s7], [sflag:s8] =	dma.local @!p0 [hbm:s6], $0xF7A  }
0x23: {  	s9 =	sor.u32 $0xD0000000, s2;
	s6 =	simm.s32 $0x108;
	_ =	swait.ge @!p0 [sflag:s8], $0x0  }
0x24: {  	s3 =	sadd.s32 $0x88, s3;
	s6 =	simm.s32 @!p1 $0x1082;
	[sflag:s4] =	ssyncset.s32 $0xFFFFF086  }
0x25: {  	[simem:s6], [sflag:s4] =	dma.local [hbm:s3], $0xF7A  }
0x26: {  	[smem:$0x3F95] =	sst s1;
	(tag) =	ssettag s2;
	_ =	strace s9  }
0x27: {  	s1 =	sld [smem:$0x3FA5]  }
0x28: {  	s2 =	sld [smem:$0x3FA6]  }
0x29: {  	s4 =	sld [smem:$0x3FA8]  }
0x2a: {  	p0 =	seq.s32 s5, $0x0;
	s5 =	sld [smem:$0x3FA9]  }
0x2b: {  	s6 =	sld [smem:$0x3FAA]  }
0x2c: {  	s7 =	sld [smem:$0x3FAB]  }
0x2d: {  	s3 =	simm.s32 $0x108;
	s8 =	sld [smem:$0x3FAC]  }
0x2e: {  	s3 =	simm.s32 @!p0 $0x1082;
	s9 =	sld [smem:$0x3FAD]  }
0x2f: {  	lr =	sadd.s32 s0, s3;
	s0 =	sld [smem:$0x3FA4]  }
0x30: {  	s3 =	sld [smem:$0x3FA7]  }
0x31: {  	[smem:$0x3FB0] =	sst s10  }
0x32: {  	s10 =	sld [smem:$0x3FAE];
	_ =	sdelay $0x3  }
0x33: {  	p0 =	seq.s32 s10, $0x1;
	s10 =	sld [smem:$0x3FB0];
	_ =	sdelay $0x3  }
0x34: {  	[smem:$0x3FB0] =	sst s10  }
0x35: {  	s10 =	sld [smem:$0x3FAF];
	_ =	sdelay $0x3  }
0x36: {  	p1 =	seq.s32 s10, $0x1;
	s10 =	sld [smem:$0x3FB0];
	_ =	sdelay $0x3  }
0x37: {  	[smem:$0x3FB0] =	sst s10  }
0x38: {  	s10 =	sld [smem:$0x3FB1]  }
0x39: {  	_ = 	snop;
	(pc) =	sbr.ind lr, $3  }
0x3a: {  	_ = 	snop  }
0x3b: {  	_ = 	snop  }
0x3c: {  	p2 =	seq.s32 s10, $0x1;
	s10 =	sld [smem:$0x3FB0]  }
0x3d: {  	_ =	shalt  }
0x3e: {  	_ =	shalt  }
0x3f: {  	_ =	shalt  }
0x40: {  	_ =	shalt  }
0x41: {  	_ =	shalt  }
0x42: {  	_ =	shalt  }
0x43: {  	_ =	shalt  }
0x44: {  	_ =	shalt  }
0x45: {  	_ =	shalt  }
0x46: {  	_ =	shalt  }
0x47: {  	_ =	shalt  }
0x48: {  	_ =	shalt  }
0x49: {  	_ =	shalt  }
0x4a: {  	_ =	shalt  }
0x4b: {  	_ =	shalt  }
0x4c: {  	_ =	shalt  }
0x4d: {  	_ =	shalt  }
0x4e: {  	_ =	shalt  }
0x4f: {  	_ =	shalt  }
0x50: {  	_ =	shalt  }
0x51: {  	_ =	shalt  }
0x52: {  	_ =	shalt  }
0x53: {  	_ =	shalt  }
0x54: {  	_ =	shalt  }
0x55: {  	_ =	shalt  }
0x56: {  	_ =	shalt  }
0x57: {  	_ =	shalt  }
0x58: {  	_ =	shalt  }
0x59: {  	_ =	shalt  }
0x5a: {  	_ =	shalt  }
0x5b: {  	_ =	shalt  }
0x5c: {  	_ =	shalt  }
0x5d: {  	_ =	shalt  }
0x5e: {  	_ =	shalt  }
0x5f: {  	_ =	shalt  }
0x60: {  	_ =	shalt  }
0x61: {  	_ =	shalt  }
0x62: {  	_ =	shalt  }
0x63: {  	_ =	shalt  }
0x64: {  	_ =	shalt  }
0x65: {  	_ =	shalt  }
0x66: {  	_ =	shalt  }
0x67: {  	_ =	shalt  }
0x68: {  	_ =	shalt  }
0x69: {  	_ =	shalt  }
0x6a: {  	_ =	shalt  }
0x6b: {  	_ =	shalt  }
0x6c: {  	_ =	shalt  }
0x6d: {  	_ =	shalt  }
0x6e: {  	_ =	shalt  }
0x6f: {  	_ =	shalt  }
0x70: {  	_ =	shalt  }
0x71: {  	_ =	shalt  }
0x72: {  	_ =	shalt  }
0x73: {  	_ =	shalt  }
0x74: {  	_ =	shalt  }
0x75: {  	_ =	shalt  }
0x76: {  	_ =	shalt  }
0x77: {  	_ =	shalt  }
0x78: {  	_ =	shalt  }
0x79: {  	_ =	shalt  }
0x7a: {  	_ =	shalt  }
0x7b: {  	_ =	shalt  }
0x7c: {  	_ =	shalt  }
0x7d: {  	_ =	shalt  }
0x7e: {  	_ =	shalt  }
0x7f: {  	_ =	shalt  }
0x80: {  	_ =	shalt  }
0x81: {  	_ =	shalt  }
0x82: {  	_ =	shalt  }
0x83: {  	_ =	shalt  }
0x84: {  	_ =	shalt  }
0x85: {  	_ =	shalt  }
0x86: {  	_ =	shalt  }
0x87: {  	_ =	shalt  }
.Lfunc_end0:
.L_simem_size_0:
called_computation_lowered:
.L_overlay_start_0:
0x88: {  	s2 =	sld [smem:$0x3FD9]  }
0x89: {  	s3 =	sld [smem:$0x3FFE];
	_ =	sdelay $0x1  }
0x8a: {  	s1 =	srdreg.scid  }
0x8b: {  	s0 =	sand.u32 $0x1, s1  }
0x8c: {  	s17 =	sshll.u32 s0, $0xA;
	s2 =	sadd.s32 s3, s2  }
0x8d: {  	s2 =	sadd.s32 s2, s17  }
0x8e: {  	[smem:$0x3FBC] =	sst s2  }
0x8f: {  	_ = 	snop  }
0x90: {  	s2 =	sld [smem:$0x3FC9]  }
0x91: {  	s18 =	sld [smem:$0x3FD0];
	(tm) =	ssettm $0x1  }
0x92: {  	s4 =	sld [smem:$0x3FFB];
	_ =	sdelay $0x3  }
0x93: {  	_ =	strace s4  }
0x94: {  	s4 =	sld [smem:$0x3FFC];
	_ =	sdelay $0x3  }
0x95: {  	_ =	strace s4  }
0x96: {  	s4 =	sld [smem:$0x3FFD];
	_ =	sdelay $0x3  }
0x97: {  	_ =	strace s4  }
0x98: {  	_ =	strace $0x8FFFFFFF  }
0x99: {  	s19 =	sld [smem:$0x3FDB];
	_ =	sdelay $0x1  }
0x9a: {  	s5 =	simm.s32 $_scs_section_size  }
0x9b: {  	s6 =	simm.s32 $_size__tile_overlayer_lowered;
	s7 =	simm.s32 $_tile_overlayer_lowered  }
0x9c: {  	s22 =	simm.s32 $0x1BFF;
	s21 =	sshll.u32 s7, $0x1;
	s4 =	sadd.s32 s5, s19  }
0x9d: {  	s8 =	simm.s32 $0x0;
	s20 =	sshll.u32 s6, $0x1;
	s6 =	sadd.s32 s21, s4  }
0x9e: {  	[timem:s8], [sflag:s22] =	dma.local [hbm:s6], s20  }
0x9f: {  	_ =	swait.ge [sflag:s22], s20  }
0xa0: {  	s5 =	ssub.s32 $0x0, s20;
	[sflag:s22] =	ssyncset.done $0x0  }
0xa1: {  	[sflag:s22] =	ssyncadd.s32 s5;
	_ =	sdelay $0x1  }
0xa2: {  	s23 =	simm.s32 $0x1B8B  }
0xa3: {  	_ =	swait.ge [sflag:s23], $0x1  }
0xa4: {  	[sflag:s23] =	ssyncset.done $0x0  }
0xa5: {  	s25 =	simm.s32 $0x1B8E;
	s24 =	sld [smem:$0x3FFE];
	[sflag:s23] =	ssyncadd.s32 $0xFFFFFFFF  }
0xa6: {  	s26 =	simm.s32 $execute0_lowered;
	[smem:$0x3FD2] =	sst s25  }
0xa7: {  	s6 =	sshll.u32 s26, $0x1;
	_ =	strace $0x80000046;
	[dreg:$0x1] =	wrdreg $0xFFFFFFFF  }
0xa8: {  	s28 =	simm.s32 $_size_execute0_lowered;
	s4 =	sadd.s32 s4, s6;
	[dreg:$0x0] =	wrdreg $0x0  }
0xa9: {  	s6 =	sshll.u32 s28, $0x1;
	[dreg:$0x2] =	wrdreg s4  }
0xaa: {  	[dreg:$0x3] =	wrdreg s6  }
0xab: {  	[dreg:$0x4] =	wrdreg $0xC0  }
0xac: {  	_ =	task [dreg:s8], $0x5FFFF  }
0xad: {  	[dreg:$0x1] =	wrdreg $0xFFFFFFFF  }
0xae: {  	[dreg:$0x0] =	wrdreg $0x60  }
0xaf: {  	[dreg:$0x2] =	wrdreg s24  }
0xb0: {  	[dreg:$0x3] =	wrdreg s2  }
0xb1: {  	[dreg:$0x4] =	wrdreg s18  }
0xb2: {  	[dreg:$0x5] =	wrdreg $0xA4000  }
0xb3: {  	[dreg:$0x6] =	wrdreg $0x1E4800  }
0xb4: {  	[dreg:$0x7] =	wrdreg $0x9  }
0xb5: {  	_ =	task.clear_ibuf [dreg:s8], $0x8FFFF;
	_ =	strace $0x90000046  }
0xb6: {  	s29 =	simm.s32 $0x9;
	_ =	strace $0x80000048  }
0xb7: {  	_ =	swait.ge [sflag:s29], $0x1  }
0xb8: {  	[sflag:s29] =	ssyncadd.s32 $0xFFFFFFFF  }
0xb9: {  	_ =	strace $0x90000048  }
0xba: {  	_ =	sfence  }
0xbb: {  	s30 =	sld [smem:$0x0];
	_ =	sdelay $0x2  }
0xbc: {  	s31 =	sshll.u32 s1, $0xD;
	s1 =	sshrl.u32 s1, $0x2  }
0xbd: {  	s3 =	sand.u32 $0x4000, s31;
	s1 =	sadd.s32 s1, s30  }
0xbe: {  	s0 =	sor.u32 s3, s0;
	s1 =	sshll.u32 s1, $0x11  }
0xbf: {  	s0 =	sor.u32 s1, s0  }
0xc0: {  	s0 =	sadd.s32 $0x8F2B, s0  }
0xc1: {  	[sflag:s0] =	ssyncadd.remote.s32 $0x1  }
0xc2: {  	_ =	sfence.sel $0xFFFF  }
0xc3: {  	[dreg:$0x0] =	wrdreg $0xFFFFFFFF;
	(pc) =	sbr.abs _section_cstart, $3  }
0xc4: {  	[dreg:$0x1] =	wrdreg $0xFFFFFFFF  }
0xc5: {  	_ =	task.clear_ibuf [dreg:s8], $0x2FFFF;
	_ =	strace $0x9FFFFFFF  }
0xc6: {  	(tm) =	ssettm $0x7FFFFFFF  }
0xc7: {  	_ =	shalt  }
tec
execute0_lowered:
.L_overlay_start_1:
0x0: {  	(tag) =	ssettag $0x1  }
0x1: {  	s0 =	rddreg [dreg:$0x0]  }
0x2: {  	s1 =	rddreg [dreg:$0x1]  }
0x3: {  	s4 =	rddreg [dreg:$0x2]  }
0x4: {  	s2 =	rddreg [dreg:$0x3]  }
0x5: {  	s3 =	rddreg [dreg:$0x4];
	s16 =	stileid.u32  }
0x6: {  	s5 =	srdreg.scid;
	s28 =	simm.s32 $0xC;
	s8 =	smul.u32 $0x14000, s16  }
0x7: {  	s6 =	sand.u32 $0x1, s5;
	s5 =	simm.s32 $0x0;
	s13 =	smul.u32 $0x500, s16  }
0x8: {  	s15 =	sadd.s32 $0xCA00, s0;
	s14 =	sadd.s32 $0x2C00, s0;
	s11 =	smul.u32 $0x280, s16  }
0x9: {  	s9 =	sadd.s32 $0x16800, s0;
	s19 =	sshll.u32 s16, $0x6;
	s20 =	smul.u32 $0x2710, s16  }
0xa: {  	s7 =	smul.u32 $0x140000, s6;
	[smem:$0x7FF] =	sst s5;
	s12 =	sshll.u32 s6, $0x4  }
0xb: {  	s10 =	sshll.u32 s6, $0x7;
	s17 =	ssub.s32 $0x2, s6;
	s6 =	smul.u32 $0x27100, s6  }
0xc: {  	_ =	strace $0x80000047;
	[dreg:$0xc] =	wrdreg s9;
	s9 =	sor.u32 s10, s13  }
0xd: {  	s13 =	smul.u32 $0x50000, s16;
	s21 =	sadd.s32 s11, s3;
	s22 =	sshrl.u32 s11, $0x3  }
0xe: {  	s7 =	sadd.s32 s8, s7;
	s8 =	sor.u32 s16, s12;
	s9 =	sshrl.u32 s9, $0x3  }
0xf: {  	s12 =	sshrl.u32 s17, $0x1;
	s16 =	sor.u32 $0x1C0D, s19;
	[dreg:$0xf] =	wrdreg s21  }
0x10: {  	s6 =	sadd.s32 s20, s6;
	s4 =	sadd.s32 s4, s22;
	s7 =	sshrl.u32 s7, $0x3  }
0x11: {  	s8 =	smul.u32 $0x2710, s8;
	s18 =	sshrl.u32 s13, $0x2;
	[dreg:$0x10] =	wrdreg s4  }
0x12: {  	s24 =	sadd.s32 $0x230, s6;
	s31 =	sadd.s32 $0x1E0, s6;
	s19 =	sadd.s32 $0x190, s6  }
0x13: {  	s7 =	sadd.s32 s7, s0;
	s10 =	sadd.s32 s18, s2;
	s4 =	sshrl.u32 s24, $0x3  }
0x14: {  	s13 =	sshrl.u32 s31, $0x3;
	s31 =	sadd.s32 $0x140, s6;
	[dreg:$0xd] =	wrdreg s10  }
0x15: {  	s0 =	sadd.s32 s9, s0;
	s30 =	sadd.s32 s4, s14;
	[dreg:$0x1e] =	wrdreg s31  }
0x16: {  	s9 =	ssub.s32 s17, s12;
	s4 =	sadd.s32 s4, s15;
	[dreg:$0x6] =	wrdreg s30  }
0x17: {  	s12 =	simm.s32 $0x4;
	s17 =	sadd.s32 s13, s14;
	[dreg:$0x7] =	wrdreg s4  }
0x18: {  	s8 =	sshrl.u32 s8, $0x3;
	s11 =	sadd.s32 s13, s15;
	[dreg:$0x8] =	wrdreg s17  }
0x19: {  	s0 =	sadd.s32 $0x69000, s0;
	s13 =	simm.s32 $0x2900;
	[dreg:$0x9] =	wrdreg s11  }
0x1a: {  	s23 =	sadd.s32 s15, s8;
	s25 =	sadd.s32 s14, s8;
	[dreg:$0x1c] =	wrdreg s0  }
0x1b: {  	s26 =	sadd.s32 $0xA, s8;
	s18 =	sadd.s32 $0x14, s8;
	[dreg:$0x11] =	wrdreg s23  }
0x1c: {  	s4 =	sshrl.u32 s19, $0x3;
	s30 =	smax.u32 s9, $0x1;
	[dreg:$0x12] =	wrdreg s25  }
0x1d: {  	s22 =	sadd.s32 $0x1E, s8;
	s29 =	sadd.s32 s15, s26;
	[dreg:$0x1d] =	wrdreg s30  }
0x1e: {  	s24 =	sadd.s32 $0x4D8, s8;
	s10 =	sadd.s32 s14, s26;
	[dreg:$0x13] =	wrdreg s29  }
0x1f: {  	s9 =	smov.u32 s15;
	s20 =	sadd.s32 s15, s18;
	[dreg:$0x14] =	wrdreg s10  }
0x20: {  	s8 =	simm.s32 $0xD;
	s21 =	sadd.s32 s4, s14;
	[dreg:$0x15] =	wrdreg s20  }
0x21: {  	s0 =	simm.s32 $0x1;
	s4 =	sadd.s32 s4, s15;
	[dreg:$0xa] =	wrdreg s21  }
0x22: {  	s17 =	simm.s32 $0x1E400;
	s23 =	sadd.s32 s15, s22;
	[dreg:$0xb] =	wrdreg s4  }
0x23: {  	s11 =	simm.s32 $0x0;
	s25 =	sadd.s32 s14, s22;
	[dreg:$0x17] =	wrdreg s23  }
0x24: {  	s26 =	sadd.s32 s15, s24;
	s22 =	simm.s32 $0xA;
	[dreg:$0x18] =	wrdreg s25  }
0x25: {  	s10 =	sadd.s32 s14, s18;
	[dreg:$0x19] =	wrdreg s26;
	s4 =	sadd.s32 s14, s24  }
0x26: {  	s29 =	sadd.s32 $0x19000, s7;
	s7 =	smov.u32 s16;
	[dreg:$0x16] =	wrdreg s10  }
0x27: {  	s18 =	simm.s32 $0x7;
	s20 =	simm.s32 $0x3;
	[dreg:$0x1a] =	wrdreg s4  }
0x28: {  	s24 =	simm.s32 $0x6;
	s26 =	simm.s32 $0x9;
	[dreg:$0x1b] =	wrdreg s29  }
0x29: {  	v0 =	vimm.f32 $1.000000000e+00;
	s4 =	simm.s32 $0x50;
	s10 =	simm.s32 $0xB;
	[dreg:$0xe] =	wrdreg s7  }
.LBB2_1:
0x2a: {  	[dreg:$0x1f] =	wrdreg s11  }
0x2b: {  	s6 =	rddreg [dreg:$0xd]  }
0x2c: {  	s25 =	rddreg [dreg:$0xc];
	s23 =	sshrl.u32 s6, $0x3  }
0x2d: {  	[smem:$0x7FC] =	sst s23  }
0x2e: {  	[spmem:s23], [sflag:s7] =	dma.local [hbm:s25], $0x2800  }
0x2f: {  	_ =	swait.ge [sflag:s8], $0x2800  }
0x30: {  	s29 =	rddreg [dreg:$0xf]  }
0x31: {  	[sflag:s8] =	ssyncset.done $0x0;
	s31 =	rddreg [dreg:$0x10];
	s30 =	sshrl.u32 s29, $0x3  }
0x32: {  	[sflag:s8] =	ssyncadd.s32 $0xFFFFD800;
	[smem:$0x7FD] =	sst s30  }
0x33: {  	[spmem:s30], [sflag:s7] =	dma.local [hbm:s31], $0x50  }
0x34: {  	_ =	swait.ge [sflag:s8], $0x50  }
0x35: {  	[sflag:s8] =	ssyncset.done $0x0  }
0x36: {  	[sflag:s8] =	ssyncadd.s32 $0xFFFFFFB0  }
0x37: {  	[tilespmem:$0x1E400] =	vst v0  }
0x38: {  	[tilespmem:$0x1E410] =	vst v0  }
0x39: {  	[tilespmem:$0x1E420] =	vst v0  }
0x3a: {  	[tilespmem:$0x1E430] =	vst v0  }
0x3b: {  	[tilespmem:$0x1E440] =	vst v0  }
0x3c: {  	[bflag:$0x0] =	sbarrier.arrive $0xFFFF  }
0x3d: {  	s11 =	rddreg [dreg:$0x11]  }
0x3e: {  	[tilespmem:s5], [sflag:$0x1] =	stream.linear.gather [hbm4b:s11+s5], $0x50, $0x38;
	[tilespmem:$0x1E700] =	vst v63  }
0x3f: {  	s15 =	rddreg [dreg:$0x12];
	s11 =	simm.s32 $0x80  }
0x40: {  	[tilespmem:s11], [sflag:$0x1] =	stream.linear.gather [hbm4b:s15+s5], $0x50, $0x38;
	[tilespmem:$0x1E700] =	vst v63  }
0x41: {  	s16 =	rddreg [dreg:$0x13]  }
0x42: {  	[tilespmem:s13], [sflag:$0x4] =	stream.linear.gather [hbm4b:s16+s5], $0x50, $0x38;
	[tilespmem:$0x1E700] =	vst v63  }
0x43: {  	s23 =	simm.s32 $0x2980;
	s19 =	rddreg [dreg:$0x14]  }
0x44: {  	[tilespmem:s23], [sflag:$0x4] =	stream.linear.gather [hbm4b:s19+s5], $0x50, $0x38;
	[tilespmem:$0x1E700] =	vst v63  }
0x45: {  	_ =	swait.ge [sflag:s0], $0x50  }
0x46: {  	[sflag:s0] =	ssyncset.done $0x0  }
0x47: {  	[sflag:s0] =	ssyncadd.s32 $0xFFFFFFB0  }
0x48: {  	_ =	swait.ge [sflag:s0], $0x50  }
0x49: {  	[sflag:s0] =	ssyncset.done $0x0  }
0x4a: {  	s15 =	simm.s32 $0x100;
	[sflag:s0] =	ssyncadd.s32 $0xFFFFFFB0  }
0x4b: {  	[tilespmem:s15], [sflag:$0x2] =	stream.indirect.gather [hbm4b:s1+s4], $0x80, s5, s4, $0xb8;
	[tilespmem:$0x1E700] =	vst v63  }
0x4c: {  	s19 =	simm.s32 $0x5200;
	s21 =	rddreg [dreg:$0x15]  }
0x4d: {  	[tilespmem:s19], [sflag:$0x7] =	stream.linear.gather [hbm4b:s21+s5], $0x50, $0x38;
	[tilespmem:$0x1E700] =	vst v63  }
0x4e: {  	s29 =	simm.s32 $0x5280;
	s25 =	rddreg [dreg:$0x16]  }
0x4f: {  	[tilespmem:s29], [sflag:$0x7] =	stream.linear.gather [hbm4b:s25+s5], $0x50, $0x38;
	[tilespmem:$0x1E700] =	vst v63  }
0x50: {  	_ =	swait.ge [sflag:s12], $0x50  }
0x51: {  	[sflag:s12] =	ssyncset.done $0x0  }
0x52: {  	[sflag:s12] =	ssyncadd.s32 $0xFFFFFFB0  }
0x53: {  	_ =	swait.ge [sflag:s12], $0x50  }
0x54: {  	[sflag:s12] =	ssyncset.done $0x0  }
0x55: {  	s16 =	simm.s32 $0x2A00;
	[sflag:s12] =	ssyncadd.s32 $0xFFFFFFB0  }
0x56: {  	[tilespmem:s16], [sflag:$0x5] =	stream.indirect.gather [hbm4b:s1+s4], $0x80, s13, s4, $0xb8;
	[tilespmem:$0x1E700] =	vst v63  }
0x57: {  	s31 =	simm.s32 $0x7B00;
	s30 =	rddreg [dreg:$0x17]  }
0x58: {  	[tilespmem:s31], [sflag:$0xA] =	stream.linear.gather [hbm4b:s30+s5], $0x50, $0x38;
	[tilespmem:$0x1E700] =	vst v63  }
0x59: {  	s21 =	simm.s32 $0x7B80;
	s8 =	rddreg [dreg:$0x18];
	s31 =	simm.s32 $0x2  }
0x5a: {  	[tilespmem:s21], [sflag:$0xA] =	stream.linear.gather [hbm4b:s8+s5], $0x50, $0x38;
	[tilespmem:$0x1E700] =	vst v63  }
0x5b: {  	_ =	swait.ge [sflag:s31], $0x2800  }
0x5c: {  	[sflag:s31] =	ssyncset.done $0x0  }
0x5d: {  	[sflag:s31] =	ssyncadd.s32 $0xFFFFD800  }
0x5e: {  	[spmem:s2] =	stream.indirect.scatter.add.f32 [tilespmem:s15], [sflag:$0x3], $0x80, s11, s4, $0xb8;
	[tilespmem:$0x1E700] =	vst v63  }
0x5f: {  	_ = 	snop  }
0x60: {  	[spmem:s3] =	stream.indirect.scatter.add.f32 [tilespmem:s17], [sflag:$0x3], $0x1, s11, s4, $0xb8;
	[tilespmem:$0x1E700] =	vst v63  }
0x61: {  	_ =	swait.ge [sflag:s18], $0x50  }
0x62: {  	[sflag:s18] =	ssyncset.done $0x0  }
0x63: {  	[sflag:s18] =	ssyncadd.s32 $0xFFFFFFB0  }
0x64: {  	_ =	swait.ge [sflag:s18], $0x50  }
0x65: {  	[sflag:s18] =	ssyncset.done $0x0  }
0x66: {  	s30 =	simm.s32 $0x5300;
	[sflag:s18] =	ssyncadd.s32 $0xFFFFFFB0  }
0x67: {  	[tilespmem:s30], [sflag:$0x8] =	stream.indirect.gather [hbm4b:s1+s4], $0x80, s19, s4, $0xb8;
	[tilespmem:$0x1E700] =	vst v63  }
0x68: {  	_ =	swait.ge [sflag:s20], $0x2800  }
0x69: {  	[sflag:s20] =	ssyncset.done $0x0  }
0x6a: {  	[sflag:s20] =	ssyncadd.s32 $0xFFFFD800  }
0x6b: {  	_ =	swait.ge [sflag:s20], $0x50  }
0x6c: {  	s8 =	rddreg [dreg:$0x1e]  }
0x6d: {  	[sflag:s20] =	ssyncset.done $0x0;
	s6 =	sshrl.u32 s8, $0x3  }
0x6e: {  	[sflag:s20] =	ssyncadd.s32 $0xFFFFFFB0;
	s25 =	sadd.s32 s9, s6  }
0x6f: {  	[tilespmem:s5], [sflag:$0x1] =	stream.linear.gather [hbm4b:s25+s5], $0x50, $0x38;
	[tilespmem:$0x1E700] =	vst v63  }
0x70: {  	s6 =	sadd.s32 s14, s6;
	s25 =	simm.s32 $0x5  }
0x71: {  	[tilespmem:s11], [sflag:$0x1] =	stream.linear.gather [hbm4b:s6+s5], $0x50, $0x38;
	[tilespmem:$0x1E700] =	vst v63  }
0x72: {  	_ =	swait.ge [sflag:s25], $0x2800  }
0x73: {  	[sflag:s25] =	ssyncset.done $0x0  }
0x74: {  	[sflag:s25] =	ssyncadd.s32 $0xFFFFD800  }
0x75: {  	[spmem:s2] =	stream.indirect.scatter.add.f32 [tilespmem:s16], [sflag:$0x6], $0x80, s23, s4, $0xb8;
	[tilespmem:$0x1E700] =	vst v63  }
0x76: {  	_ = 	snop  }
0x77: {  	[spmem:s3] =	stream.indirect.scatter.add.f32 [tilespmem:s17], [sflag:$0x6], $0x1, s23, s4, $0xb8;
	[tilespmem:$0x1E700] =	vst v63  }
0x78: {  	_ =	swait.ge [sflag:s22], $0x50  }
0x79: {  	[sflag:s22] =	ssyncset.done $0x0  }
0x7a: {  	[sflag:s22] =	ssyncadd.s32 $0xFFFFFFB0  }
0x7b: {  	_ =	swait.ge [sflag:s22], $0x50  }
0x7c: {  	[sflag:s22] =	ssyncset.done $0x0  }
0x7d: {  	s7 =	simm.s32 $0x7B00;
	s25 =	simm.s32 $0x7C00;
	[sflag:s22] =	ssyncadd.s32 $0xFFFFFFB0  }
0x7e: {  	[tilespmem:s25], [sflag:$0xB] =	stream.indirect.gather [hbm4b:s1+s4], $0x80, s7, s4, $0xb8;
	[tilespmem:$0x1E700] =	vst v63  }
0x7f: {  	_ =	swait.ge [sflag:s24], $0x2800  }
0x80: {  	[sflag:s24] =	ssyncset.done $0x0  }
0x81: {  	[sflag:s24] =	ssyncadd.s32 $0xFFFFD800  }
0x82: {  	_ =	swait.ge [sflag:s24], $0x50  }
0x83: {  	s6 =	rddreg [dreg:$0xb];
	[sflag:s24] =	ssyncset.done $0x0  }
0x84: {  	s7 =	rddreg [dreg:$0xa];
	[sflag:s24] =	ssyncadd.s32 $0xFFFFFFB0;
	s6 =	sadd.s32 $0x0, s6  }
0x85: {  	[tilespmem:s13], [sflag:$0x4] =	stream.linear.gather [hbm4b:s6+s5], $0x50, $0x38;
	[tilespmem:$0x1E700] =	vst v63  }
0x86: {  	s7 =	sadd.s32 $0x0, s7  }
0x87: {  	[tilespmem:s23], [sflag:$0x4] =	stream.linear.gather [hbm4b:s7+s5], $0x50, $0x38;
	[tilespmem:$0x1E700] =	vst v63  }
0x88: {  	s7 =	simm.s32 $0x8  }
0x89: {  	_ =	swait.ge [sflag:s7], $0x2800  }
0x8a: {  	[sflag:s7] =	ssyncset.done $0x0  }
0x8b: {  	[sflag:s7] =	ssyncadd.s32 $0xFFFFD800  }
0x8c: {  	[spmem:s2] =	stream.indirect.scatter.add.f32 [tilespmem:s30], [sflag:$0x9], $0x80, s29, s4, $0xb8;
	[tilespmem:$0x1E700] =	vst v63  }
0x8d: {  	_ = 	snop  }
0x8e: {  	[spmem:s3] =	stream.indirect.scatter.add.f32 [tilespmem:s17], [sflag:$0x9], $0x1, s29, s4, $0xb8;
	[tilespmem:$0x1E700] =	vst v63  }
0x8f: {  	_ =	swait.ge [sflag:s0], $0x50  }
0x90: {  	[sflag:s0] =	ssyncset.done $0x0  }
0x91: {  	[sflag:s0] =	ssyncadd.s32 $0xFFFFFFB0  }
0x92: {  	_ =	swait.ge [sflag:s0], $0x50  }
0x93: {  	[sflag:s0] =	ssyncset.done $0x0  }
0x94: {  	[sflag:s0] =	ssyncadd.s32 $0xFFFFFFB0  }
0x95: {  	[tilespmem:s15], [sflag:$0x2] =	stream.indirect.gather [hbm4b:s1+s4], $0x80, s5, s4, $0xb8;
	[tilespmem:$0x1E700] =	vst v63  }
0x96: {  	_ =	swait.ge [sflag:s26], $0x2800  }
0x97: {  	[sflag:s26] =	ssyncset.done $0x0  }
0x98: {  	[sflag:s26] =	ssyncadd.s32 $0xFFFFD800  }
0x99: {  	_ =	swait.ge [sflag:s26], $0x50  }
0x9a: {  	s23 =	rddreg [dreg:$0x9];
	[sflag:s26] =	ssyncset.done $0x0  }
0x9b: {  	s30 =	rddreg [dreg:$0x8];
	[sflag:s26] =	ssyncadd.s32 $0xFFFFFFB0;
	s6 =	sadd.s32 $0x0, s23  }
0x9c: {  	[tilespmem:s19], [sflag:$0x7] =	stream.linear.gather [hbm4b:s6+s5], $0x50, $0x38;
	[tilespmem:$0x1E700] =	vst v63  }
0x9d: {  	s19 =	sadd.s32 $0x0, s30  }
0x9e: {  	[tilespmem:s29], [sflag:$0x7] =	stream.linear.gather [hbm4b:s19+s5], $0x50, $0x38;
	[tilespmem:$0x1E700] =	vst v63  }
0x9f: {  	_ =	swait.ge [sflag:s10], $0x2800  }
0xa0: {  	[sflag:s10] =	ssyncset.done $0x0  }
0xa1: {  	[sflag:s10] =	ssyncadd.s32 $0xFFFFD800  }
0xa2: {  	[spmem:s2] =	stream.indirect.scatter.add.f32 [tilespmem:s25], [sflag:$0xC], $0x80, s21, s4, $0xb8;
	[tilespmem:$0x1E700] =	vst v63  }
0xa3: {  	_ = 	snop  }
0xa4: {  	[spmem:s3] =	stream.indirect.scatter.add.f32 [tilespmem:s17], [sflag:$0xC], $0x1, s21, s4, $0xb8;
	[tilespmem:$0x1E700] =	vst v63  }
0xa5: {  	_ =	swait.ge [sflag:s12], $0x50  }
0xa6: {  	[sflag:s12] =	ssyncset.done $0x0  }
0xa7: {  	[sflag:s12] =	ssyncadd.s32 $0xFFFFFFB0  }
0xa8: {  	_ =	swait.ge [sflag:s12], $0x50  }
0xa9: {  	[sflag:s12] =	ssyncset.done $0x0  }
0xaa: {  	[sflag:s12] =	ssyncadd.s32 $0xFFFFFFB0  }
0xab: {  	[tilespmem:s16], [sflag:$0x5] =	stream.indirect.gather [hbm4b:s1+s4], $0x80, s13, s4, $0xb8;
	[tilespmem:$0x1E700] =	vst v63  }
0xac: {  	_ =	swait.ge [sflag:s28], $0x2800  }
0xad: {  	[sflag:s28] =	ssyncset.done $0x0  }
0xae: {  	[sflag:s28] =	ssyncadd.s32 $0xFFFFD800  }
0xaf: {  	_ =	swait.ge [sflag:s28], $0x50  }
0xb0: {  	s29 =	simm.s32 $0x7B00;
	s23 =	rddreg [dreg:$0x7];
	[sflag:s28] =	ssyncset.done $0x0  }
0xb1: {  	s25 =	rddreg [dreg:$0x6];
	[sflag:s28] =	ssyncadd.s32 $0xFFFFFFB0;
	s6 =	sadd.s32 $0x0, s23  }
0xb2: {  	[tilespmem:s29], [sflag:$0xA] =	stream.linear.gather [hbm4b:s6+s5], $0x50, $0x38;
	[tilespmem:$0x1E700] =	vst v63  }
0xb3: {  	s30 =	sadd.s32 $0x0, s25  }
0xb4: {  	[tilespmem:s21], [sflag:$0xA] =	stream.linear.gather [hbm4b:s30+s5], $0x50, $0x38;
	[tilespmem:$0x1E700] =	vst v63  }
0xb5: {  	_ =	swait.ge [sflag:s31], $0x2800  }
0xb6: {  	s7 =	sadd.s32 $0x140, s8;
	[sflag:s31] =	ssyncset.done $0x0  }
0xb7: {  	s19 =	simm.s32 $0x2900;
	s6 =	simm.s32 $0x28;
	[sflag:s31] =	ssyncadd.s32 $0xFFFFD800  }
0xb8: {  	[spmem:s2] =	stream.indirect.scatter.add.f32 [tilespmem:s15], [sflag:$0x3], $0x80, s11, s4, $0xb8;
	[tilespmem:$0x1E700] =	vst v63  }
.LBB2_2:
0xb9: {  	s11 =	simm.s32 $0x80  }
0xba: {  	[spmem:s3] =	stream.indirect.scatter.add.f32 [tilespmem:s17], [sflag:$0x3], $0x1, s11, s4, $0xb8;
	[tilespmem:$0x1E700] =	vst v63  }
0xbb: {  	_ =	swait.ge [sflag:s18], $0x50  }
0xbc: {  	[sflag:s18] =	ssyncset.done $0x0  }
0xbd: {  	[sflag:s18] =	ssyncadd.s32 $0xFFFFFFB0  }
0xbe: {  	_ =	swait.ge [sflag:s18], $0x50  }
0xbf: {  	[sflag:s18] =	ssyncset.done $0x0  }
0xc0: {  	s29 =	simm.s32 $0x5200;
	s31 =	simm.s32 $0x5300;
	[sflag:s18] =	ssyncadd.s32 $0xFFFFFFB0  }
0xc1: {  	[tilespmem:s31], [sflag:$0x8] =	stream.indirect.gather [hbm4b:s1+s4], $0x80, s29, s4, $0xb8;
	[tilespmem:$0x1E700] =	vst v63  }
0xc2: {  	_ =	swait.ge [sflag:s20], $0x2800  }
0xc3: {  	[sflag:s20] =	ssyncset.done $0x0  }
0xc4: {  	[sflag:s20] =	ssyncadd.s32 $0xFFFFD800  }
0xc5: {  	_ =	swait.ge [sflag:s20], $0x50  }
0xc6: {  	s8 =	sshrl.u32 s7, $0x3;
	[sflag:s20] =	ssyncset.done $0x0  }
0xc7: {  	s23 =	sadd.s32 s9, s8;
	[sflag:s20] =	ssyncadd.s32 $0xFFFFFFB0  }
0xc8: {  	[tilespmem:s5], [sflag:$0x1] =	stream.linear.gather [hbm4b:s23+s5], $0x50, $0x38;
	[tilespmem:$0x1E700] =	vst v63  }
0xc9: {  	s25 =	simm.s32 $0x5;
	s8 =	sadd.s32 s14, s8  }
0xca: {  	[tilespmem:s11], [sflag:$0x1] =	stream.linear.gather [hbm4b:s8+s5], $0x50, $0x38;
	[tilespmem:$0x1E700] =	vst v63  }
0xcb: {  	_ =	swait.ge [sflag:s25], $0x2800  }
0xcc: {  	[sflag:s25] =	ssyncset.done $0x0  }
0xcd: {  	s16 =	simm.s32 $0x2A00;
	s23 =	simm.s32 $0x2980;
	[sflag:s25] =	ssyncadd.s32 $0xFFFFD800  }
0xce: {  	[spmem:s2] =	stream.indirect.scatter.add.f32 [tilespmem:s16], [sflag:$0x6], $0x80, s23, s4, $0xb8;
	[tilespmem:$0x1E700] =	vst v63  }
0xcf: {  	_ = 	snop  }
0xd0: {  	[spmem:s3] =	stream.indirect.scatter.add.f32 [tilespmem:s17], [sflag:$0x6], $0x1, s23, s4, $0xb8;
	[tilespmem:$0x1E700] =	vst v63  }
0xd1: {  	_ =	swait.ge [sflag:s22], $0x50  }
0xd2: {  	[sflag:s22] =	ssyncset.done $0x0  }
0xd3: {  	[sflag:s22] =	ssyncadd.s32 $0xFFFFFFB0  }
0xd4: {  	_ =	swait.ge [sflag:s22], $0x50  }
0xd5: {  	[sflag:s22] =	ssyncset.done $0x0  }
0xd6: {  	s21 =	simm.s32 $0x7B00;
	s25 =	simm.s32 $0x7C00;
	[sflag:s22] =	ssyncadd.s32 $0xFFFFFFB0  }
0xd7: {  	[tilespmem:s25], [sflag:$0xB] =	stream.indirect.gather [hbm4b:s1+s4], $0x80, s21, s4, $0xb8;
	[tilespmem:$0x1E700] =	vst v63  }
0xd8: {  	_ =	swait.ge [sflag:s24], $0x2800  }
0xd9: {  	[sflag:s24] =	ssyncset.done $0x0  }
0xda: {  	[sflag:s24] =	ssyncadd.s32 $0xFFFFD800  }
0xdb: {  	s30 =	smov.u32 s6;
	_ =	swait.ge [sflag:s24], $0x50  }
0xdc: {  	s13 =	smov.u32 s9;
	s9 =	rddreg [dreg:$0xb];
	[sflag:s24] =	ssyncset.done $0x0  }
0xdd: {  	s15 =	rddreg [dreg:$0xa];
	[sflag:s24] =	ssyncadd.s32 $0xFFFFFFB0;
	s8 =	sadd.s32 s30, s9  }
0xde: {  	[tilespmem:s19], [sflag:$0x4] =	stream.linear.gather [hbm4b:s8+s5], $0x50, $0x38;
	[tilespmem:$0x1E700] =	vst v63  }
0xdf: {  	s15 =	sadd.s32 s30, s15  }
0xe0: {  	[tilespmem:s23], [sflag:$0x4] =	stream.linear.gather [hbm4b:s15+s5], $0x50, $0x38;
	[tilespmem:$0x1E700] =	vst v63  }
0xe1: {  	s23 =	simm.s32 $0x8  }
0xe2: {  	_ =	swait.ge [sflag:s23], $0x2800  }
0xe3: {  	[sflag:s23] =	ssyncset.done $0x0  }
0xe4: {  	s15 =	simm.s32 $0x5280;
	[sflag:s23] =	ssyncadd.s32 $0xFFFFD800  }
0xe5: {  	[spmem:s2] =	stream.indirect.scatter.add.f32 [tilespmem:s31], [sflag:$0x9], $0x80, s15, s4, $0xb8;
	[tilespmem:$0x1E700] =	vst v63  }
0xe6: {  	_ = 	snop  }
0xe7: {  	[spmem:s3] =	stream.indirect.scatter.add.f32 [tilespmem:s17], [sflag:$0x9], $0x1, s15, s4, $0xb8;
	[tilespmem:$0x1E700] =	vst v63  }
0xe8: {  	_ =	swait.ge [sflag:s0], $0x50  }
0xe9: {  	[sflag:s0] =	ssyncset.done $0x0  }
0xea: {  	[sflag:s0] =	ssyncadd.s32 $0xFFFFFFB0  }
0xeb: {  	_ =	swait.ge [sflag:s0], $0x50  }
0xec: {  	[sflag:s0] =	ssyncset.done $0x0  }
0xed: {  	s23 =	simm.s32 $0x100;
	[sflag:s0] =	ssyncadd.s32 $0xFFFFFFB0  }
0xee: {  	[tilespmem:s23], [sflag:$0x2] =	stream.indirect.gather [hbm4b:s1+s4], $0x80, s5, s4, $0xb8;
	[tilespmem:$0x1E700] =	vst v63  }
0xef: {  	_ =	swait.ge [sflag:s26], $0x2800  }
0xf0: {  	[sflag:s26] =	ssyncset.done $0x0  }
0xf1: {  	[sflag:s26] =	ssyncadd.s32 $0xFFFFD800  }
0xf2: {  	_ =	swait.ge [sflag:s26], $0x50  }
0xf3: {  	s8 =	rddreg [dreg:$0x9];
	[sflag:s26] =	ssyncset.done $0x0  }
0xf4: {  	s9 =	rddreg [dreg:$0x8];
	[sflag:s26] =	ssyncadd.s32 $0xFFFFFFB0;
	s8 =	sadd.s32 s30, s8  }
0xf5: {  	[tilespmem:s29], [sflag:$0x7] =	stream.linear.gather [hbm4b:s8+s5], $0x50, $0x38;
	[tilespmem:$0x1E700] =	vst v63  }
0xf6: {  	s9 =	sadd.s32 s30, s9  }
0xf7: {  	[tilespmem:s15], [sflag:$0x7] =	stream.linear.gather [hbm4b:s9+s5], $0x50, $0x38;
	[tilespmem:$0x1E700] =	vst v63  }
0xf8: {  	_ =	swait.ge [sflag:s10], $0x2800  }
0xf9: {  	[sflag:s10] =	ssyncset.done $0x0  }
0xfa: {  	s29 =	simm.s32 $0x7B80;
	[sflag:s10] =	ssyncadd.s32 $0xFFFFD800  }
0xfb: {  	[spmem:s2] =	stream.indirect.scatter.add.f32 [tilespmem:s25], [sflag:$0xC], $0x80, s29, s4, $0xb8;
	[tilespmem:$0x1E700] =	vst v63  }
0xfc: {  	_ = 	snop  }
0xfd: {  	[spmem:s3] =	stream.indirect.scatter.add.f32 [tilespmem:s17], [sflag:$0xC], $0x1, s29, s4, $0xb8;
	[tilespmem:$0x1E700] =	vst v63  }
0xfe: {  	_ =	swait.ge [sflag:s12], $0x50  }
0xff: {  	[sflag:s12] =	ssyncset.done $0x0  }
0x100: {  	[sflag:s12] =	ssyncadd.s32 $0xFFFFFFB0  }
0x101: {  	_ =	swait.ge [sflag:s12], $0x50  }
0x102: {  	[sflag:s12] =	ssyncset.done $0x0  }
0x103: {  	[sflag:s12] =	ssyncadd.s32 $0xFFFFFFB0  }
0x104: {  	[tilespmem:s16], [sflag:$0x5] =	stream.indirect.gather [hbm4b:s1+s4], $0x80, s19, s4, $0xb8;
	[tilespmem:$0x1E700] =	vst v63  }
0x105: {  	_ =	swait.ge [sflag:s28], $0x2800  }
0x106: {  	[sflag:s28] =	ssyncset.done $0x0  }
0x107: {  	[sflag:s28] =	ssyncadd.s32 $0xFFFFD800  }
0x108: {  	_ =	swait.ge [sflag:s28], $0x50  }
0x109: {  	s16 =	rddreg [dreg:$0x7];
	[sflag:s28] =	ssyncset.done $0x0  }
0x10a: {  	s25 =	rddreg [dreg:$0x6];
	[sflag:s28] =	ssyncadd.s32 $0xFFFFFFB0;
	s8 =	sadd.s32 s30, s16  }
0x10b: {  	[tilespmem:s21], [sflag:$0xA] =	stream.linear.gather [hbm4b:s8+s5], $0x50, $0x38;
	[tilespmem:$0x1E700] =	vst v63  }
0x10c: {  	p0 =	sne.s32 s6, $0x488;
	s25 =	sadd.s32 s30, s25  }
0x10d: {  	[tilespmem:s29], [sflag:$0xA] =	stream.linear.gather [hbm4b:s25+s5], $0x50, $0x38;
	[tilespmem:$0x1E700] =	vst v63  }
.Ltmp0:
0x10e: {  	s30 =	simm.s32 $0x2;
	(pc) =	sbr.rel @p0 .LBB2_2-.Ltmp0, $4  }
0x10f: {  	s6 =	sadd.s32 $0x28, s6;
	s7 =	sadd.s32 $0x140, s7;
	_ =	swait.ge [sflag:s30], $0x2800  }
0x110: {  	s31 =	simm.s32 $0x5200;
	s15 =	simm.s32 $0x2A00;
	[sflag:s30] =	ssyncset.done $0x0  }
0x111: {  	s9 =	smov.u32 s13;
	s16 =	simm.s32 $0x7B00;
	[sflag:s30] =	ssyncadd.s32 $0xFFFFD800  }
0x112: {  	[spmem:s2] =	stream.indirect.scatter.add.f32 [tilespmem:s23], [sflag:$0x3], $0x80, s11, s4, $0xb8;
	[tilespmem:$0x1E700] =	vst v63  }
0x113: {  	s7 =	simm.s32 $0x80  }
0x114: {  	[spmem:s3] =	stream.indirect.scatter.add.f32 [tilespmem:s17], [sflag:$0x3], $0x1, s7, s4, $0xb8;
	[tilespmem:$0x1E700] =	vst v63  }
0x115: {  	_ =	swait.ge [sflag:s18], $0x50  }
0x116: {  	[sflag:s18] =	ssyncset.done $0x0  }
0x117: {  	[sflag:s18] =	ssyncadd.s32 $0xFFFFFFB0  }
0x118: {  	_ =	swait.ge [sflag:s18], $0x50  }
0x119: {  	[sflag:s18] =	ssyncset.done $0x0  }
0x11a: {  	s8 =	simm.s32 $0x5300;
	[sflag:s18] =	ssyncadd.s32 $0xFFFFFFB0  }
0x11b: {  	[tilespmem:s8], [sflag:$0x8] =	stream.indirect.gather [hbm4b:s1+s4], $0x80, s31, s4, $0xb8;
	[tilespmem:$0x1E700] =	vst v63  }
0x11c: {  	_ =	swait.ge [sflag:s20], $0x2800  }
0x11d: {  	[sflag:s20] =	ssyncset.done $0x0  }
0x11e: {  	[sflag:s20] =	ssyncadd.s32 $0xFFFFD800  }
0x11f: {  	_ =	swait.ge [sflag:s20], $0x50  }
0x120: {  	[sflag:s20] =	ssyncset.done $0x0  }
0x121: {  	s6 =	rddreg [dreg:$0x19];
	[sflag:s20] =	ssyncadd.s32 $0xFFFFFFB0  }
0x122: {  	[tilespmem:s5], [sflag:$0x1] =	stream.linear.gather [hbm4b:s6+s5], $0x50, $0x38;
	[tilespmem:$0x1E700] =	vst v63  }
0x123: {  	s25 =	simm.s32 $0x5;
	s23 =	rddreg [dreg:$0x1a]  }
0x124: {  	[tilespmem:s7], [sflag:$0x1] =	stream.linear.gather [hbm4b:s23+s5], $0x50, $0x38;
	[tilespmem:$0x1E700] =	vst v63  }
0x125: {  	_ =	swait.ge [sflag:s25], $0x2800  }
0x126: {  	[sflag:s25] =	ssyncset.done $0x0  }
0x127: {  	s29 =	simm.s32 $0x2980;
	[sflag:s25] =	ssyncadd.s32 $0xFFFFD800  }
0x128: {  	[spmem:s2] =	stream.indirect.scatter.add.f32 [tilespmem:s15], [sflag:$0x6], $0x80, s29, s4, $0xb8;
	[tilespmem:$0x1E700] =	vst v63  }
0x129: {  	_ = 	snop  }
0x12a: {  	[spmem:s3] =	stream.indirect.scatter.add.f32 [tilespmem:s17], [sflag:$0x6], $0x1, s29, s4, $0xb8;
	[tilespmem:$0x1E700] =	vst v63  }
0x12b: {  	_ =	swait.ge [sflag:s22], $0x50  }
0x12c: {  	[sflag:s22] =	ssyncset.done $0x0  }
0x12d: {  	[sflag:s22] =	ssyncadd.s32 $0xFFFFFFB0  }
0x12e: {  	_ =	swait.ge [sflag:s22], $0x50  }
0x12f: {  	[sflag:s22] =	ssyncset.done $0x0  }
0x130: {  	s11 =	simm.s32 $0x7C00;
	[sflag:s22] =	ssyncadd.s32 $0xFFFFFFB0  }
0x131: {  	[tilespmem:s11], [sflag:$0xB] =	stream.indirect.gather [hbm4b:s1+s4], $0x80, s16, s4, $0xb8;
	[tilespmem:$0x1E700] =	vst v63  }
0x132: {  	_ =	swait.ge [sflag:s24], $0x2800  }
0x133: {  	[sflag:s24] =	ssyncset.done $0x0  }
0x134: {  	[sflag:s24] =	ssyncadd.s32 $0xFFFFD800  }
0x135: {  	_ =	swait.ge [sflag:s24], $0x50  }
0x136: {  	[sflag:s24] =	ssyncset.done $0x0  }
0x137: {  	s30 =	simm.s32 $0x8;
	[sflag:s24] =	ssyncadd.s32 $0xFFFFFFB0  }
0x138: {  	_ =	swait.ge [sflag:s30], $0x2800  }
0x139: {  	[sflag:s30] =	ssyncset.done $0x0  }
0x13a: {  	s31 =	simm.s32 $0x5280;
	[sflag:s30] =	ssyncadd.s32 $0xFFFFD800  }
0x13b: {  	[spmem:s2] =	stream.indirect.scatter.add.f32 [tilespmem:s8], [sflag:$0x9], $0x80, s31, s4, $0xb8;
	[tilespmem:$0x1E700] =	vst v63  }
0x13c: {  	_ = 	snop  }
0x13d: {  	[spmem:s3] =	stream.indirect.scatter.add.f32 [tilespmem:s17], [sflag:$0x9], $0x1, s31, s4, $0xb8;
	[tilespmem:$0x1E700] =	vst v63  }
0x13e: {  	_ =	swait.ge [sflag:s0], $0x50  }
0x13f: {  	[sflag:s0] =	ssyncset.done $0x0  }
0x140: {  	[sflag:s0] =	ssyncadd.s32 $0xFFFFFFB0  }
0x141: {  	_ =	swait.ge [sflag:s0], $0x50  }
0x142: {  	[sflag:s0] =	ssyncset.done $0x0  }
0x143: {  	s13 =	simm.s32 $0x100;
	[sflag:s0] =	ssyncadd.s32 $0xFFFFFFB0  }
0x144: {  	[tilespmem:s13], [sflag:$0x2] =	stream.indirect.gather [hbm4b:s1+s4], $0x80, s5, s4, $0xb8;
	[tilespmem:$0x1E700] =	vst v63  }
0x145: {  	_ =	swait.ge [sflag:s26], $0x2800  }
0x146: {  	[sflag:s26] =	ssyncset.done $0x0  }
0x147: {  	[sflag:s26] =	ssyncadd.s32 $0xFFFFD800  }
0x148: {  	_ =	swait.ge [sflag:s26], $0x50  }
0x149: {  	[sflag:s26] =	ssyncset.done $0x0  }
0x14a: {  	[sflag:s26] =	ssyncadd.s32 $0xFFFFFFB0  }
0x14b: {  	_ =	swait.ge [sflag:s10], $0x2800  }
0x14c: {  	[sflag:s10] =	ssyncset.done $0x0  }
0x14d: {  	s15 =	simm.s32 $0x7B80;
	[sflag:s10] =	ssyncadd.s32 $0xFFFFD800  }
0x14e: {  	[spmem:s2] =	stream.indirect.scatter.add.f32 [tilespmem:s11], [sflag:$0xC], $0x80, s15, s4, $0xb8;
	[tilespmem:$0x1E700] =	vst v63  }
0x14f: {  	s16 =	simm.s32 $0x2  }
0x150: {  	[spmem:s3] =	stream.indirect.scatter.add.f32 [tilespmem:s17], [sflag:$0xC], $0x1, s15, s4, $0xb8;
	[tilespmem:$0x1E700] =	vst v63  }
0x151: {  	_ =	swait.ge [sflag:s16], $0x2800  }
0x152: {  	[sflag:s16] =	ssyncset.done $0x0  }
0x153: {  	[sflag:s16] =	ssyncadd.s32 $0xFFFFD800  }
0x154: {  	[spmem:s2] =	stream.indirect.scatter.add.f32 [tilespmem:s13], [sflag:$0x3], $0x80, s7, s4, $0xb8;
	[tilespmem:$0x1E700] =	vst v63  }
0x155: {  	_ = 	snop  }
0x156: {  	[spmem:s3] =	stream.indirect.scatter.add.f32 [tilespmem:s17], [sflag:$0x3], $0x1, s7, s4, $0xb8;
	[tilespmem:$0x1E700] =	vst v63  }
0x157: {  	_ =	swait.ge [sflag:s28], $0x2800  }
0x158: {  	[sflag:s28] =	ssyncset.done $0x0  }
0x159: {  	[sflag:s28] =	ssyncadd.s32 $0xFFFFD800  }
0x15a: {  	_ =	swait.ge [sflag:s28], $0x50  }
0x15b: {  	[sflag:s28] =	ssyncset.done $0x0  }
0x15c: {  	[sflag:s28] =	ssyncadd.s32 $0xFFFFFFB0  }
0x15d: {  	_ =	swait.ge [sflag:s20], $0x2800  }
0x15e: {  	[sflag:s20] =	ssyncset.done $0x0  }
0x15f: {  	[sflag:s20] =	ssyncadd.s32 $0xFFFFD800  }
0x160: {  	_ =	swait.ge [sflag:s20], $0x50  }
0x161: {  	[sflag:s20] =	ssyncset.done $0x0  }
0x162: {  	[sflag:s20] =	ssyncadd.s32 $0xFFFFFFB0  }
0x163: {  	[bflag:$0x0] =	sbarrier.arrive $0xFFFF  }
0x164: {  	s21 =	sld [smem:$0x7FC]  }
0x165: {  	s7 =	rddreg [dreg:$0xe]  }
0x166: {  	s8 =	simm.s32 $0xD;
	s19 =	rddreg [dreg:$0x1b]  }
0x167: {  	[hbm:s19], [sflag:s7] =	dma.local [spmem:s21], $0x2800  }
0x168: {  	_ =	swait.ge [sflag:s8], $0x2800  }
0x169: {  	s29 =	sld [smem:$0x7FD]  }
0x16a: {  	s25 =	simm.s32 $0x20;
	[sflag:s8] =	ssyncset.done $0x0  }
0x16b: {  	s13 =	simm.s32 $0x10;
	s23 =	rddreg [dreg:$0x1c];
	[sflag:s8] =	ssyncadd.s32 $0xFFFFD800  }
0x16c: {  	[hbm:s23@s25], [sflag:s7] =	dma.strided [spmem:s29@s13], $0x50, s0, $0x10   }
0x16d: {  	_ =	swait.ge [sflag:s8], $0x50  }
0x16e: {  	s30 =	rddreg [dreg:$0x1f]  }
0x16f: {  	s31 =	rddreg [dreg:$0x1d];
	s11 =	sadd.s32 $0x1, s30  }
0x170: {  	p0 =	sne.s32 s11, s31  }
.Ltmp1:
0x171: {  	_ = 	snop;
	(pc) =	sbr.rel @p0 .LBB2_1-.Ltmp1, $3  }
0x172: {  	_ =	sdelay $0x1  }
0x173: {  	[sflag:s8] =	ssyncset.done $0x0  }
0x174: {  	s13 =	simm.s32 $0x2900;
	[sflag:s8] =	ssyncadd.s32 $0xFFFFFFB0  }
0x175: {  	_ =	sfence.sel $0x180000  }
0x176: {  	[bflag:$0x0] =	sbarrier.arrive $0xFFFF  }
0x177: {  	_ =	strace $0x90000047  }
0x178: {  	s0 =	stileid.u32;
	[bflag:$0x2] =	sbarrier.arrive $0xFFFF  }
0x179: {  	p0 =	sne.s32 s0, $0x0;
	s0 =	rddreg [dreg:$0x5]  }
0x17a: {  	s0 =	sadd.s32 @!p0 $0x100000, s0  }
0x17b: {  	[sflag:s0] =	ssyncadd.tile.s32 @!p0 $0x1;
	_ =	shalt  }
.Lfunc_end2:
_tile_overlayer_lowered:
.L_overlay_start_2:
0x17c: {  	(tag) =	ssettag $0x2  }
0x17d: {  	s0 =	rddreg [dreg:$0x0];
	s2 =	stileid.u32  }
0x17e: {  	s1 =	rddreg [dreg:$0x1];
	p0 =	sne.s32 s2, $0x0  }
0x17f: {  	s3 =	rddreg [dreg:$0x2];
	[bflag:$0x3] =	sbarrier.arrive $0xFFFF;
	s2 =	simm.s32 @!p0 $0x1C0D  }
0x180: {  	[timem:s3], [sflag:s2] =	dma.local @!p0 [hbm:s0], s1  }
0x181: {  	s0 =	simm.s32 @!p0 $0xD  }
0x182: {  	_ =	swait.ge @!p0 [sflag:s0], s1  }
0x183: {  	s1 =	ssub.s32 @!p0 $0x0, s1;
	[sflag:s0] =	ssyncset.done @!p0 $0x0  }
0x184: {  	[sflag:s0] =	ssyncadd.s32 @!p0 s1  }
0x185: {  	[bflag:$0x3] =	sbarrier.arrive $0xFFFF  }
0x186: {  	_ =	shalt  }

// kernel: kernel.9.cloned.1.call-start
scs
__scs_entry_jumppad:
0x0: {  	(pc) =	sbr.rel $0x88, $3  }
0x1: {  	(tag) =	ssettag $0x0;
	lr =	simm.s32 $0x1  }
0x2: {  	[smem:$0x3F95] =	sst lr;
	_ =	strace $0xD0000000  }
0x3: {  	_ = 	snop  }
0x4: {  	_ = 	snop  }
0x5: {  	_ = 	snop  }
0x6: {  	_ = 	snop  }
0x7: {  	_ = 	snop  }
__scs_overlays_trampoline_lowered:
0x8: {  	[smem:$0x3FA4] =	sst s0  }
0x9: {  	[smem:$0x3FA5] =	sst s1  }
0xa: {  	[smem:$0x3FA6] =	sst s2  }
0xb: {  	[smem:$0x3FA7] =	sst s3  }
0xc: {  	[smem:$0x3FA8] =	sst s4  }
0xd: {  	[smem:$0x3FA9] =	sst s5  }
0xe: {  	[smem:$0x3FAA] =	sst s6  }
0xf: {  	[smem:$0x3FAB] =	sst s7  }
0x10: {  	[smem:$0x3FAC] =	sst s8  }
0x11: {  	[smem:$0x3FAD] =	sst s9;
	s0 =	simm.s32 @!p0 $0x0  }
0x12: {  	s1 =	sld [smem:$0x3F93];
	s0 =	simm.s32 @p0 $0x1  }
0x13: {  	[smem:$0x3FAE] =	sst s0;
	s0 =	simm.s32 @!p1 $0x0  }
0x14: {  	s2 =	sld [smem:$0x3F92];
	s0 =	simm.s32 @p1 $0x1  }
0x15: {  	[smem:$0x3FAF] =	sst s0;
	s0 =	simm.s32 @!p2 $0x0  }
0x16: {  	s3 =	sld [smem:$0x3FDB];
	s0 =	simm.s32 @p2 $0x1  }
0x17: {  	s4 =	simm.s32 $0x1BF5;
	[smem:$0x3FB1] =	sst s0  }
0x18: {  	s0 =	sld [smem:$0x3F94];
	_ =	swait.ge [sflag:s4], $0x0  }
0x19: {  	s7 =	sld [smem:$0x3F95]  }
0x1a: {  	s8 =	sadd.s32 $0xFFFFE003, lr  }
0x1b: {  	s9 =	sadd.s32 $0xFFFFFEF7, lr;
	s5 =	simm.s32 $0xFFFFFFFF;
	p2 =	slt.u32 s8, $0xFFFFF086  }
0x1c: {  	p1 =	slt.u32 s9, $0xF7A;
	s5 =	simm.s32 @!p2 $0x0  }
0x1d: {  	s5 =	simm.s32 @p1 $0x1;
	p0 =	seq.s32 s7, s2  }
0x1e: {  	s7 =	smul.u32 @!p0 $0xF7A, s2;
	p2 =	seq.s32 @!p0 s5, $0x0  }
0x1f: {  	s9 =	smul.u32 $0xF7A, s1;
	s8 =	simm.s32 @!p0 $0x1BF5;
	p2 =	por !p2, p0  }
0x20: {  	[sflag:s8] =	ssyncset.s32 @!p0 $0xFFFFF086;
	s6 =	sadd.s32 @!p0 s3, s7;
	s7 =	simm.s32 @!p0 $0x108  }
0x21: {  	s3 =	sadd.s32 s3, s9;
	s6 =	sadd.s32 @!p0 $0x88, s6;
	s7 =	simm.s32 @p2 $0x1082  }
0x22: {  	[simem:s7], [sflag:s8] =	dma.local @!p0 [hbm:s6], $0xF7A  }
0x23: {  	s9 =	sor.u32 $0xD0000000, s2;
	s6 =	simm.s32 $0x108;
	_ =	swait.ge @!p0 [sflag:s8], $0x0  }
0x24: {  	s3 =	sadd.s32 $0x88, s3;
	s6 =	simm.s32 @!p1 $0x1082;
	[sflag:s4] =	ssyncset.s32 $0xFFFFF086  }
0x25: {  	[simem:s6], [sflag:s4] =	dma.local [hbm:s3], $0xF7A  }
0x26: {  	[smem:$0x3F95] =	sst s1;
	(tag) =	ssettag s2;
	_ =	strace s9  }
0x27: {  	s1 =	sld [smem:$0x3FA5]  }
0x28: {  	s2 =	sld [smem:$0x3FA6]  }
0x29: {  	s4 =	sld [smem:$0x3FA8]  }
0x2a: {  	p0 =	seq.s32 s5, $0x0;
	s5 =	sld [smem:$0x3FA9]  }
0x2b: {  	s6 =	sld [smem:$0x3FAA]  }
0x2c: {  	s7 =	sld [smem:$0x3FAB]  }
0x2d: {  	s3 =	simm.s32 $0x108;
	s8 =	sld [smem:$0x3FAC]  }
0x2e: {  	s3 =	simm.s32 @!p0 $0x1082;
	s9 =	sld [smem:$0x3FAD]  }
0x2f: {  	lr =	sadd.s32 s0, s3;
	s0 =	sld [smem:$0x3FA4]  }
0x30: {  	s3 =	sld [smem:$0x3FA7]  }
0x31: {  	[smem:$0x3FB0] =	sst s10  }
0x32: {  	s10 =	sld [smem:$0x3FAE];
	_ =	sdelay $0x3  }
0x33: {  	p0 =	seq.s32 s10, $0x1;
	s10 =	sld [smem:$0x3FB0];
	_ =	sdelay $0x3  }
0x34: {  	[smem:$0x3FB0] =	sst s10  }
0x35: {  	s10 =	sld [smem:$0x3FAF];
	_ =	sdelay $0x3  }
0x36: {  	p1 =	seq.s32 s10, $0x1;
	s10 =	sld [smem:$0x3FB0];
	_ =	sdelay $0x3  }
0x37: {  	[smem:$0x3FB0] =	sst s10  }
0x38: {  	s10 =	sld [smem:$0x3FB1]  }
0x39: {  	_ = 	snop;
	(pc) =	sbr.ind lr, $3  }
0x3a: {  	_ = 	snop  }
0x3b: {  	_ = 	snop  }
0x3c: {  	p2 =	seq.s32 s10, $0x1;
	s10 =	sld [smem:$0x3FB0]  }
0x3d: {  	_ =	shalt  }
0x3e: {  	_ =	shalt  }
0x3f: {  	_ =	shalt  }
0x40: {  	_ =	shalt  }
0x41: {  	_ =	shalt  }
0x42: {  	_ =	shalt  }
0x43: {  	_ =	shalt  }
0x44: {  	_ =	shalt  }
0x45: {  	_ =	shalt  }
0x46: {  	_ =	shalt  }
0x47: {  	_ =	shalt  }
0x48: {  	_ =	shalt  }
0x49: {  	_ =	shalt  }
0x4a: {  	_ =	shalt  }
0x4b: {  	_ =	shalt  }
0x4c: {  	_ =	shalt  }
0x4d: {  	_ =	shalt  }
0x4e: {  	_ =	shalt  }
0x4f: {  	_ =	shalt  }
0x50: {  	_ =	shalt  }
0x51: {  	_ =	shalt  }
0x52: {  	_ =	shalt  }
0x53: {  	_ =	shalt  }
0x54: {  	_ =	shalt  }
0x55: {  	_ =	shalt  }
0x56: {  	_ =	shalt  }
0x57: {  	_ =	shalt  }
0x58: {  	_ =	shalt  }
0x59: {  	_ =	shalt  }
0x5a: {  	_ =	shalt  }
0x5b: {  	_ =	shalt  }
0x5c: {  	_ =	shalt  }
0x5d: {  	_ =	shalt  }
0x5e: {  	_ =	shalt  }
0x5f: {  	_ =	shalt  }
0x60: {  	_ =	shalt  }
0x61: {  	_ =	shalt  }
0x62: {  	_ =	shalt  }
0x63: {  	_ =	shalt  }
0x64: {  	_ =	shalt  }
0x65: {  	_ =	shalt  }
0x66: {  	_ =	shalt  }
0x67: {  	_ =	shalt  }
0x68: {  	_ =	shalt  }
0x69: {  	_ =	shalt  }
0x6a: {  	_ =	shalt  }
0x6b: {  	_ =	shalt  }
0x6c: {  	_ =	shalt  }
0x6d: {  	_ =	shalt  }
0x6e: {  	_ =	shalt  }
0x6f: {  	_ =	shalt  }
0x70: {  	_ =	shalt  }
0x71: {  	_ =	shalt  }
0x72: {  	_ =	shalt  }
0x73: {  	_ =	shalt  }
0x74: {  	_ =	shalt  }
0x75: {  	_ =	shalt  }
0x76: {  	_ =	shalt  }
0x77: {  	_ =	shalt  }
0x78: {  	_ =	shalt  }
0x79: {  	_ =	shalt  }
0x7a: {  	_ =	shalt  }
0x7b: {  	_ =	shalt  }
0x7c: {  	_ =	shalt  }
0x7d: {  	_ =	shalt  }
0x7e: {  	_ =	shalt  }
0x7f: {  	_ =	shalt  }
0x80: {  	_ =	shalt  }
0x81: {  	_ =	shalt  }
0x82: {  	_ =	shalt  }
0x83: {  	_ =	shalt  }
0x84: {  	_ =	shalt  }
0x85: {  	_ =	shalt  }
0x86: {  	_ =	shalt  }
0x87: {  	_ =	shalt  }
.Lfunc_end0:
.L_simem_size_0:
called_computation.1_lowered:
.L_overlay_start_0:
0x88: {  	s2 =	sld [smem:$0x3FD9]  }
0x89: {  	s3 =	sld [smem:$0x3FFE];
	_ =	sdelay $0x1  }
0x8a: {  	s1 =	srdreg.scid  }
0x8b: {  	s0 =	sand.u32 $0x1, s1  }
0x8c: {  	s17 =	sshll.u32 s0, $0xA;
	s2 =	sadd.s32 s3, s2  }
0x8d: {  	s2 =	sadd.s32 s2, s17  }
0x8e: {  	[smem:$0x3FBC] =	sst s2  }
0x8f: {  	_ = 	snop  }
0x90: {  	s2 =	sld [smem:$0x3FD0];
	(tm) =	ssettm $0x1  }
0x91: {  	s18 =	sld [smem:$0x3FFB];
	_ =	sdelay $0x3  }
0x92: {  	_ =	strace s18  }
0x93: {  	s3 =	sld [smem:$0x3FFC];
	_ =	sdelay $0x3  }
0x94: {  	_ =	strace s3  }
0x95: {  	s3 =	sld [smem:$0x3FFD];
	_ =	sdelay $0x3  }
0x96: {  	_ =	strace s3  }
0x97: {  	_ =	strace $0x8FFFFFFF  }
0x98: {  	s19 =	sld [smem:$0x3FDB];
	_ =	sdelay $0x1  }
0x99: {  	s4 =	simm.s32 $_scs_section_size  }
0x9a: {  	s5 =	simm.s32 $_size__tile_overlayer_lowered;
	s6 =	simm.s32 $_tile_overlayer_lowered  }
0x9b: {  	s22 =	simm.s32 $0x1BFF;
	s21 =	sshll.u32 s6, $0x1;
	s3 =	sadd.s32 s4, s19  }
0x9c: {  	s7 =	simm.s32 $0x0;
	s20 =	sshll.u32 s5, $0x1;
	s5 =	sadd.s32 s21, s3  }
0x9d: {  	[timem:s7], [sflag:s22] =	dma.local [hbm:s5], s20  }
0x9e: {  	_ =	swait.ge [sflag:s22], s20  }
0x9f: {  	s4 =	ssub.s32 $0x0, s20;
	[sflag:s22] =	ssyncset.done $0x0  }
0xa0: {  	[sflag:s22] =	ssyncadd.s32 s4;
	_ =	sdelay $0x1  }
0xa1: {  	s23 =	simm.s32 $0x1B8B  }
0xa2: {  	_ =	swait.ge [sflag:s23], $0x1  }
0xa3: {  	[sflag:s23] =	ssyncset.done $0x0  }
0xa4: {  	s25 =	simm.s32 $0x1B8E;
	s24 =	sld [smem:$0x3FFE];
	[sflag:s23] =	ssyncadd.s32 $0xFFFFFFFF  }
0xa5: {  	s26 =	simm.s32 $execute0_lowered;
	[smem:$0x3FD2] =	sst s25  }
0xa6: {  	s5 =	sshll.u32 s26, $0x1;
	_ =	strace $0x80000049;
	[dreg:$0x1] =	wrdreg $0xFFFFFFFF  }
0xa7: {  	s28 =	simm.s32 $_size_execute0_lowered;
	s3 =	sadd.s32 s3, s5;
	[dreg:$0x0] =	wrdreg $0x0  }
0xa8: {  	s5 =	sshll.u32 s28, $0x1;
	[dreg:$0x2] =	wrdreg s3  }
0xa9: {  	[dreg:$0x3] =	wrdreg s5  }
0xaa: {  	[dreg:$0x4] =	wrdreg $0xC0  }
0xab: {  	_ =	task [dreg:s7], $0x5FFFF  }
0xac: {  	[dreg:$0x1] =	wrdreg $0xFFFFFFFF  }
0xad: {  	[dreg:$0x0] =	wrdreg $0x60  }
0xae: {  	[dreg:$0x2] =	wrdreg s24  }
0xaf: {  	[dreg:$0x3] =	wrdreg s2  }
0xb0: {  	[dreg:$0x4] =	wrdreg $0xA4000  }
0xb1: {  	[dreg:$0x5] =	wrdreg $0x9  }
0xb2: {  	_ =	task.clear_ibuf [dreg:s7], $0x6FFFF;
	_ =	strace $0x90000049  }
0xb3: {  	s29 =	simm.s32 $0x9;
	_ =	strace $0x8000004B  }
0xb4: {  	_ =	swait.ge [sflag:s29], $0x1  }
0xb5: {  	[sflag:s29] =	ssyncadd.s32 $0xFFFFFFFF  }
0xb6: {  	_ =	strace $0x9000004B  }
0xb7: {  	_ =	sfence  }
0xb8: {  	s30 =	sld [smem:$0x0];
	_ =	sdelay $0x2  }
0xb9: {  	s31 =	sshll.u32 s1, $0xD;
	s1 =	sshrl.u32 s1, $0x2  }
0xba: {  	s3 =	sand.u32 $0x4000, s31;
	s1 =	sadd.s32 s1, s30  }
0xbb: {  	s0 =	sor.u32 s3, s0;
	s1 =	sshll.u32 s1, $0x11  }
0xbc: {  	s0 =	sor.u32 s1, s0  }
0xbd: {  	s0 =	sadd.s32 $0x8F2B, s0  }
0xbe: {  	[sflag:s0] =	ssyncadd.remote.s32 $0x1  }
0xbf: {  	_ =	sfence.sel $0xFFFF  }
0xc0: {  	[dreg:$0x0] =	wrdreg $0xFFFFFFFF;
	(pc) =	sbr.abs _section_cstart, $3  }
0xc1: {  	[dreg:$0x1] =	wrdreg $0xFFFFFFFF  }
0xc2: {  	_ =	task.clear_ibuf [dreg:s7], $0x2FFFF;
	_ =	strace $0x9FFFFFFF  }
0xc3: {  	(tm) =	ssettm $0x7FFFFFFF  }
tec
execute0_lowered:
.L_overlay_start_1:
0x0: {  	(tag) =	ssettag $0x1  }
0x1: {  	s0 =	rddreg [dreg:$0x0]  }
0x2: {  	s1 =	rddreg [dreg:$0x1]  }
0x3: {  	s2 =	rddreg [dreg:$0x2];
	s3 =	srdreg.scid;
	s4 =	simm.s32 $0x0  }
0x4: {  	s6 =	stileid.u32;
	s30 =	simm.s32 $0x2900;
	s28 =	simm.s32 $0x1  }
0x5: {  	s29 =	simm.s32 $0x50;
	s3 =	sand.u32 $0x1, s3;
	s7 =	smul.u32 $0x14000, s6  }
0x6: {  	[smem:$0x7FF] =	sst s4;
	s24 =	sadd.s32 $0xCA00, s0;
	s13 =	smul.u32 $0x50000, s6  }
0x7: {  	s26 =	sadd.s32 $0x2C00, s0;
	s8 =	sadd.s32 $0x16800, s0;
	s18 =	smul.u32 $0x2710, s6  }
0x8: {  	s15 =	sshll.u32 s6, $0x6;
	s5 =	smul.u32 $0x140000, s3;
	_ =	strace $0x8000004A  }
0x9: {  	[dreg:$0xa] =	wrdreg s8;
	s12 =	sshll.u32 s3, $0x4;
	s14 =	ssub.s32 $0x2, s3  }
0xa: {  	s22 =	sor.u32 $0x1C0D, s15;
	s3 =	smul.u32 $0x27100, s3;
	s9 =	sshrl.u32 s14, $0x1  }
0xb: {  	s8 =	sshrl.u32 s13, $0x2;
	[dreg:$0xc] =	wrdreg s22;
	s5 =	sadd.s32 s7, s5  }
0xc: {  	s7 =	sor.u32 s6, s12;
	s8 =	sadd.s32 s8, s2;
	s3 =	sadd.s32 s18, s3  }
0xd: {  	s5 =	sshrl.u32 s5, $0x3;
	s7 =	smul.u32 $0x2710, s7;
	s13 =	sadd.s32 $0x1E0, s3  }
0xe: {  	s0 =	sadd.s32 s5, s0;
	s5 =	ssub.s32 s14, s9;
	s14 =	sshrl.u32 s13, $0x3  }
0xf: {  	s6 =	simm.s32 $0xD;
	[dreg:$0xb] =	wrdreg s8;
	s15 =	sadd.s32 s14, s26  }
0x10: {  	s7 =	sshrl.u32 s7, $0x3;
	s0 =	sadd.s32 $0x19000, s0;
	[dreg:$0x6] =	wrdreg s15  }
0x11: {  	s9 =	sadd.s32 $0x230, s3;
	s16 =	sadd.s32 s24, s7;
	[dreg:$0x17] =	wrdreg s0  }
0x12: {  	s12 =	sshrl.u32 s9, $0x3;
	s19 =	sadd.s32 s26, s7;
	[dreg:$0xd] =	wrdreg s16  }
0x13: {  	s17 =	sadd.s32 $0xA, s7;
	s9 =	sadd.s32 s12, s26;
	[dreg:$0xe] =	wrdreg s19  }
0x14: {  	s10 =	sadd.s32 $0x14, s7;
	s8 =	sadd.s32 s12, s24;
	[dreg:$0x4] =	wrdreg s9  }
0x15: {  	s31 =	sadd.s32 $0x1E, s7;
	s20 =	sadd.s32 s24, s17;
	[dreg:$0x5] =	wrdreg s8  }
0x16: {  	s7 =	sadd.s32 $0x4D8, s7;
	s21 =	sadd.s32 s26, s17;
	[dreg:$0xf] =	wrdreg s20  }
0x17: {  	s12 =	simm.s32 $0x7;
	s23 =	sadd.s32 s24, s10;
	[dreg:$0x10] =	wrdreg s21  }
0x18: {  	s15 =	simm.s32 $0x5;
	s25 =	sadd.s32 s26, s10;
	[dreg:$0x11] =	wrdreg s23  }
0x19: {  	s0 =	simm.s32 $0x0;
	s10 =	sadd.s32 s24, s31;
	[dreg:$0x12] =	wrdreg s25  }
0x1a: {  	s11 =	sadd.s32 s26, s31;
	s16 =	sadd.s32 $0x190, s3;
	[dreg:$0x13] =	wrdreg s10  }
0x1b: {  	s17 =	sadd.s32 s14, s24;
	s19 =	sadd.s32 s24, s7;
	[dreg:$0x14] =	wrdreg s11  }
0x1c: {  	s31 =	sadd.s32 $0x140, s3;
	s3 =	simm.s32 $0x4;
	[dreg:$0x15] =	wrdreg s19  }
0x1d: {  	s14 =	simm.s32 $0x3;
	s9 =	simm.s32 $0xC;
	[dreg:$0x7] =	wrdreg s17  }
0x1e: {  	s18 =	sshrl.u32 s16, $0x3;
	s21 =	sadd.s32 s26, s7;
	[dreg:$0x19] =	wrdreg s31  }
0x1f: {  	s25 =	smax.u32 s5, $0x1;
	s16 =	simm.s32 $0xA;
	[dreg:$0x16] =	wrdreg s21  }
0x20: {  	s19 =	simm.s32 $0x8;
	s20 =	sadd.s32 s18, s26;
	[dreg:$0x18] =	wrdreg s25  }
0x21: {  	s23 =	sadd.s32 s18, s24;
	s18 =	simm.s32 $0x6;
	[dreg:$0x8] =	wrdreg s20  }
0x22: {  	s21 =	simm.s32 $0xB;
	[dreg:$0x9] =	wrdreg s23;
	s20 =	simm.s32 $0x9  }
.LBB2_1:
0x23: {  	[dreg:$0x1a] =	wrdreg s0  }
0x24: {  	s5 =	rddreg [dreg:$0xb]  }
0x25: {  	s31 =	rddreg [dreg:$0xa];
	s25 =	sshrl.u32 s5, $0x3  }
0x26: {  	[dreg:$0x1b] =	wrdreg s25  }
0x27: {  	[spmem:s25], [sflag:s22] =	dma.local [hbm:s31], $0x2800  }
0x28: {  	_ =	swait.ge [sflag:s6], $0x2800  }
0x29: {  	[sflag:s6] =	ssyncset.done $0x0  }
0x2a: {  	[sflag:s6] =	ssyncadd.s32 $0xFFFFD800  }
0x2b: {  	[bflag:$0x0] =	sbarrier.arrive $0xFFFF  }
0x2c: {  	s7 =	rddreg [dreg:$0xd]  }
0x2d: {  	[tilespmem:s4], [sflag:$0x1] =	stream.linear.gather [hbm4b:s7+s4], $0x50, $0x38;
	[tilespmem:$0x1E400] =	vst v63  }
0x2e: {  	s23 =	simm.s32 $0x80;
	s8 =	rddreg [dreg:$0xe]  }
0x2f: {  	[tilespmem:s23], [sflag:$0x1] =	stream.linear.gather [hbm4b:s8+s4], $0x50, $0x38;
	[tilespmem:$0x1E400] =	vst v63  }
0x30: {  	s10 =	rddreg [dreg:$0xf]  }
0x31: {  	[tilespmem:s30], [sflag:$0x4] =	stream.linear.gather [hbm4b:s10+s4], $0x50, $0x38;
	[tilespmem:$0x1E400] =	vst v63  }
0x32: {  	s25 =	simm.s32 $0x2980;
	s11 =	rddreg [dreg:$0x10]  }
0x33: {  	[tilespmem:s25], [sflag:$0x4] =	stream.linear.gather [hbm4b:s11+s4], $0x50, $0x38;
	[tilespmem:$0x1E400] =	vst v63  }
0x34: {  	_ =	swait.ge [sflag:s28], $0x50  }
0x35: {  	[sflag:s28] =	ssyncset.done $0x0  }
0x36: {  	[sflag:s28] =	ssyncadd.s32 $0xFFFFFFB0  }
0x37: {  	_ =	swait.ge [sflag:s28], $0x50  }
0x38: {  	[sflag:s28] =	ssyncset.done $0x0  }
0x39: {  	s7 =	simm.s32 $0x100;
	[sflag:s28] =	ssyncadd.s32 $0xFFFFFFB0  }
0x3a: {  	[tilespmem:s7], [sflag:$0x2] =	stream.indirect.gather [hbm4b:s1+s29], $0x80, s4, s29, $0xb8;
	[tilespmem:$0x1E400] =	vst v63  }
0x3b: {  	s8 =	simm.s32 $0x5200;
	s13 =	rddreg [dreg:$0x11]  }
0x3c: {  	[tilespmem:s8], [sflag:$0x7] =	stream.linear.gather [hbm4b:s13+s4], $0x50, $0x38;
	[tilespmem:$0x1E400] =	vst v63  }
0x3d: {  	s10 =	simm.s32 $0x5280;
	s17 =	rddreg [dreg:$0x12]  }
0x3e: {  	[tilespmem:s10], [sflag:$0x7] =	stream.linear.gather [hbm4b:s17+s4], $0x50, $0x38;
	[tilespmem:$0x1E400] =	vst v63  }
0x3f: {  	_ =	swait.ge [sflag:s3], $0x50  }
0x40: {  	[sflag:s3] =	ssyncset.done $0x0  }
0x41: {  	[sflag:s3] =	ssyncadd.s32 $0xFFFFFFB0  }
0x42: {  	_ =	swait.ge [sflag:s3], $0x50  }
0x43: {  	[sflag:s3] =	ssyncset.done $0x0  }
0x44: {  	s13 =	simm.s32 $0x2A00;
	[sflag:s3] =	ssyncadd.s32 $0xFFFFFFB0  }
0x45: {  	[tilespmem:s13], [sflag:$0x5] =	stream.indirect.gather [hbm4b:s1+s29], $0x80, s30, s29, $0xb8;
	[tilespmem:$0x1E400] =	vst v63  }
0x46: {  	s31 =	simm.s32 $0x7B00;
	s22 =	rddreg [dreg:$0x13]  }
0x47: {  	[tilespmem:s31], [sflag:$0xA] =	stream.linear.gather [hbm4b:s22+s4], $0x50, $0x38;
	[tilespmem:$0x1E400] =	vst v63  }
0x48: {  	s6 =	simm.s32 $0x7B80;
	s0 =	rddreg [dreg:$0x14]  }
0x49: {  	[tilespmem:s6], [sflag:$0xA] =	stream.linear.gather [hbm4b:s0+s4], $0x50, $0x38;
	[tilespmem:$0x1E400] =	vst v63  }
0x4a: {  	s0 =	simm.s32 $0x2  }
0x4b: {  	_ =	swait.ge [sflag:s0], $0x2800  }
0x4c: {  	[sflag:s0] =	ssyncset.done $0x0  }
0x4d: {  	[sflag:s0] =	ssyncadd.s32 $0xFFFFD800  }
0x4e: {  	[spmem:s2] =	stream.indirect.scatter.add.f32 [tilespmem:s7], [sflag:$0x3], $0x80, s23, s29, $0xb8;
	[tilespmem:$0x1E400] =	vst v63  }
0x4f: {  	_ =	swait.ge [sflag:s12], $0x50  }
0x50: {  	[sflag:s12] =	ssyncset.done $0x0  }
0x51: {  	[sflag:s12] =	ssyncadd.s32 $0xFFFFFFB0  }
0x52: {  	_ =	swait.ge [sflag:s12], $0x50  }
0x53: {  	[sflag:s12] =	ssyncset.done $0x0  }
0x54: {  	s17 =	simm.s32 $0x5300;
	[sflag:s12] =	ssyncadd.s32 $0xFFFFFFB0  }
0x55: {  	[tilespmem:s17], [sflag:$0x8] =	stream.indirect.gather [hbm4b:s1+s29], $0x80, s8, s29, $0xb8;
	[tilespmem:$0x1E400] =	vst v63  }
0x56: {  	_ =	swait.ge [sflag:s14], $0x2800  }
0x57: {  	s6 =	rddreg [dreg:$0x19]  }
0x58: {  	[sflag:s14] =	ssyncset.done $0x0;
	s5 =	sshrl.u32 s6, $0x3  }
0x59: {  	[sflag:s14] =	ssyncadd.s32 $0xFFFFD800;
	s11 =	sadd.s32 s24, s5  }
0x5a: {  	[tilespmem:s4], [sflag:$0x1] =	stream.linear.gather [hbm4b:s11+s4], $0x50, $0x38;
	[tilespmem:$0x1E400] =	vst v63  }
0x5b: {  	s5 =	sadd.s32 s26, s5  }
0x5c: {  	[tilespmem:s23], [sflag:$0x1] =	stream.linear.gather [hbm4b:s5+s4], $0x50, $0x38;
	[tilespmem:$0x1E400] =	vst v63  }
0x5d: {  	_ =	swait.ge [sflag:s15], $0x2800  }
0x5e: {  	[sflag:s15] =	ssyncset.done $0x0  }
0x5f: {  	[sflag:s15] =	ssyncadd.s32 $0xFFFFD800  }
0x60: {  	[spmem:s2] =	stream.indirect.scatter.add.f32 [tilespmem:s13], [sflag:$0x6], $0x80, s25, s29, $0xb8;
	[tilespmem:$0x1E400] =	vst v63  }
0x61: {  	_ =	swait.ge [sflag:s16], $0x50  }
0x62: {  	[sflag:s16] =	ssyncset.done $0x0  }
0x63: {  	[sflag:s16] =	ssyncadd.s32 $0xFFFFFFB0  }
0x64: {  	_ =	swait.ge [sflag:s16], $0x50  }
0x65: {  	[sflag:s16] =	ssyncset.done $0x0  }
0x66: {  	s11 =	simm.s32 $0x7C00;
	[sflag:s16] =	ssyncadd.s32 $0xFFFFFFB0  }
0x67: {  	[tilespmem:s11], [sflag:$0xB] =	stream.indirect.gather [hbm4b:s1+s29], $0x80, s31, s29, $0xb8;
	[tilespmem:$0x1E400] =	vst v63  }
0x68: {  	_ =	swait.ge [sflag:s18], $0x2800  }
0x69: {  	s22 =	rddreg [dreg:$0x9];
	[sflag:s18] =	ssyncset.done $0x0  }
0x6a: {  	s23 =	rddreg [dreg:$0x8];
	[sflag:s18] =	ssyncadd.s32 $0xFFFFD800;
	s5 =	sadd.s32 $0x0, s22  }
0x6b: {  	[tilespmem:s30], [sflag:$0x4] =	stream.linear.gather [hbm4b:s5+s4], $0x50, $0x38;
	[tilespmem:$0x1E400] =	vst v63  }
0x6c: {  	s23 =	sadd.s32 $0x0, s23  }
0x6d: {  	[tilespmem:s25], [sflag:$0x4] =	stream.linear.gather [hbm4b:s23+s4], $0x50, $0x38;
	[tilespmem:$0x1E400] =	vst v63  }
0x6e: {  	_ =	swait.ge [sflag:s19], $0x2800  }
0x6f: {  	[sflag:s19] =	ssyncset.done $0x0  }
0x70: {  	[sflag:s19] =	ssyncadd.s32 $0xFFFFD800  }
0x71: {  	[spmem:s2] =	stream.indirect.scatter.add.f32 [tilespmem:s17], [sflag:$0x9], $0x80, s10, s29, $0xb8;
	[tilespmem:$0x1E400] =	vst v63  }
0x72: {  	_ =	swait.ge [sflag:s28], $0x50  }
0x73: {  	[sflag:s28] =	ssyncset.done $0x0  }
0x74: {  	[sflag:s28] =	ssyncadd.s32 $0xFFFFFFB0  }
0x75: {  	_ =	swait.ge [sflag:s28], $0x50  }
0x76: {  	[sflag:s28] =	ssyncset.done $0x0  }
0x77: {  	[sflag:s28] =	ssyncadd.s32 $0xFFFFFFB0  }
0x78: {  	[tilespmem:s7], [sflag:$0x2] =	stream.indirect.gather [hbm4b:s1+s29], $0x80, s4, s29, $0xb8;
	[tilespmem:$0x1E400] =	vst v63  }
0x79: {  	_ =	swait.ge [sflag:s20], $0x2800  }
0x7a: {  	s25 =	rddreg [dreg:$0x7];
	[sflag:s20] =	ssyncset.done $0x0  }
0x7b: {  	s7 =	rddreg [dreg:$0x6];
	[sflag:s20] =	ssyncadd.s32 $0xFFFFD800;
	s5 =	sadd.s32 $0x0, s25  }
0x7c: {  	[tilespmem:s8], [sflag:$0x7] =	stream.linear.gather [hbm4b:s5+s4], $0x50, $0x38;
	[tilespmem:$0x1E400] =	vst v63  }
0x7d: {  	s17 =	sadd.s32 $0x0, s7  }
0x7e: {  	[tilespmem:s10], [sflag:$0x7] =	stream.linear.gather [hbm4b:s17+s4], $0x50, $0x38;
	[tilespmem:$0x1E400] =	vst v63  }
0x7f: {  	_ =	swait.ge [sflag:s21], $0x2800  }
0x80: {  	[sflag:s21] =	ssyncset.done $0x0  }
0x81: {  	s22 =	simm.s32 $0x7B80;
	[sflag:s21] =	ssyncadd.s32 $0xFFFFD800  }
0x82: {  	[spmem:s2] =	stream.indirect.scatter.add.f32 [tilespmem:s11], [sflag:$0xC], $0x80, s22, s29, $0xb8;
	[tilespmem:$0x1E400] =	vst v63  }
0x83: {  	_ =	swait.ge [sflag:s3], $0x50  }
0x84: {  	[sflag:s3] =	ssyncset.done $0x0  }
0x85: {  	[sflag:s3] =	ssyncadd.s32 $0xFFFFFFB0  }
0x86: {  	_ =	swait.ge [sflag:s3], $0x50  }
0x87: {  	[sflag:s3] =	ssyncset.done $0x0  }
0x88: {  	[sflag:s3] =	ssyncadd.s32 $0xFFFFFFB0  }
0x89: {  	[tilespmem:s13], [sflag:$0x5] =	stream.indirect.gather [hbm4b:s1+s29], $0x80, s30, s29, $0xb8;
	[tilespmem:$0x1E400] =	vst v63  }
0x8a: {  	_ =	swait.ge [sflag:s9], $0x2800  }
0x8b: {  	s25 =	rddreg [dreg:$0x5];
	[sflag:s9] =	ssyncset.done $0x0  }
0x8c: {  	s30 =	rddreg [dreg:$0x4];
	[sflag:s9] =	ssyncadd.s32 $0xFFFFD800;
	s5 =	sadd.s32 $0x0, s25  }
0x8d: {  	[tilespmem:s31], [sflag:$0xA] =	stream.linear.gather [hbm4b:s5+s4], $0x50, $0x38;
	[tilespmem:$0x1E400] =	vst v63  }
0x8e: {  	s23 =	simm.s32 $0x7B80;
	s31 =	sadd.s32 $0x0, s30  }
0x8f: {  	[tilespmem:s23], [sflag:$0xA] =	stream.linear.gather [hbm4b:s31+s4], $0x50, $0x38;
	[tilespmem:$0x1E400] =	vst v63  }
0x90: {  	_ =	swait.ge [sflag:s0], $0x2800  }
0x91: {  	[sflag:s0] =	ssyncset.done $0x0  }
0x92: {  	s22 =	sadd.s32 $0x140, s6;
	s23 =	simm.s32 $0x28;
	[sflag:s0] =	ssyncadd.s32 $0xFFFFD800  }
.LBB2_2:
0x93: {  	s30 =	simm.s32 $0x80;
	s7 =	simm.s32 $0x100  }
0x94: {  	[spmem:s2] =	stream.indirect.scatter.add.f32 [tilespmem:s7], [sflag:$0x3], $0x80, s30, s29, $0xb8;
	[tilespmem:$0x1E400] =	vst v63  }
0x95: {  	_ =	swait.ge [sflag:s12], $0x50  }
0x96: {  	[sflag:s12] =	ssyncset.done $0x0  }
0x97: {  	[sflag:s12] =	ssyncadd.s32 $0xFFFFFFB0  }
0x98: {  	_ =	swait.ge [sflag:s12], $0x50  }
0x99: {  	[sflag:s12] =	ssyncset.done $0x0  }
0x9a: {  	s8 =	simm.s32 $0x5200;
	s17 =	simm.s32 $0x5300;
	[sflag:s12] =	ssyncadd.s32 $0xFFFFFFB0  }
0x9b: {  	[tilespmem:s17], [sflag:$0x8] =	stream.indirect.gather [hbm4b:s1+s29], $0x80, s8, s29, $0xb8;
	[tilespmem:$0x1E400] =	vst v63  }
0x9c: {  	_ =	swait.ge [sflag:s14], $0x2800  }
0x9d: {  	s6 =	sshrl.u32 s22, $0x3;
	[sflag:s14] =	ssyncset.done $0x0  }
0x9e: {  	s13 =	sadd.s32 s24, s6;
	[sflag:s14] =	ssyncadd.s32 $0xFFFFD800  }
0x9f: {  	[tilespmem:s4], [sflag:$0x1] =	stream.linear.gather [hbm4b:s13+s4], $0x50, $0x38;
	[tilespmem:$0x1E400] =	vst v63  }
0xa0: {  	s6 =	sadd.s32 s26, s6  }
0xa1: {  	[tilespmem:s30], [sflag:$0x1] =	stream.linear.gather [hbm4b:s6+s4], $0x50, $0x38;
	[tilespmem:$0x1E400] =	vst v63  }
0xa2: {  	_ =	swait.ge [sflag:s15], $0x2800  }
0xa3: {  	[sflag:s15] =	ssyncset.done $0x0  }
0xa4: {  	s0 =	simm.s32 $0x2980;
	s10 =	simm.s32 $0x2A00;
	[sflag:s15] =	ssyncadd.s32 $0xFFFFD800  }
0xa5: {  	[spmem:s2] =	stream.indirect.scatter.add.f32 [tilespmem:s10], [sflag:$0x6], $0x80, s0, s29, $0xb8;
	[tilespmem:$0x1E400] =	vst v63  }
0xa6: {  	_ =	swait.ge [sflag:s16], $0x50  }
0xa7: {  	[sflag:s16] =	ssyncset.done $0x0  }
0xa8: {  	[sflag:s16] =	ssyncadd.s32 $0xFFFFFFB0  }
0xa9: {  	_ =	swait.ge [sflag:s16], $0x50  }
0xaa: {  	[sflag:s16] =	ssyncset.done $0x0  }
0xab: {  	s11 =	simm.s32 $0x7C00;
	s13 =	simm.s32 $0x7B00;
	[sflag:s16] =	ssyncadd.s32 $0xFFFFFFB0  }
0xac: {  	[tilespmem:s11], [sflag:$0xB] =	stream.indirect.gather [hbm4b:s1+s29], $0x80, s13, s29, $0xb8;
	[tilespmem:$0x1E400] =	vst v63  }
0xad: {  	s5 =	smov.u32 s23;
	s25 =	smov.u32 s24;
	_ =	swait.ge [sflag:s18], $0x2800  }
0xae: {  	s30 =	simm.s32 $0x2900;
	s6 =	rddreg [dreg:$0x9];
	[sflag:s18] =	ssyncset.done $0x0  }
0xaf: {  	s24 =	rddreg [dreg:$0x8];
	[sflag:s18] =	ssyncadd.s32 $0xFFFFD800;
	s6 =	sadd.s32 s5, s6  }
0xb0: {  	[tilespmem:s30], [sflag:$0x4] =	stream.linear.gather [hbm4b:s6+s4], $0x50, $0x38;
	[tilespmem:$0x1E400] =	vst v63  }
0xb1: {  	s24 =	sadd.s32 s5, s24  }
0xb2: {  	[tilespmem:s0], [sflag:$0x4] =	stream.linear.gather [hbm4b:s24+s4], $0x50, $0x38;
	[tilespmem:$0x1E400] =	vst v63  }
0xb3: {  	_ =	swait.ge [sflag:s19], $0x2800  }
0xb4: {  	[sflag:s19] =	ssyncset.done $0x0  }
0xb5: {  	s0 =	simm.s32 $0x5280;
	[sflag:s19] =	ssyncadd.s32 $0xFFFFD800  }
0xb6: {  	[spmem:s2] =	stream.indirect.scatter.add.f32 [tilespmem:s17], [sflag:$0x9], $0x80, s0, s29, $0xb8;
	[tilespmem:$0x1E400] =	vst v63  }
0xb7: {  	_ =	swait.ge [sflag:s28], $0x50  }
0xb8: {  	[sflag:s28] =	ssyncset.done $0x0  }
0xb9: {  	[sflag:s28] =	ssyncadd.s32 $0xFFFFFFB0  }
0xba: {  	_ =	swait.ge [sflag:s28], $0x50  }
0xbb: {  	[sflag:s28] =	ssyncset.done $0x0  }
0xbc: {  	[sflag:s28] =	ssyncadd.s32 $0xFFFFFFB0  }
0xbd: {  	[tilespmem:s7], [sflag:$0x2] =	stream.indirect.gather [hbm4b:s1+s29], $0x80, s4, s29, $0xb8;
	[tilespmem:$0x1E400] =	vst v63  }
0xbe: {  	_ =	swait.ge [sflag:s20], $0x2800  }
0xbf: {  	s7 =	rddreg [dreg:$0x7];
	[sflag:s20] =	ssyncset.done $0x0  }
0xc0: {  	s17 =	rddreg [dreg:$0x6];
	[sflag:s20] =	ssyncadd.s32 $0xFFFFD800;
	s6 =	sadd.s32 s5, s7  }
0xc1: {  	[tilespmem:s8], [sflag:$0x7] =	stream.linear.gather [hbm4b:s6+s4], $0x50, $0x38;
	[tilespmem:$0x1E400] =	vst v63  }
0xc2: {  	s24 =	sadd.s32 s5, s17  }
0xc3: {  	[tilespmem:s0], [sflag:$0x7] =	stream.linear.gather [hbm4b:s24+s4], $0x50, $0x38;
	[tilespmem:$0x1E400] =	vst v63  }
0xc4: {  	_ =	swait.ge [sflag:s21], $0x2800  }
0xc5: {  	[sflag:s21] =	ssyncset.done $0x0  }
0xc6: {  	s17 =	simm.s32 $0x7B80;
	[sflag:s21] =	ssyncadd.s32 $0xFFFFD800  }
0xc7: {  	[spmem:s2] =	stream.indirect.scatter.add.f32 [tilespmem:s11], [sflag:$0xC], $0x80, s17, s29, $0xb8;
	[tilespmem:$0x1E400] =	vst v63  }
0xc8: {  	_ =	swait.ge [sflag:s3], $0x50  }
0xc9: {  	[sflag:s3] =	ssyncset.done $0x0  }
0xca: {  	[sflag:s3] =	ssyncadd.s32 $0xFFFFFFB0  }
0xcb: {  	_ =	swait.ge [sflag:s3], $0x50  }
0xcc: {  	[sflag:s3] =	ssyncset.done $0x0  }
0xcd: {  	[sflag:s3] =	ssyncadd.s32 $0xFFFFFFB0  }
0xce: {  	[tilespmem:s10], [sflag:$0x5] =	stream.indirect.gather [hbm4b:s1+s29], $0x80, s30, s29, $0xb8;
	[tilespmem:$0x1E400] =	vst v63  }
0xcf: {  	_ =	swait.ge [sflag:s9], $0x2800  }
0xd0: {  	s10 =	rddreg [dreg:$0x5];
	[sflag:s9] =	ssyncset.done $0x0  }
0xd1: {  	s11 =	rddreg [dreg:$0x4];
	[sflag:s9] =	ssyncadd.s32 $0xFFFFD800;
	s6 =	sadd.s32 s5, s10  }
0xd2: {  	[tilespmem:s13], [sflag:$0xA] =	stream.linear.gather [hbm4b:s6+s4], $0x50, $0x38;
	[tilespmem:$0x1E400] =	vst v63  }
0xd3: {  	p0 =	sne.s32 s23, $0x488;
	s5 =	sadd.s32 s5, s11  }
0xd4: {  	[tilespmem:s17], [sflag:$0xA] =	stream.linear.gather [hbm4b:s5+s4], $0x50, $0x38;
	[tilespmem:$0x1E400] =	vst v63  }
.Ltmp0:
0xd5: {  	s23 =	sadd.s32 $0x28, s23;
	(pc) =	sbr.rel @p0 .LBB2_2-.Ltmp0, $4  }
0xd6: {  	s31 =	simm.s32 $0x2980;
	s22 =	sadd.s32 $0x140, s22;
	s17 =	simm.s32 $0x2  }
0xd7: {  	s7 =	simm.s32 $0x5200;
	s8 =	simm.s32 $0x5280;
	_ =	swait.ge [sflag:s17], $0x2800  }
0xd8: {  	s0 =	simm.s32 $0x2A00;
	s24 =	smov.u32 s25;
	[sflag:s17] =	ssyncset.done $0x0  }
0xd9: {  	s25 =	simm.s32 $0x7B80;
	s10 =	simm.s32 $0x7B00;
	[sflag:s17] =	ssyncadd.s32 $0xFFFFD800  }
0xda: {  	s6 =	simm.s32 $0x80;
	s13 =	simm.s32 $0x100  }
0xdb: {  	[spmem:s2] =	stream.indirect.scatter.add.f32 [tilespmem:s13], [sflag:$0x3], $0x80, s6, s29, $0xb8;
	[tilespmem:$0x1E400] =	vst v63  }
0xdc: {  	_ =	swait.ge [sflag:s12], $0x50  }
0xdd: {  	[sflag:s12] =	ssyncset.done $0x0  }
0xde: {  	[sflag:s12] =	ssyncadd.s32 $0xFFFFFFB0  }
0xdf: {  	_ =	swait.ge [sflag:s12], $0x50  }
0xe0: {  	[sflag:s12] =	ssyncset.done $0x0  }
0xe1: {  	s17 =	simm.s32 $0x5300;
	[sflag:s12] =	ssyncadd.s32 $0xFFFFFFB0  }
0xe2: {  	[tilespmem:s17], [sflag:$0x8] =	stream.indirect.gather [hbm4b:s1+s29], $0x80, s7, s29, $0xb8;
	[tilespmem:$0x1E400] =	vst v63  }
0xe3: {  	_ =	swait.ge [sflag:s14], $0x2800  }
0xe4: {  	[sflag:s14] =	ssyncset.done $0x0  }
0xe5: {  	s5 =	rddreg [dreg:$0x15];
	[sflag:s14] =	ssyncadd.s32 $0xFFFFD800  }
0xe6: {  	[tilespmem:s4], [sflag:$0x1] =	stream.linear.gather [hbm4b:s5+s4], $0x50, $0x38;
	[tilespmem:$0x1E400] =	vst v63  }
0xe7: {  	s23 =	rddreg [dreg:$0x16]  }
0xe8: {  	[tilespmem:s6], [sflag:$0x1] =	stream.linear.gather [hbm4b:s23+s4], $0x50, $0x38;
	[tilespmem:$0x1E400] =	vst v63  }
0xe9: {  	_ =	swait.ge [sflag:s15], $0x2800  }
0xea: {  	[sflag:s15] =	ssyncset.done $0x0  }
0xeb: {  	[sflag:s15] =	ssyncadd.s32 $0xFFFFD800  }
0xec: {  	[spmem:s2] =	stream.indirect.scatter.add.f32 [tilespmem:s0], [sflag:$0x6], $0x80, s31, s29, $0xb8;
	[tilespmem:$0x1E400] =	vst v63  }
0xed: {  	_ =	swait.ge [sflag:s16], $0x50  }
0xee: {  	[sflag:s16] =	ssyncset.done $0x0  }
0xef: {  	[sflag:s16] =	ssyncadd.s32 $0xFFFFFFB0  }
0xf0: {  	_ =	swait.ge [sflag:s16], $0x50  }
0xf1: {  	[sflag:s16] =	ssyncset.done $0x0  }
0xf2: {  	s7 =	simm.s32 $0x7C00;
	[sflag:s16] =	ssyncadd.s32 $0xFFFFFFB0  }
0xf3: {  	[tilespmem:s7], [sflag:$0xB] =	stream.indirect.gather [hbm4b:s1+s29], $0x80, s10, s29, $0xb8;
	[tilespmem:$0x1E400] =	vst v63  }
0xf4: {  	_ =	swait.ge [sflag:s18], $0x2800  }
0xf5: {  	[sflag:s18] =	ssyncset.done $0x0  }
0xf6: {  	[sflag:s18] =	ssyncadd.s32 $0xFFFFD800  }
0xf7: {  	_ =	swait.ge [sflag:s19], $0x2800  }
0xf8: {  	[sflag:s19] =	ssyncset.done $0x0  }
0xf9: {  	[sflag:s19] =	ssyncadd.s32 $0xFFFFD800  }
0xfa: {  	[spmem:s2] =	stream.indirect.scatter.add.f32 [tilespmem:s17], [sflag:$0x9], $0x80, s8, s29, $0xb8;
	[tilespmem:$0x1E400] =	vst v63  }
0xfb: {  	_ =	swait.ge [sflag:s28], $0x50  }
0xfc: {  	[sflag:s28] =	ssyncset.done $0x0  }
0xfd: {  	[sflag:s28] =	ssyncadd.s32 $0xFFFFFFB0  }
0xfe: {  	_ =	swait.ge [sflag:s28], $0x50  }
0xff: {  	[sflag:s28] =	ssyncset.done $0x0  }
0x100: {  	[sflag:s28] =	ssyncadd.s32 $0xFFFFFFB0  }
0x101: {  	[tilespmem:s13], [sflag:$0x2] =	stream.indirect.gather [hbm4b:s1+s29], $0x80, s4, s29, $0xb8;
	[tilespmem:$0x1E400] =	vst v63  }
0x102: {  	_ =	swait.ge [sflag:s20], $0x2800  }
0x103: {  	[sflag:s20] =	ssyncset.done $0x0  }
0x104: {  	[sflag:s20] =	ssyncadd.s32 $0xFFFFD800  }
0x105: {  	_ =	swait.ge [sflag:s21], $0x2800  }
0x106: {  	[sflag:s21] =	ssyncset.done $0x0  }
0x107: {  	s11 =	simm.s32 $0x2;
	[sflag:s21] =	ssyncadd.s32 $0xFFFFD800  }
0x108: {  	[spmem:s2] =	stream.indirect.scatter.add.f32 [tilespmem:s7], [sflag:$0xC], $0x80, s25, s29, $0xb8;
	[tilespmem:$0x1E400] =	vst v63  }
0x109: {  	_ =	swait.ge [sflag:s11], $0x2800  }
0x10a: {  	[sflag:s11] =	ssyncset.done $0x0  }
0x10b: {  	[sflag:s11] =	ssyncadd.s32 $0xFFFFD800  }
0x10c: {  	[spmem:s2] =	stream.indirect.scatter.add.f32 [tilespmem:s13], [sflag:$0x3], $0x80, s6, s29, $0xb8;
	[tilespmem:$0x1E400] =	vst v63  }
0x10d: {  	_ =	swait.ge [sflag:s9], $0x2800  }
0x10e: {  	[sflag:s9] =	ssyncset.done $0x0  }
0x10f: {  	[sflag:s9] =	ssyncadd.s32 $0xFFFFD800  }
0x110: {  	_ =	swait.ge [sflag:s14], $0x2800  }
0x111: {  	[sflag:s14] =	ssyncset.done $0x0  }
0x112: {  	[sflag:s14] =	ssyncadd.s32 $0xFFFFD800  }
0x113: {  	[bflag:$0x0] =	sbarrier.arrive $0xFFFF  }
0x114: {  	s22 =	rddreg [dreg:$0xc]  }
0x115: {  	s17 =	rddreg [dreg:$0x17]  }
0x116: {  	s6 =	simm.s32 $0xD;
	s23 =	rddreg [dreg:$0x1b]  }
0x117: {  	[hbm:s17], [sflag:s22] =	dma.local [spmem:s23], $0x2800  }
0x118: {  	_ =	swait.ge [sflag:s6], $0x2800  }
0x119: {  	s25 =	rddreg [dreg:$0x1a]  }
0x11a: {  	s31 =	rddreg [dreg:$0x18];
	s0 =	sadd.s32 $0x1, s25  }
0x11b: {  	p0 =	sne.s32 s0, s31  }
.Ltmp1:
0x11c: {  	_ = 	snop;
	(pc) =	sbr.rel @p0 .LBB2_1-.Ltmp1, $3  }
0x11d: {  	_ =	sdelay $0x1  }
0x11e: {  	[sflag:s6] =	ssyncset.done $0x0  }
0x11f: {  	[sflag:s6] =	ssyncadd.s32 $0xFFFFD800  }
0x120: {  	_ =	sfence.sel $0x180000  }
0x121: {  	[bflag:$0x0] =	sbarrier.arrive $0xFFFF  }
0x122: {  	_ =	strace $0x9000004A  }
0x123: {  	s0 =	stileid.u32;
	[bflag:$0x2] =	sbarrier.arrive $0xFFFF  }
0x124: {  	p0 =	sne.s32 s0, $0x0;
	s0 =	rddreg [dreg:$0x3]  }
0x125: {  	s0 =	sadd.s32 @!p0 $0x100000, s0  }
0x126: {  	[sflag:s0] =	ssyncadd.tile.s32 @!p0 $0x1;
	_ =	shalt  }
.Lfunc_end2:
_tile_overlayer_lowered:
.L_overlay_start_2:
0x127: {  	(tag) =	ssettag $0x2  }
0x128: {  	s0 =	rddreg [dreg:$0x0];
	s2 =	stileid.u32  }
0x129: {  	s1 =	rddreg [dreg:$0x1];
	p0 =	sne.s32 s2, $0x0  }
0x12a: {  	s3 =	rddreg [dreg:$0x2];
	[bflag:$0x3] =	sbarrier.arrive $0xFFFF;
	s2 =	simm.s32 @!p0 $0x1C0D  }
0x12b: {  	[timem:s3], [sflag:s2] =	dma.local @!p0 [hbm:s0], s1  }
0x12c: {  	s0 =	simm.s32 @!p0 $0xD  }
0x12d: {  	_ =	swait.ge @!p0 [sflag:s0], s1  }
0x12e: {  	s1 =	ssub.s32 @!p0 $0x0, s1;
	[sflag:s0] =	ssyncset.done @!p0 $0x0  }
0x12f: {  	[sflag:s0] =	ssyncadd.s32 @!p0 s1  }
0x130: {  	[bflag:$0x3] =	sbarrier.arrive $0xFFFF  }
0x131: {  	_ =	shalt  }

</sc_bundles>
